<compile_context>
chip_gen: v7x
topology: tpu7x:2x2x1
jax: 0.10.2.dev20260603
libtpu: 0.0.44.dev20260713+nightly
codegen_flags: <defaults>
</compile_context>

<pallas_src>
import math

import jax
import jax.numpy as jnp
from jax import lax
from jax.experimental import pallas as pl
from jax.experimental.pallas import tpu as pltpu
from jax.experimental.pallas import tpu_sc as plsc

N = 10000
NP = 10240
D = 128
E = 320000
EPS = 1e-5

NC = 2
NS = 16
NW = NC * NS
CHUNK = 128
NCHUNKS = E // CHUNK
RPT = NP // NS
ZROWS = 128

_MESH = plsc.VectorSubcoreMesh(core_axis_name="c", subcore_axis_name="s")


def _nchunks_for(w):
    return (NCHUNKS - 1 - w) // NW + 1


def _deg_body(rows_hbm, zeros_hbm, out_hbm, idx_v, ones_v, zbuf_v,
              acc_sh, sem):
    c = lax.axis_index("c")
    s = lax.axis_index("s")
    w = s * NC + c
    pltpu.sync_copy(zeros_hbm, zbuf_v)
    pltpu.sync_copy(zbuf_v, acc_sh.at[pl.ds(s * RPT, RPT)])
    for i in range(CHUNK // 16):
        ones_v[pl.ds(i * 16, 16)] = jnp.ones((16,), jnp.float32)
    plsc.subcore_barrier()

    def body(k, carry):
        base = (w + k * NW) * CHUNK
        pltpu.sync_copy(rows_hbm.at[pl.ds(base, CHUNK)], idx_v)
        pltpu.sync_copy(ones_v, acc_sh.at[idx_v], add=True)
        return carry

    lax.fori_loop(0, _nchunks_for(w), body, 0)
    plsc.subcore_barrier()
    pltpu.sync_copy(acc_sh.at[pl.ds(s * RPT, RPT)], zbuf_v)
    pltpu.sync_copy(zbuf_v, out_hbm.at[pl.ds(c * NP + s * RPT, RPT)])


_deg_call = pl.kernel(
    _deg_body,
    out_type=jax.ShapeDtypeStruct((NC * NP,), jnp.float32),
    mesh=_MESH,
    scratch_types=[
        pltpu.VMEM((CHUNK,), jnp.int32),
        pltpu.VMEM((CHUNK,), jnp.float32),
        pltpu.VMEM((RPT,), jnp.float32),
        pltpu.VMEM_SHARED((NP,), jnp.float32),
        pltpu.SemaphoreType.DMA,
    ],
)


def _scat_body(y_hbm, eidx_hbm, zeros_hbm, out_hbm,
               idx_v, rows_v, zbuf_v, acc_sh, sem):
    c = lax.axis_index("c")
    s = lax.axis_index("s")
    w = s * NC + c
    pltpu.sync_copy(zeros_hbm, zbuf_v)
    for j in range(RPT // ZROWS):
        pltpu.sync_copy(zbuf_v, acc_sh.at[pl.ds(s * RPT + j * ZROWS, ZROWS)])
    plsc.subcore_barrier()

    def body(k, carry):
        g = w + k * NW
        pltpu.sync_copy(eidx_hbm.at[g], idx_v)
        pltpu.async_copy(y_hbm.at[idx_v.at[0]], rows_v, sem).wait()
        pltpu.sync_copy(rows_v, acc_sh.at[idx_v.at[1]], add=True)
        return carry

    lax.fori_loop(0, _nchunks_for(w), body, 0)
    plsc.subcore_barrier()
    for j in range(RPT // ZROWS):
        pltpu.sync_copy(acc_sh.at[pl.ds(s * RPT + j * ZROWS, ZROWS)], zbuf_v)
        pltpu.sync_copy(zbuf_v, out_hbm.at[c, pl.ds(s * RPT + j * ZROWS, ZROWS)])


_scat_call = pl.kernel(
    _scat_body,
    out_type=jax.ShapeDtypeStruct((NC, NP, D), jnp.float32),
    mesh=_MESH,
    scratch_types=[
        pltpu.VMEM((2, CHUNK), jnp.int32),
        pltpu.VMEM((CHUNK, D), jnp.float32),
        pltpu.VMEM((ZROWS, D), jnp.float32),
        pltpu.VMEM_SHARED((NP, D), jnp.float32),
        pltpu.SemaphoreType.DMA,
    ],
)



RB = 1000


def _tc_first_body(x_ref, w_ref, o_ref):
    o_ref[...] = jnp.dot(x_ref[...], w_ref[...],
                         preferred_element_type=jnp.float32)


def _tc_scale_body(x_ref, d_ref, o_ref):
    o_ref[...] = x_ref[...] * d_ref[...]


def _tc_mid_body(p_ref, y_ref, d_ref, s_ref, b_ref, w_ref, o_ref):
    t = (p_ref[0] + p_ref[1] + y_ref[...]) * d_ref[...]
    h = jnp.maximum(t * s_ref[...] + b_ref[...], 0.0)
    o_ref[...] = (
        jnp.dot(h, w_ref[...], preferred_element_type=jnp.float32) * d_ref[...]
    )


def _tc_final_body(p_ref, y_ref, d_ref, s_ref, b_ref, w_ref, fb_ref, o_ref):
    t = (p_ref[0] + p_ref[1] + y_ref[...]) * d_ref[...]
    h = jnp.maximum(t * s_ref[...] + b_ref[...], 0.0)
    o_ref[...] = (
        jnp.dot(h, w_ref[...], preferred_element_type=jnp.float32) + fb_ref[...]
    )


_spec_rows = pl.BlockSpec((RB, D), lambda i: (i, 0))
_spec_p = pl.BlockSpec((NC, RB, D), lambda i: (0, i, 0))
_spec_w = pl.BlockSpec((D, D), lambda i: (0, 0))
_spec_d = pl.BlockSpec((RB, 1), lambda i: (i, 0))
_spec_vec = pl.BlockSpec((1, D), lambda i: (0, 0))

_tc_first = pl.pallas_call(
    _tc_first_body,
    out_shape=jax.ShapeDtypeStruct((N, D), jnp.float32),
    grid=(N // RB,),
    in_specs=[_spec_rows, _spec_w],
    out_specs=_spec_rows,
)

_tc_scale = pl.pallas_call(
    _tc_scale_body,
    out_shape=jax.ShapeDtypeStruct((N, D), jnp.float32),
    grid=(N // RB,),
    in_specs=[_spec_rows, _spec_d],
    out_specs=_spec_rows,
)

_tc_mid = pl.pallas_call(
    _tc_mid_body,
    out_shape=jax.ShapeDtypeStruct((N, D), jnp.float32),
    grid=(N // RB,),
    in_specs=[_spec_p, _spec_rows, _spec_d, _spec_vec, _spec_vec, _spec_w],
    out_specs=_spec_rows,
)

_tc_final = pl.pallas_call(
    _tc_final_body,
    out_shape=jax.ShapeDtypeStruct((N, D), jnp.float32),
    grid=(N // RB,),
    in_specs=[_spec_p, _spec_rows, _spec_d, _spec_vec, _spec_vec, _spec_w,
              _spec_vec],
    out_specs=_spec_rows,
)


def kernel(x, edge_index, W1, g1, b1, W2, g2, b2, W3, g3, b3, fc_w, fc_b):
    row = edge_index[0].astype(jnp.int32)
    col = edge_index[1].astype(jnp.int32)

    zeros_d = jnp.zeros((ZROWS, D), jnp.float32)
    zeros_1 = jnp.zeros((RPT,), jnp.float32)


    inv = 1.0 / math.sqrt(1.0 + EPS)
    s1 = (g1 * inv).reshape(1, D)
    s2 = (g2 * inv).reshape(1, D)
    s3 = (g3 * inv).reshape(1, D)
    b1r = b1.reshape(1, D)
    b2r = b2.reshape(1, D)
    b3r = b3.reshape(1, D)

    eidx = jnp.stack([col.reshape(NCHUNKS, CHUNK),
                      row.reshape(NCHUNKS, CHUNK)], axis=1)
    xw1 = _tc_first(x, W1)
    degp = _deg_call(row, zeros_1)
    deg = 1.0 + degp[:N] + degp[NP:NP + N]
    dvec = lax.rsqrt(deg).reshape(N, 1)
    y1 = _tc_scale(xw1, dvec)
    p1 = _scat_call(y1, eidx, zeros_d)
    y2 = _tc_mid(p1, y1, dvec, s1, b1r, W2)
    p2 = _scat_call(y2, eidx, zeros_d)
    y3 = _tc_mid(p2, y2, dvec, s2, b2r, W3)
    p3 = _scat_call(y3, eidx, zeros_d)
    out = _tc_final(p3, y3, dvec, s3, b3r, fc_w.T, fc_b.reshape(1, D))
    return out

# --- scband reference (transcript-rebuilt; emitter-appended) ---
"""Pipeline reference for scband-gnnmodel-30365418783238 (READ-ONLY COPY).

The authoritative reference and input builder live on the scoring server;
editing this copy changes nothing except your own understanding.
"""

import jax, jax.numpy as jnp
import numpy as np

N_NODES = 10000
N_EDGES = 320000
D = 128
EPS = 1e-5


def setup_inputs(seed: int = 0) -> dict:
    key = jax.random.key(seed)
    ks = jax.random.split(key, 8)
    x = jax.random.normal(ks[0], (N_NODES, D), dtype=jnp.float32)
    edge_index = jax.random.randint(ks[1], (2, N_EDGES), 0, N_NODES, dtype=jnp.int64)
    def xavier(k, fan_in, fan_out):
        bound = float(np.sqrt(6.0 / (fan_in + fan_out)))
        return jax.random.uniform(k, (fan_in, fan_out), dtype=jnp.float32, minval=-bound, maxval=bound)
    W1 = xavier(ks[2], D, D)
    W2 = xavier(ks[3], D, D)
    W3 = xavier(ks[4], D, D)
    g1 = jnp.ones((D,), jnp.float32); b1 = jnp.zeros((D,), jnp.float32)
    g2 = jnp.ones((D,), jnp.float32); b2 = jnp.zeros((D,), jnp.float32)
    g3 = jnp.ones((D,), jnp.float32); b3 = jnp.zeros((D,), jnp.float32)
    bound_fc = float(np.sqrt(1.0 / D))
    fc_w = jax.random.uniform(ks[5], (D, D), dtype=jnp.float32, minval=-bound_fc, maxval=bound_fc)
    fc_b = jax.random.uniform(ks[6], (D,), dtype=jnp.float32, minval=-bound_fc, maxval=bound_fc)
    return {"x": x, "edge_index": edge_index, "W1": W1, "g1": g1, "b1": b1,
            "W2": W2, "g2": g2, "b2": b2, "W3": W3, "g3": g3, "b3": b3,
            "fc_w": fc_w, "fc_b": fc_b}


def _gcn_conv(x, W, row, col, n):
    deg = jnp.zeros((n,), x.dtype).at[row].add(jnp.ones_like(row, dtype=x.dtype))
    deg_inv_sqrt = jnp.where(deg > 0, deg ** -0.5, 0.0)
    norm = deg_inv_sqrt[row] * deg_inv_sqrt[col]
    xw = x @ W
    out = jnp.zeros_like(xw).at[row].add(xw[col] * norm[:, None])
    return out


def _bn_eval(x, g, b):
    # eval-mode BatchNorm1d: running_mean=0, running_var=1
    return (x - 0.0) / jnp.sqrt(1.0 + EPS) * g + b


def reference(x, edge_index, W1, g1, b1, W2, g2, b2, W3, g3, b3, fc_w, fc_b):
    n = x.shape[0]
    loop = jnp.arange(n, dtype=edge_index.dtype)
    row = jnp.concatenate([edge_index[0], loop])
    col = jnp.concatenate([edge_index[1], loop])
    h = _gcn_conv(x, W1, row, col, n)
    h = jax.nn.relu(_bn_eval(h, g1, b1))
    h = _gcn_conv(h, W2, row, col, n)
    h = jax.nn.relu(_bn_eval(h, g2, b2))
    h = _gcn_conv(h, W3, row, col, n)
    h = jax.nn.relu(_bn_eval(h, g3, b3))
    out = h @ fc_w.T + fc_b
    return out

if __name__ == "__main__":
    import jax
    _d = setup_inputs()
    print(jax.jit(kernel)(*tuple(_d.values())))

</pallas_src>

<mosaic_0001>
#map = affine_map<(d0, d1) -> (0, 0)>
#map1 = affine_map<(d0, d1) -> (0, 0, 0)>
module attributes {stable_mosaic.version = 14 : i64} {
  func.func @_scat_body(%arg0: i32, %arg1: i32, %arg2: memref<10000x128xf32, #tpu.memory_space<hbm>>, %arg3: memref<2500x2x128xi32, #tpu.memory_space<hbm>>, %arg4: memref<128x128xf32, #tpu.memory_space<hbm>>, %arg5: memref<2x10240x128xf32, #tpu.memory_space<hbm>>, %arg6: memref<2x128xi32, #tpu.memory_space<vmem>>, %arg7: memref<128x128xf32, #tpu.memory_space<vmem>>, %arg8: memref<128x128xf32, #tpu.memory_space<vmem>>, %arg9: memref<10240x128xf32, #tpu.memory_space<vmem_shared>>, %arg10: memref<!tpu.dma_semaphore, #tpu.memory_space<semaphore_mem>>) attributes {dimension_semantics = [#tpu.dimension_semantics<core_parallel>, #tpu.dimension_semantics<subcore_parallel>], iteration_bounds = array<i64: 2, 16>, scalar_prefetch = 0 : i64, scratch_operands = 5 : i64, tpu.core_type = #tpu.core_type<sc_vector_subcore>, window_params = [{transform_indices = #map}, {transform_indices = #map1}, {transform_indices = #map}, {transform_indices = #map1}]} {
    %mul3A = arith.constant 2 : i32
    %mul3A_0 = arith.muli %arg1, %mul3A : i32
    %add3A = arith.addi %mul3A_0, %arg0 : i32
    "tpu.region"() ({
      %run_scoped3A = tpu.sem_alloc : memref<!tpu.dma_semaphore, #tpu.memory_space<semaphore_mem>>
      tpu.enqueue_dma source(%arg4 : memref<128x128xf32, #tpu.memory_space<hbm>>) target(%arg8 : memref<128x128xf32, #tpu.memory_space<vmem>>) target_semaphore(%run_scoped3A : memref<!tpu.dma_semaphore, #tpu.memory_space<semaphore_mem>>)
      tpu.wait_dma2 semaphore(%run_scoped3A : memref<!tpu.dma_semaphore, #tpu.memory_space<semaphore_mem>>) src(%arg4 : memref<128x128xf32, #tpu.memory_space<hbm>>) dst(%arg8 : memref<128x128xf32, #tpu.memory_space<vmem>>)
      tpu.yield
    }) : () -> ()
    %mul3A_1 = arith.constant 640 : i32
    %mul3A_2 = arith.muli %arg1, %mul3A_1 : i32
    %add3A_3 = arith.constant 0 : i32
    %add3A_4 = arith.addi %mul3A_2, %add3A_3 : i32
    "tpu.region"() ({
      %run_scoped3A = tpu.sem_alloc : memref<!tpu.dma_semaphore, #tpu.memory_space<semaphore_mem>>
      %dma_start3A = arith.constant 0 : i32
      %dma_start3A_91 = tpu.memref_slice %arg9[%add3A_4, %dma_start3A] : memref<10240x128xf32, #tpu.memory_space<vmem_shared>> -> memref<128x128xf32, #tpu.memory_space<vmem_shared>>
      %dma_start3A_92 = arith.constant 0 : i32
      %dma_start3A_93 = tpu.memref_slice %arg9[%add3A_4, %dma_start3A_92] : memref<10240x128xf32, #tpu.memory_space<vmem_shared>> -> memref<128x128xf32, #tpu.memory_space<vmem_shared>>
      tpu.enqueue_dma source(%arg8 : memref<128x128xf32, #tpu.memory_space<vmem>>) target(%dma_start3A_93 : memref<128x128xf32, #tpu.memory_space<vmem_shared>>) target_semaphore(%run_scoped3A : memref<!tpu.dma_semaphore, #tpu.memory_space<semaphore_mem>>)
      %dma_wait3A = arith.constant 0 : i32
      %dma_wait3A_94 = tpu.memref_slice %arg9[%add3A_4, %dma_wait3A] : memref<10240x128xf32, #tpu.memory_space<vmem_shared>> -> memref<128x128xf32, #tpu.memory_space<vmem_shared>>
      %dma_wait3A_95 = arith.constant 0 : i32
      %dma_wait3A_96 = tpu.memref_slice %arg9[%add3A_4, %dma_wait3A_95] : memref<10240x128xf32, #tpu.memory_space<vmem_shared>> -> memref<128x128xf32, #tpu.memory_space<vmem_shared>>
      tpu.wait_dma2 semaphore(%run_scoped3A : memref<!tpu.dma_semaphore, #tpu.memory_space<semaphore_mem>>) src(%arg8 : memref<128x128xf32, #tpu.memory_space<vmem>>) dst(%dma_wait3A_96 : memref<128x128xf32, #tpu.memory_space<vmem_shared>>)
      tpu.yield
    }) : () -> ()
    %mul3A_5 = arith.constant 640 : i32
    %mul3A_6 = arith.muli %arg1, %mul3A_5 : i32
    %add3A_7 = arith.constant 128 : i32
    %add3A_8 = arith.addi %mul3A_6, %add3A_7 : i32
    "tpu.region"() ({
      %run_scoped3A = tpu.sem_alloc : memref<!tpu.dma_semaphore, #tpu.memory_space<semaphore_mem>>
      %dma_start3A = arith.constant 0 : i32
      %dma_start3A_91 = tpu.memref_slice %arg9[%add3A_8, %dma_start3A] : memref<10240x128xf32, #tpu.memory_space<vmem_shared>> -> memref<128x128xf32, #tpu.memory_space<vmem_shared>>
      %dma_start3A_92 = arith.constant 0 : i32
      %dma_start3A_93 = tpu.memref_slice %arg9[%add3A_8, %dma_start3A_92] : memref<10240x128xf32, #tpu.memory_space<vmem_shared>> -> memref<128x128xf32, #tpu.memory_space<vmem_shared>>
      tpu.enqueue_dma source(%arg8 : memref<128x128xf32, #tpu.memory_space<vmem>>) target(%dma_start3A_93 : memref<128x128xf32, #tpu.memory_space<vmem_shared>>) target_semaphore(%run_scoped3A : memref<!tpu.dma_semaphore, #tpu.memory_space<semaphore_mem>>)
      %dma_wait3A = arith.constant 0 : i32
      %dma_wait3A_94 = tpu.memref_slice %arg9[%add3A_8, %dma_wait3A] : memref<10240x128xf32, #tpu.memory_space<vmem_shared>> -> memref<128x128xf32, #tpu.memory_space<vmem_shared>>
      %dma_wait3A_95 = arith.constant 0 : i32
      %dma_wait3A_96 = tpu.memref_slice %arg9[%add3A_8, %dma_wait3A_95] : memref<10240x128xf32, #tpu.memory_space<vmem_shared>> -> memref<128x128xf32, #tpu.memory_space<vmem_shared>>
      tpu.wait_dma2 semaphore(%run_scoped3A : memref<!tpu.dma_semaphore, #tpu.memory_space<semaphore_mem>>) src(%arg8 : memref<128x128xf32, #tpu.memory_space<vmem>>) dst(%dma_wait3A_96 : memref<128x128xf32, #tpu.memory_space<vmem_shared>>)
      tpu.yield
    }) : () -> ()
    %mul3A_9 = arith.constant 640 : i32
    %mul3A_10 = arith.muli %arg1, %mul3A_9 : i32
    %add3A_11 = arith.constant 256 : i32
    %add3A_12 = arith.addi %mul3A_10, %add3A_11 : i32
    "tpu.region"() ({
      %run_scoped3A = tpu.sem_alloc : memref<!tpu.dma_semaphore, #tpu.memory_space<semaphore_mem>>
      %dma_start3A = arith.constant 0 : i32
      %dma_start3A_91 = tpu.memref_slice %arg9[%add3A_12, %dma_start3A] : memref<10240x128xf32, #tpu.memory_space<vmem_shared>> -> memref<128x128xf32, #tpu.memory_space<vmem_shared>>
      %dma_start3A_92 = arith.constant 0 : i32
      %dma_start3A_93 = tpu.memref_slice %arg9[%add3A_12, %dma_start3A_92] : memref<10240x128xf32, #tpu.memory_space<vmem_shared>> -> memref<128x128xf32, #tpu.memory_space<vmem_shared>>
      tpu.enqueue_dma source(%arg8 : memref<128x128xf32, #tpu.memory_space<vmem>>) target(%dma_start3A_93 : memref<128x128xf32, #tpu.memory_space<vmem_shared>>) target_semaphore(%run_scoped3A : memref<!tpu.dma_semaphore, #tpu.memory_space<semaphore_mem>>)
      %dma_wait3A = arith.constant 0 : i32
      %dma_wait3A_94 = tpu.memref_slice %arg9[%add3A_12, %dma_wait3A] : memref<10240x128xf32, #tpu.memory_space<vmem_shared>> -> memref<128x128xf32, #tpu.memory_space<vmem_shared>>
      %dma_wait3A_95 = arith.constant 0 : i32
      %dma_wait3A_96 = tpu.memref_slice %arg9[%add3A_12, %dma_wait3A_95] : memref<10240x128xf32, #tpu.memory_space<vmem_shared>> -> memref<128x128xf32, #tpu.memory_space<vmem_shared>>
      tpu.wait_dma2 semaphore(%run_scoped3A : memref<!tpu.dma_semaphore, #tpu.memory_space<semaphore_mem>>) src(%arg8 : memref<128x128xf32, #tpu.memory_space<vmem>>) dst(%dma_wait3A_96 : memref<128x128xf32, #tpu.memory_space<vmem_shared>>)
      tpu.yield
    }) : () -> ()
    %mul3A_13 = arith.constant 640 : i32
    %mul3A_14 = arith.muli %arg1, %mul3A_13 : i32
    %add3A_15 = arith.constant 384 : i32
    %add3A_16 = arith.addi %mul3A_14, %add3A_15 : i32
    "tpu.region"() ({
      %run_scoped3A = tpu.sem_alloc : memref<!tpu.dma_semaphore, #tpu.memory_space<semaphore_mem>>
      %dma_start3A = arith.constant 0 : i32
      %dma_start3A_91 = tpu.memref_slice %arg9[%add3A_16, %dma_start3A] : memref<10240x128xf32, #tpu.memory_space<vmem_shared>> -> memref<128x128xf32, #tpu.memory_space<vmem_shared>>
      %dma_start3A_92 = arith.constant 0 : i32
      %dma_start3A_93 = tpu.memref_slice %arg9[%add3A_16, %dma_start3A_92] : memref<10240x128xf32, #tpu.memory_space<vmem_shared>> -> memref<128x128xf32, #tpu.memory_space<vmem_shared>>
      tpu.enqueue_dma source(%arg8 : memref<128x128xf32, #tpu.memory_space<vmem>>) target(%dma_start3A_93 : memref<128x128xf32, #tpu.memory_space<vmem_shared>>) target_semaphore(%run_scoped3A : memref<!tpu.dma_semaphore, #tpu.memory_space<semaphore_mem>>)
      %dma_wait3A = arith.constant 0 : i32
      %dma_wait3A_94 = tpu.memref_slice %arg9[%add3A_16, %dma_wait3A] : memref<10240x128xf32, #tpu.memory_space<vmem_shared>> -> memref<128x128xf32, #tpu.memory_space<vmem_shared>>
      %dma_wait3A_95 = arith.constant 0 : i32
      %dma_wait3A_96 = tpu.memref_slice %arg9[%add3A_16, %dma_wait3A_95] : memref<10240x128xf32, #tpu.memory_space<vmem_shared>> -> memref<128x128xf32, #tpu.memory_space<vmem_shared>>
      tpu.wait_dma2 semaphore(%run_scoped3A : memref<!tpu.dma_semaphore, #tpu.memory_space<semaphore_mem>>) src(%arg8 : memref<128x128xf32, #tpu.memory_space<vmem>>) dst(%dma_wait3A_96 : memref<128x128xf32, #tpu.memory_space<vmem_shared>>)
      tpu.yield
    }) : () -> ()
    %mul3A_17 = arith.constant 640 : i32
    %mul3A_18 = arith.muli %arg1, %mul3A_17 : i32
    %add3A_19 = arith.constant 512 : i32
    %add3A_20 = arith.addi %mul3A_18, %add3A_19 : i32
    "tpu.region"() ({
      %run_scoped3A = tpu.sem_alloc : memref<!tpu.dma_semaphore, #tpu.memory_space<semaphore_mem>>
      %dma_start3A = arith.constant 0 : i32
      %dma_start3A_91 = tpu.memref_slice %arg9[%add3A_20, %dma_start3A] : memref<10240x128xf32, #tpu.memory_space<vmem_shared>> -> memref<128x128xf32, #tpu.memory_space<vmem_shared>>
      %dma_start3A_92 = arith.constant 0 : i32
      %dma_start3A_93 = tpu.memref_slice %arg9[%add3A_20, %dma_start3A_92] : memref<10240x128xf32, #tpu.memory_space<vmem_shared>> -> memref<128x128xf32, #tpu.memory_space<vmem_shared>>
      tpu.enqueue_dma source(%arg8 : memref<128x128xf32, #tpu.memory_space<vmem>>) target(%dma_start3A_93 : memref<128x128xf32, #tpu.memory_space<vmem_shared>>) target_semaphore(%run_scoped3A : memref<!tpu.dma_semaphore, #tpu.memory_space<semaphore_mem>>)
      %dma_wait3A = arith.constant 0 : i32
      %dma_wait3A_94 = tpu.memref_slice %arg9[%add3A_20, %dma_wait3A] : memref<10240x128xf32, #tpu.memory_space<vmem_shared>> -> memref<128x128xf32, #tpu.memory_space<vmem_shared>>
      %dma_wait3A_95 = arith.constant 0 : i32
      %dma_wait3A_96 = tpu.memref_slice %arg9[%add3A_20, %dma_wait3A_95] : memref<10240x128xf32, #tpu.memory_space<vmem_shared>> -> memref<128x128xf32, #tpu.memory_space<vmem_shared>>
      tpu.wait_dma2 semaphore(%run_scoped3A : memref<!tpu.dma_semaphore, #tpu.memory_space<semaphore_mem>>) src(%arg8 : memref<128x128xf32, #tpu.memory_space<vmem>>) dst(%dma_wait3A_96 : memref<128x128xf32, #tpu.memory_space<vmem_shared>>)
      tpu.yield
    }) : () -> ()
    %barrier3A = arith.constant 0 : index
    tpu.barrier barrier_id(%barrier3A)
    %sub3A = arith.constant 2499 : i32
    %sub3A_21 = arith.subi %sub3A, %add3A : i32
    %jit3A = arith.constant 32 : i32
    %div3A = arith.divsi %sub3A_21, %jit3A : i32
    %sign3A = arith.constant 0 : i32
    %sign3A_22 = arith.cmpi sgt, %sub3A_21, %sign3A : i32
    %sign3A_23 = arith.extui %sign3A_22 : i1 to i32
    %sign3A_24 = arith.constant 0 : i32
    %sign3A_25 = arith.cmpi slt, %sub3A_21, %sign3A_24 : i32
    %sign3A_26 = arith.extui %sign3A_25 : i1 to i32
    %sign3A_27 = arith.subi %sign3A_23, %sign3A_26 : i32
    %sign3A_28 = arith.constant 0 : i32
    %sign3A_29 = arith.cmpi sgt, %jit3A, %sign3A_28 : i32
    %sign3A_30 = arith.extui %sign3A_29 : i1 to i32
    %sign3A_31 = arith.constant 0 : i32
    %sign3A_32 = arith.cmpi slt, %jit3A, %sign3A_31 : i32
    %sign3A_33 = arith.extui %sign3A_32 : i1 to i32
    %sign3A_34 = arith.subi %sign3A_30, %sign3A_33 : i32
    %ne3A = arith.cmpi ne, %sign3A_27, %sign3A_34 : i32
    %rem3A = arith.remsi %sub3A_21, %jit3A : i32
    %ne3A_35 = arith.constant 0 : i32
    %ne3A_36 = arith.cmpi ne, %rem3A, %ne3A_35 : i32
    %and3A = arith.andi %ne3A, %ne3A_36 : i1
    %sub3A_37 = arith.constant 1 : i32
    %sub3A_38 = arith.subi %div3A, %sub3A_37 : i32
    %select_n3A = arith.select %and3A, %sub3A_38, %div3A : i32
    %add3A_39 = arith.constant 1 : i32
    %add3A_40 = arith.addi %select_n3A, %add3A_39 : i32
    %while3A = arith.constant 0 : i32
    %while3A_41 = arith.constant 0 : i32
    %while3A_42 = arith.subi %add3A_40, %while3A_41 : i32
    %while3A_43 = arith.addi %while3A_41, %while3A_42 : i32
    %while3A_44 = arith.constant 1 : i32
    %while3A_45 = arith.divsi %while3A_42, %while3A_44 : i32
    %while3A_46 = arith.muli %while3A_45, %while3A_44 : i32
    %while3A_47 = arith.addi %while3A_41, %while3A_46 : i32
    %while3A_48 = arith.constant 1 : i32
    scf.for %while3A_91 = %while3A_41 to %while3A_47 step %while3A_48  : i32 {
      %mul3A_92 = arith.constant 32 : i32
      %mul3A_93 = arith.muli %while3A_91, %mul3A_92 : i32
      %add3A_94 = arith.addi %add3A, %mul3A_93 : i32
      "tpu.region"() ({
        %run_scoped3A_107 = tpu.sem_alloc : memref<!tpu.dma_semaphore, #tpu.memory_space<semaphore_mem>>
        %dma_start3A_108 = arith.constant 0 : i32
        %dma_start3A_109 = arith.constant 0 : i32
        %dma_start3A_110 = tpu.memref_slice %arg3[%add3A_94, %dma_start3A_108, %dma_start3A_109] : memref<2500x2x128xi32, #tpu.memory_space<hbm>> -> memref<1x2x128xi32, #tpu.memory_space<hbm>>
        %dma_start3A_111 = tpu.memref_squeeze %dma_start3A_110 : memref<1x2x128xi32, #tpu.memory_space<hbm>> -> memref<2x128xi32, #tpu.memory_space<hbm>>
        %dma_start3A_112 = arith.constant 0 : i32
        %dma_start3A_113 = arith.constant 0 : i32
        %dma_start3A_114 = tpu.memref_slice %arg3[%add3A_94, %dma_start3A_112, %dma_start3A_113] : memref<2500x2x128xi32, #tpu.memory_space<hbm>> -> memref<1x2x128xi32, #tpu.memory_space<hbm>>
        %dma_start3A_115 = tpu.memref_squeeze %dma_start3A_114 : memref<1x2x128xi32, #tpu.memory_space<hbm>> -> memref<2x128xi32, #tpu.memory_space<hbm>>
        tpu.enqueue_dma source(%dma_start3A_115 : memref<2x128xi32, #tpu.memory_space<hbm>>) target(%arg6 : memref<2x128xi32, #tpu.memory_space<vmem>>) target_semaphore(%run_scoped3A_107 : memref<!tpu.dma_semaphore, #tpu.memory_space<semaphore_mem>>)
        %dma_wait3A_116 = arith.constant 0 : i32
        %dma_wait3A_117 = arith.constant 0 : i32
        %dma_wait3A_118 = tpu.memref_slice %arg3[%add3A_94, %dma_wait3A_116, %dma_wait3A_117] : memref<2500x2x128xi32, #tpu.memory_space<hbm>> -> memref<1x2x128xi32, #tpu.memory_space<hbm>>
        %dma_wait3A_119 = tpu.memref_squeeze %dma_wait3A_118 : memref<1x2x128xi32, #tpu.memory_space<hbm>> -> memref<2x128xi32, #tpu.memory_space<hbm>>
        %dma_wait3A_120 = arith.constant 0 : i32
        %dma_wait3A_121 = arith.constant 0 : i32
        %dma_wait3A_122 = tpu.memref_slice %arg3[%add3A_94, %dma_wait3A_120, %dma_wait3A_121] : memref<2500x2x128xi32, #tpu.memory_space<hbm>> -> memref<1x2x128xi32, #tpu.memory_space<hbm>>
        %dma_wait3A_123 = tpu.memref_squeeze %dma_wait3A_122 : memref<1x2x128xi32, #tpu.memory_space<hbm>> -> memref<2x128xi32, #tpu.memory_space<hbm>>
        tpu.wait_dma2 semaphore(%run_scoped3A_107 : memref<!tpu.dma_semaphore, #tpu.memory_space<semaphore_mem>>) src(%dma_wait3A_123 : memref<2x128xi32, #tpu.memory_space<hbm>>) dst(%arg6 : memref<2x128xi32, #tpu.memory_space<vmem>>)
        tpu.yield
      }) : () -> ()
      %dma_start3A = arith.constant 0 : i32
      %dma_start3A_95 = arith.constant 0 : i32
      %dma_start3A_96 = tpu.memref_slice %arg6[%dma_start3A, %dma_start3A_95] : memref<2x128xi32, #tpu.memory_space<vmem>> -> memref<1x128xi32, #tpu.memory_space<vmem>>
      %dma_start3A_97 = tpu.memref_squeeze %dma_start3A_96 : memref<1x128xi32, #tpu.memory_space<vmem>> -> memref<128xi32, #tpu.memory_space<vmem>>
      %dma_start3A_98 = arith.constant 0 : i32
      %dma_start3A_99 = arith.constant 0 : i32
      %dma_start3A_100 = tpu.memref_slice %arg2[%dma_start3A_98, %dma_start3A_99] : memref<10000x128xf32, #tpu.memory_space<hbm>> -> memref<10000x128xf32, #tpu.memory_space<hbm>>
      tpu.enqueue_indirect_dma source(%dma_start3A_100 : memref<10000x128xf32, #tpu.memory_space<hbm>>) target(%arg7 : memref<128x128xf32, #tpu.memory_space<vmem>>) offsets(%dma_start3A_97 : memref<128xi32, #tpu.memory_space<vmem>>) semaphore(%arg10 : memref<!tpu.dma_semaphore, #tpu.memory_space<semaphore_mem>>)
      %dma_wait3A = arith.constant 0 : i32
      %dma_wait3A_101 = arith.constant 0 : i32
      %dma_wait3A_102 = tpu.memref_slice %arg6[%dma_wait3A, %dma_wait3A_101] : memref<2x128xi32, #tpu.memory_space<vmem>> -> memref<1x128xi32, #tpu.memory_space<vmem>>
      %dma_wait3A_103 = tpu.memref_squeeze %dma_wait3A_102 : memref<1x128xi32, #tpu.memory_space<vmem>> -> memref<128xi32, #tpu.memory_space<vmem>>
      %dma_wait3A_104 = arith.constant 0 : i32
      %dma_wait3A_105 = arith.constant 0 : i32
      %dma_wait3A_106 = tpu.memref_slice %arg2[%dma_wait3A_104, %dma_wait3A_105] : memref<10000x128xf32, #tpu.memory_space<hbm>> -> memref<10000x128xf32, #tpu.memory_space<hbm>>
      tpu.wait_indirect_dma semaphore(%arg10 : memref<!tpu.dma_semaphore, #tpu.memory_space<semaphore_mem>>) src(%dma_wait3A_106 : memref<10000x128xf32, #tpu.memory_space<hbm>>) dst(%arg7 : memref<128x128xf32, #tpu.memory_space<vmem>>)
      %run_scoped3A = arith.constant 1 : i32
      "tpu.region"() ({
        %run_scoped3A_107 = tpu.sem_alloc : memref<!tpu.dma_semaphore, #tpu.memory_space<semaphore_mem>>
        %dma_start3A_108 = arith.constant 0 : i32
        %dma_start3A_109 = tpu.memref_slice %arg6[%run_scoped3A, %dma_start3A_108] : memref<2x128xi32, #tpu.memory_space<vmem>> -> memref<1x128xi32, #tpu.memory_space<vmem>>
        %dma_start3A_110 = tpu.memref_squeeze %dma_start3A_109 : memref<1x128xi32, #tpu.memory_space<vmem>> -> memref<128xi32, #tpu.memory_space<vmem>>
        %dma_start3A_111 = arith.constant 0 : i32
        %dma_start3A_112 = arith.constant 0 : i32
        %dma_start3A_113 = tpu.memref_slice %arg9[%dma_start3A_111, %dma_start3A_112] : memref<10240x128xf32, #tpu.memory_space<vmem_shared>> -> memref<10240x128xf32, #tpu.memory_space<vmem_shared>>
        tpu.enqueue_indirect_dma source(%arg7 : memref<128x128xf32, #tpu.memory_space<vmem>>) target(%dma_start3A_113 : memref<10240x128xf32, #tpu.memory_space<vmem_shared>>) offsets(%dma_start3A_110 : memref<128xi32, #tpu.memory_space<vmem>>) semaphore(%run_scoped3A_107 : memref<!tpu.dma_semaphore, #tpu.memory_space<semaphore_mem>>) {add = true}
        %dma_wait3A_114 = arith.constant 0 : i32
        %dma_wait3A_115 = tpu.memref_slice %arg6[%run_scoped3A, %dma_wait3A_114] : memref<2x128xi32, #tpu.memory_space<vmem>> -> memref<1x128xi32, #tpu.memory_space<vmem>>
        %dma_wait3A_116 = tpu.memref_squeeze %dma_wait3A_115 : memref<1x128xi32, #tpu.memory_space<vmem>> -> memref<128xi32, #tpu.memory_space<vmem>>
        %dma_wait3A_117 = arith.constant 0 : i32
        %dma_wait3A_118 = arith.constant 0 : i32
        %dma_wait3A_119 = tpu.memref_slice %arg9[%dma_wait3A_117, %dma_wait3A_118] : memref<10240x128xf32, #tpu.memory_space<vmem_shared>> -> memref<10240x128xf32, #tpu.memory_space<vmem_shared>>
        tpu.wait_indirect_dma semaphore(%run_scoped3A_107 : memref<!tpu.dma_semaphore, #tpu.memory_space<semaphore_mem>>) src(%arg7 : memref<128x128xf32, #tpu.memory_space<vmem>>) dst(%dma_wait3A_119 : memref<10240x128xf32, #tpu.memory_space<vmem_shared>>)
        tpu.yield
      }) : () -> ()
    }
    %while3A_49 = arith.constant 1 : i32
    scf.for %while3A_91 = %while3A_47 to %while3A_43 step %while3A_49  : i32 {
      %mul3A_92 = arith.constant 32 : i32
      %mul3A_93 = arith.muli %while3A_91, %mul3A_92 : i32
      %add3A_94 = arith.addi %add3A, %mul3A_93 : i32
      "tpu.region"() ({
        %run_scoped3A_107 = tpu.sem_alloc : memref<!tpu.dma_semaphore, #tpu.memory_space<semaphore_mem>>
        %dma_start3A_108 = arith.constant 0 : i32
        %dma_start3A_109 = arith.constant 0 : i32
        %dma_start3A_110 = tpu.memref_slice %arg3[%add3A_94, %dma_start3A_108, %dma_start3A_109] : memref<2500x2x128xi32, #tpu.memory_space<hbm>> -> memref<1x2x128xi32, #tpu.memory_space<hbm>>
        %dma_start3A_111 = tpu.memref_squeeze %dma_start3A_110 : memref<1x2x128xi32, #tpu.memory_space<hbm>> -> memref<2x128xi32, #tpu.memory_space<hbm>>
        %dma_start3A_112 = arith.constant 0 : i32
        %dma_start3A_113 = arith.constant 0 : i32
        %dma_start3A_114 = tpu.memref_slice %arg3[%add3A_94, %dma_start3A_112, %dma_start3A_113] : memref<2500x2x128xi32, #tpu.memory_space<hbm>> -> memref<1x2x128xi32, #tpu.memory_space<hbm>>
        %dma_start3A_115 = tpu.memref_squeeze %dma_start3A_114 : memref<1x2x128xi32, #tpu.memory_space<hbm>> -> memref<2x128xi32, #tpu.memory_space<hbm>>
        tpu.enqueue_dma source(%dma_start3A_115 : memref<2x128xi32, #tpu.memory_space<hbm>>) target(%arg6 : memref<2x128xi32, #tpu.memory_space<vmem>>) target_semaphore(%run_scoped3A_107 : memref<!tpu.dma_semaphore, #tpu.memory_space<semaphore_mem>>)
        %dma_wait3A_116 = arith.constant 0 : i32
        %dma_wait3A_117 = arith.constant 0 : i32
        %dma_wait3A_118 = tpu.memref_slice %arg3[%add3A_94, %dma_wait3A_116, %dma_wait3A_117] : memref<2500x2x128xi32, #tpu.memory_space<hbm>> -> memref<1x2x128xi32, #tpu.memory_space<hbm>>
        %dma_wait3A_119 = tpu.memref_squeeze %dma_wait3A_118 : memref<1x2x128xi32, #tpu.memory_space<hbm>> -> memref<2x128xi32, #tpu.memory_space<hbm>>
        %dma_wait3A_120 = arith.constant 0 : i32
        %dma_wait3A_121 = arith.constant 0 : i32
        %dma_wait3A_122 = tpu.memref_slice %arg3[%add3A_94, %dma_wait3A_120, %dma_wait3A_121] : memref<2500x2x128xi32, #tpu.memory_space<hbm>> -> memref<1x2x128xi32, #tpu.memory_space<hbm>>
        %dma_wait3A_123 = tpu.memref_squeeze %dma_wait3A_122 : memref<1x2x128xi32, #tpu.memory_space<hbm>> -> memref<2x128xi32, #tpu.memory_space<hbm>>
        tpu.wait_dma2 semaphore(%run_scoped3A_107 : memref<!tpu.dma_semaphore, #tpu.memory_space<semaphore_mem>>) src(%dma_wait3A_123 : memref<2x128xi32, #tpu.memory_space<hbm>>) dst(%arg6 : memref<2x128xi32, #tpu.memory_space<vmem>>)
        tpu.yield
      }) : () -> ()
      %dma_start3A = arith.constant 0 : i32
      %dma_start3A_95 = arith.constant 0 : i32
      %dma_start3A_96 = tpu.memref_slice %arg6[%dma_start3A, %dma_start3A_95] : memref<2x128xi32, #tpu.memory_space<vmem>> -> memref<1x128xi32, #tpu.memory_space<vmem>>
      %dma_start3A_97 = tpu.memref_squeeze %dma_start3A_96 : memref<1x128xi32, #tpu.memory_space<vmem>> -> memref<128xi32, #tpu.memory_space<vmem>>
      %dma_start3A_98 = arith.constant 0 : i32
      %dma_start3A_99 = arith.constant 0 : i32
      %dma_start3A_100 = tpu.memref_slice %arg2[%dma_start3A_98, %dma_start3A_99] : memref<10000x128xf32, #tpu.memory_space<hbm>> -> memref<10000x128xf32, #tpu.memory_space<hbm>>
      tpu.enqueue_indirect_dma source(%dma_start3A_100 : memref<10000x128xf32, #tpu.memory_space<hbm>>) target(%arg7 : memref<128x128xf32, #tpu.memory_space<vmem>>) offsets(%dma_start3A_97 : memref<128xi32, #tpu.memory_space<vmem>>) semaphore(%arg10 : memref<!tpu.dma_semaphore, #tpu.memory_space<semaphore_mem>>)
      %dma_wait3A = arith.constant 0 : i32
      %dma_wait3A_101 = arith.constant 0 : i32
      %dma_wait3A_102 = tpu.memref_slice %arg6[%dma_wait3A, %dma_wait3A_101] : memref<2x128xi32, #tpu.memory_space<vmem>> -> memref<1x128xi32, #tpu.memory_space<vmem>>
      %dma_wait3A_103 = tpu.memref_squeeze %dma_wait3A_102 : memref<1x128xi32, #tpu.memory_space<vmem>> -> memref<128xi32, #tpu.memory_space<vmem>>
      %dma_wait3A_104 = arith.constant 0 : i32
      %dma_wait3A_105 = arith.constant 0 : i32
      %dma_wait3A_106 = tpu.memref_slice %arg2[%dma_wait3A_104, %dma_wait3A_105] : memref<10000x128xf32, #tpu.memory_space<hbm>> -> memref<10000x128xf32, #tpu.memory_space<hbm>>
      tpu.wait_indirect_dma semaphore(%arg10 : memref<!tpu.dma_semaphore, #tpu.memory_space<semaphore_mem>>) src(%dma_wait3A_106 : memref<10000x128xf32, #tpu.memory_space<hbm>>) dst(%arg7 : memref<128x128xf32, #tpu.memory_space<vmem>>)
      %run_scoped3A = arith.constant 1 : i32
      "tpu.region"() ({
        %run_scoped3A_107 = tpu.sem_alloc : memref<!tpu.dma_semaphore, #tpu.memory_space<semaphore_mem>>
        %dma_start3A_108 = arith.constant 0 : i32
        %dma_start3A_109 = tpu.memref_slice %arg6[%run_scoped3A, %dma_start3A_108] : memref<2x128xi32, #tpu.memory_space<vmem>> -> memref<1x128xi32, #tpu.memory_space<vmem>>
        %dma_start3A_110 = tpu.memref_squeeze %dma_start3A_109 : memref<1x128xi32, #tpu.memory_space<vmem>> -> memref<128xi32, #tpu.memory_space<vmem>>
        %dma_start3A_111 = arith.constant 0 : i32
        %dma_start3A_112 = arith.constant 0 : i32
        %dma_start3A_113 = tpu.memref_slice %arg9[%dma_start3A_111, %dma_start3A_112] : memref<10240x128xf32, #tpu.memory_space<vmem_shared>> -> memref<10240x128xf32, #tpu.memory_space<vmem_shared>>
        tpu.enqueue_indirect_dma source(%arg7 : memref<128x128xf32, #tpu.memory_space<vmem>>) target(%dma_start3A_113 : memref<10240x128xf32, #tpu.memory_space<vmem_shared>>) offsets(%dma_start3A_110 : memref<128xi32, #tpu.memory_space<vmem>>) semaphore(%run_scoped3A_107 : memref<!tpu.dma_semaphore, #tpu.memory_space<semaphore_mem>>) {add = true}
        %dma_wait3A_114 = arith.constant 0 : i32
        %dma_wait3A_115 = tpu.memref_slice %arg6[%run_scoped3A, %dma_wait3A_114] : memref<2x128xi32, #tpu.memory_space<vmem>> -> memref<1x128xi32, #tpu.memory_space<vmem>>
        %dma_wait3A_116 = tpu.memref_squeeze %dma_wait3A_115 : memref<1x128xi32, #tpu.memory_space<vmem>> -> memref<128xi32, #tpu.memory_space<vmem>>
        %dma_wait3A_117 = arith.constant 0 : i32
        %dma_wait3A_118 = arith.constant 0 : i32
        %dma_wait3A_119 = tpu.memref_slice %arg9[%dma_wait3A_117, %dma_wait3A_118] : memref<10240x128xf32, #tpu.memory_space<vmem_shared>> -> memref<10240x128xf32, #tpu.memory_space<vmem_shared>>
        tpu.wait_indirect_dma semaphore(%run_scoped3A_107 : memref<!tpu.dma_semaphore, #tpu.memory_space<semaphore_mem>>) src(%arg7 : memref<128x128xf32, #tpu.memory_space<vmem>>) dst(%dma_wait3A_119 : memref<10240x128xf32, #tpu.memory_space<vmem_shared>>)
        tpu.yield
      }) : () -> ()
    }
    %barrier3A_50 = arith.constant 0 : index
    tpu.barrier barrier_id(%barrier3A_50)
    %mul3A_51 = arith.constant 640 : i32
    %mul3A_52 = arith.muli %arg1, %mul3A_51 : i32
    %add3A_53 = arith.constant 0 : i32
    %add3A_54 = arith.addi %mul3A_52, %add3A_53 : i32
    "tpu.region"() ({
      %run_scoped3A = tpu.sem_alloc : memref<!tpu.dma_semaphore, #tpu.memory_space<semaphore_mem>>
      %dma_start3A = arith.constant 0 : i32
      %dma_start3A_91 = tpu.memref_slice %arg9[%add3A_54, %dma_start3A] : memref<10240x128xf32, #tpu.memory_space<vmem_shared>> -> memref<128x128xf32, #tpu.memory_space<vmem_shared>>
      %dma_start3A_92 = arith.constant 0 : i32
      %dma_start3A_93 = tpu.memref_slice %arg9[%add3A_54, %dma_start3A_92] : memref<10240x128xf32, #tpu.memory_space<vmem_shared>> -> memref<128x128xf32, #tpu.memory_space<vmem_shared>>
      tpu.enqueue_dma source(%dma_start3A_93 : memref<128x128xf32, #tpu.memory_space<vmem_shared>>) target(%arg8 : memref<128x128xf32, #tpu.memory_space<vmem>>) target_semaphore(%run_scoped3A : memref<!tpu.dma_semaphore, #tpu.memory_space<semaphore_mem>>)
      %dma_wait3A = arith.constant 0 : i32
      %dma_wait3A_94 = tpu.memref_slice %arg9[%add3A_54, %dma_wait3A] : memref<10240x128xf32, #tpu.memory_space<vmem_shared>> -> memref<128x128xf32, #tpu.memory_space<vmem_shared>>
      %dma_wait3A_95 = arith.constant 0 : i32
      %dma_wait3A_96 = tpu.memref_slice %arg9[%add3A_54, %dma_wait3A_95] : memref<10240x128xf32, #tpu.memory_space<vmem_shared>> -> memref<128x128xf32, #tpu.memory_space<vmem_shared>>
      tpu.wait_dma2 semaphore(%run_scoped3A : memref<!tpu.dma_semaphore, #tpu.memory_space<semaphore_mem>>) src(%dma_wait3A_96 : memref<128x128xf32, #tpu.memory_space<vmem_shared>>) dst(%arg8 : memref<128x128xf32, #tpu.memory_space<vmem>>)
      tpu.yield
    }) : () -> ()
    %mul3A_55 = arith.constant 640 : i32
    %mul3A_56 = arith.muli %arg1, %mul3A_55 : i32
    %add3A_57 = arith.constant 0 : i32
    %add3A_58 = arith.addi %mul3A_56, %add3A_57 : i32
    "tpu.region"() ({
      %run_scoped3A = tpu.sem_alloc : memref<!tpu.dma_semaphore, #tpu.memory_space<semaphore_mem>>
      %dma_start3A = arith.constant 0 : i32
      %dma_start3A_91 = tpu.memref_slice %arg5[%arg0, %add3A_58, %dma_start3A] : memref<2x10240x128xf32, #tpu.memory_space<hbm>> -> memref<1x128x128xf32, #tpu.memory_space<hbm>>
      %dma_start3A_92 = tpu.memref_squeeze %dma_start3A_91 : memref<1x128x128xf32, #tpu.memory_space<hbm>> -> memref<128x128xf32, #tpu.memory_space<hbm>>
      %dma_start3A_93 = arith.constant 0 : i32
      %dma_start3A_94 = tpu.memref_slice %arg5[%arg0, %add3A_58, %dma_start3A_93] : memref<2x10240x128xf32, #tpu.memory_space<hbm>> -> memref<1x128x128xf32, #tpu.memory_space<hbm>>
      %dma_start3A_95 = tpu.memref_squeeze %dma_start3A_94 : memref<1x128x128xf32, #tpu.memory_space<hbm>> -> memref<128x128xf32, #tpu.memory_space<hbm>>
      tpu.enqueue_dma source(%arg8 : memref<128x128xf32, #tpu.memory_space<vmem>>) target(%dma_start3A_95 : memref<128x128xf32, #tpu.memory_space<hbm>>) target_semaphore(%run_scoped3A : memref<!tpu.dma_semaphore, #tpu.memory_space<semaphore_mem>>)
      %dma_wait3A = arith.constant 0 : i32
      %dma_wait3A_96 = tpu.memref_slice %arg5[%arg0, %add3A_58, %dma_wait3A] : memref<2x10240x128xf32, #tpu.memory_space<hbm>> -> memref<1x128x128xf32, #tpu.memory_space<hbm>>
      %dma_wait3A_97 = tpu.memref_squeeze %dma_wait3A_96 : memref<1x128x128xf32, #tpu.memory_space<hbm>> -> memref<128x128xf32, #tpu.memory_space<hbm>>
      %dma_wait3A_98 = arith.constant 0 : i32
      %dma_wait3A_99 = tpu.memref_slice %arg5[%arg0, %add3A_58, %dma_wait3A_98] : memref<2x10240x128xf32, #tpu.memory_space<hbm>> -> memref<1x128x128xf32, #tpu.memory_space<hbm>>
      %dma_wait3A_100 = tpu.memref_squeeze %dma_wait3A_99 : memref<1x128x128xf32, #tpu.memory_space<hbm>> -> memref<128x128xf32, #tpu.memory_space<hbm>>
      tpu.wait_dma2 semaphore(%run_scoped3A : memref<!tpu.dma_semaphore, #tpu.memory_space<semaphore_mem>>) src(%arg8 : memref<128x128xf32, #tpu.memory_space<vmem>>) dst(%dma_wait3A_100 : memref<128x128xf32, #tpu.memory_space<hbm>>)
      tpu.yield
    }) : () -> ()
    %mul3A_59 = arith.constant 640 : i32
    %mul3A_60 = arith.muli %arg1, %mul3A_59 : i32
    %add3A_61 = arith.constant 128 : i32
    %add3A_62 = arith.addi %mul3A_60, %add3A_61 : i32
    "tpu.region"() ({
      %run_scoped3A = tpu.sem_alloc : memref<!tpu.dma_semaphore, #tpu.memory_space<semaphore_mem>>
      %dma_start3A = arith.constant 0 : i32
      %dma_start3A_91 = tpu.memref_slice %arg9[%add3A_62, %dma_start3A] : memref<10240x128xf32, #tpu.memory_space<vmem_shared>> -> memref<128x128xf32, #tpu.memory_space<vmem_shared>>
      %dma_start3A_92 = arith.constant 0 : i32
      %dma_start3A_93 = tpu.memref_slice %arg9[%add3A_62, %dma_start3A_92] : memref<10240x128xf32, #tpu.memory_space<vmem_shared>> -> memref<128x128xf32, #tpu.memory_space<vmem_shared>>
      tpu.enqueue_dma source(%dma_start3A_93 : memref<128x128xf32, #tpu.memory_space<vmem_shared>>) target(%arg8 : memref<128x128xf32, #tpu.memory_space<vmem>>) target_semaphore(%run_scoped3A : memref<!tpu.dma_semaphore, #tpu.memory_space<semaphore_mem>>)
      %dma_wait3A = arith.constant 0 : i32
      %dma_wait3A_94 = tpu.memref_slice %arg9[%add3A_62, %dma_wait3A] : memref<10240x128xf32, #tpu.memory_space<vmem_shared>> -> memref<128x128xf32, #tpu.memory_space<vmem_shared>>
      %dma_wait3A_95 = arith.constant 0 : i32
      %dma_wait3A_96 = tpu.memref_slice %arg9[%add3A_62, %dma_wait3A_95] : memref<10240x128xf32, #tpu.memory_space<vmem_shared>> -> memref<128x128xf32, #tpu.memory_space<vmem_shared>>
      tpu.wait_dma2 semaphore(%run_scoped3A : memref<!tpu.dma_semaphore, #tpu.memory_space<semaphore_mem>>) src(%dma_wait3A_96 : memref<128x128xf32, #tpu.memory_space<vmem_shared>>) dst(%arg8 : memref<128x128xf32, #tpu.memory_space<vmem>>)
      tpu.yield
    }) : () -> ()
    %mul3A_63 = arith.constant 640 : i32
    %mul3A_64 = arith.muli %arg1, %mul3A_63 : i32
    %add3A_65 = arith.constant 128 : i32
    %add3A_66 = arith.addi %mul3A_64, %add3A_65 : i32
    "tpu.region"() ({
      %run_scoped3A = tpu.sem_alloc : memref<!tpu.dma_semaphore, #tpu.memory_space<semaphore_mem>>
      %dma_start3A = arith.constant 0 : i32
      %dma_start3A_91 = tpu.memref_slice %arg5[%arg0, %add3A_66, %dma_start3A] : memref<2x10240x128xf32, #tpu.memory_space<hbm>> -> memref<1x128x128xf32, #tpu.memory_space<hbm>>
      %dma_start3A_92 = tpu.memref_squeeze %dma_start3A_91 : memref<1x128x128xf32, #tpu.memory_space<hbm>> -> memref<128x128xf32, #tpu.memory_space<hbm>>
      %dma_start3A_93 = arith.constant 0 : i32
      %dma_start3A_94 = tpu.memref_slice %arg5[%arg0, %add3A_66, %dma_start3A_93] : memref<2x10240x128xf32, #tpu.memory_space<hbm>> -> memref<1x128x128xf32, #tpu.memory_space<hbm>>
      %dma_start3A_95 = tpu.memref_squeeze %dma_start3A_94 : memref<1x128x128xf32, #tpu.memory_space<hbm>> -> memref<128x128xf32, #tpu.memory_space<hbm>>
      tpu.enqueue_dma source(%arg8 : memref<128x128xf32, #tpu.memory_space<vmem>>) target(%dma_start3A_95 : memref<128x128xf32, #tpu.memory_space<hbm>>) target_semaphore(%run_scoped3A : memref<!tpu.dma_semaphore, #tpu.memory_space<semaphore_mem>>)
      %dma_wait3A = arith.constant 0 : i32
      %dma_wait3A_96 = tpu.memref_slice %arg5[%arg0, %add3A_66, %dma_wait3A] : memref<2x10240x128xf32, #tpu.memory_space<hbm>> -> memref<1x128x128xf32, #tpu.memory_space<hbm>>
      %dma_wait3A_97 = tpu.memref_squeeze %dma_wait3A_96 : memref<1x128x128xf32, #tpu.memory_space<hbm>> -> memref<128x128xf32, #tpu.memory_space<hbm>>
      %dma_wait3A_98 = arith.constant 0 : i32
      %dma_wait3A_99 = tpu.memref_slice %arg5[%arg0, %add3A_66, %dma_wait3A_98] : memref<2x10240x128xf32, #tpu.memory_space<hbm>> -> memref<1x128x128xf32, #tpu.memory_space<hbm>>
      %dma_wait3A_100 = tpu.memref_squeeze %dma_wait3A_99 : memref<1x128x128xf32, #tpu.memory_space<hbm>> -> memref<128x128xf32, #tpu.memory_space<hbm>>
      tpu.wait_dma2 semaphore(%run_scoped3A : memref<!tpu.dma_semaphore, #tpu.memory_space<semaphore_mem>>) src(%arg8 : memref<128x128xf32, #tpu.memory_space<vmem>>) dst(%dma_wait3A_100 : memref<128x128xf32, #tpu.memory_space<hbm>>)
      tpu.yield
    }) : () -> ()
    %mul3A_67 = arith.constant 640 : i32
    %mul3A_68 = arith.muli %arg1, %mul3A_67 : i32
    %add3A_69 = arith.constant 256 : i32
    %add3A_70 = arith.addi %mul3A_68, %add3A_69 : i32
    "tpu.region"() ({
      %run_scoped3A = tpu.sem_alloc : memref<!tpu.dma_semaphore, #tpu.memory_space<semaphore_mem>>
      %dma_start3A = arith.constant 0 : i32
      %dma_start3A_91 = tpu.memref_slice %arg9[%add3A_70, %dma_start3A] : memref<10240x128xf32, #tpu.memory_space<vmem_shared>> -> memref<128x128xf32, #tpu.memory_space<vmem_shared>>
      %dma_start3A_92 = arith.constant 0 : i32
      %dma_start3A_93 = tpu.memref_slice %arg9[%add3A_70, %dma_start3A_92] : memref<10240x128xf32, #tpu.memory_space<vmem_shared>> -> memref<128x128xf32, #tpu.memory_space<vmem_shared>>
      tpu.enqueue_dma source(%dma_start3A_93 : memref<128x128xf32, #tpu.memory_space<vmem_shared>>) target(%arg8 : memref<128x128xf32, #tpu.memory_space<vmem>>) target_semaphore(%run_scoped3A : memref<!tpu.dma_semaphore, #tpu.memory_space<semaphore_mem>>)
      %dma_wait3A = arith.constant 0 : i32
      %dma_wait3A_94 = tpu.memref_slice %arg9[%add3A_70, %dma_wait3A] : memref<10240x128xf32, #tpu.memory_space<vmem_shared>> -> memref<128x128xf32, #tpu.memory_space<vmem_shared>>
      %dma_wait3A_95 = arith.constant 0 : i32
      %dma_wait3A_96 = tpu.memref_slice %arg9[%add3A_70, %dma_wait3A_95] : memref<10240x128xf32, #tpu.memory_space<vmem_shared>> -> memref<128x128xf32, #tpu.memory_space<vmem_shared>>
      tpu.wait_dma2 semaphore(%run_scoped3A : memref<!tpu.dma_semaphore, #tpu.memory_space<semaphore_mem>>) src(%dma_wait3A_96 : memref<128x128xf32, #tpu.memory_space<vmem_shared>>) dst(%arg8 : memref<128x128xf32, #tpu.memory_space<vmem>>)
      tpu.yield
    }) : () -> ()
    %mul3A_71 = arith.constant 640 : i32
    %mul3A_72 = arith.muli %arg1, %mul3A_71 : i32
    %add3A_73 = arith.constant 256 : i32
    %add3A_74 = arith.addi %mul3A_72, %add3A_73 : i32
    "tpu.region"() ({
      %run_scoped3A = tpu.sem_alloc : memref<!tpu.dma_semaphore, #tpu.memory_space<semaphore_mem>>
      %dma_start3A = arith.constant 0 : i32
      %dma_start3A_91 = tpu.memref_slice %arg5[%arg0, %add3A_74, %dma_start3A] : memref<2x10240x128xf32, #tpu.memory_space<hbm>> -> memref<1x128x128xf32, #tpu.memory_space<hbm>>
      %dma_start3A_92 = tpu.memref_squeeze %dma_start3A_91 : memref<1x128x128xf32, #tpu.memory_space<hbm>> -> memref<128x128xf32, #tpu.memory_space<hbm>>
      %dma_start3A_93 = arith.constant 0 : i32
      %dma_start3A_94 = tpu.memref_slice %arg5[%arg0, %add3A_74, %dma_start3A_93] : memref<2x10240x128xf32, #tpu.memory_space<hbm>> -> memref<1x128x128xf32, #tpu.memory_space<hbm>>
      %dma_start3A_95 = tpu.memref_squeeze %dma_start3A_94 : memref<1x128x128xf32, #tpu.memory_space<hbm>> -> memref<128x128xf32, #tpu.memory_space<hbm>>
      tpu.enqueue_dma source(%arg8 : memref<128x128xf32, #tpu.memory_space<vmem>>) target(%dma_start3A_95 : memref<128x128xf32, #tpu.memory_space<hbm>>) target_semaphore(%run_scoped3A : memref<!tpu.dma_semaphore, #tpu.memory_space<semaphore_mem>>)
      %dma_wait3A = arith.constant 0 : i32
      %dma_wait3A_96 = tpu.memref_slice %arg5[%arg0, %add3A_74, %dma_wait3A] : memref<2x10240x128xf32, #tpu.memory_space<hbm>> -> memref<1x128x128xf32, #tpu.memory_space<hbm>>
      %dma_wait3A_97 = tpu.memref_squeeze %dma_wait3A_96 : memref<1x128x128xf32, #tpu.memory_space<hbm>> -> memref<128x128xf32, #tpu.memory_space<hbm>>
      %dma_wait3A_98 = arith.constant 0 : i32
      %dma_wait3A_99 = tpu.memref_slice %arg5[%arg0, %add3A_74, %dma_wait3A_98] : memref<2x10240x128xf32, #tpu.memory_space<hbm>> -> memref<1x128x128xf32, #tpu.memory_space<hbm>>
      %dma_wait3A_100 = tpu.memref_squeeze %dma_wait3A_99 : memref<1x128x128xf32, #tpu.memory_space<hbm>> -> memref<128x128xf32, #tpu.memory_space<hbm>>
      tpu.wait_dma2 semaphore(%run_scoped3A : memref<!tpu.dma_semaphore, #tpu.memory_space<semaphore_mem>>) src(%arg8 : memref<128x128xf32, #tpu.memory_space<vmem>>) dst(%dma_wait3A_100 : memref<128x128xf32, #tpu.memory_space<hbm>>)
      tpu.yield
    }) : () -> ()
    %mul3A_75 = arith.constant 640 : i32
    %mul3A_76 = arith.muli %arg1, %mul3A_75 : i32
    %add3A_77 = arith.constant 384 : i32
    %add3A_78 = arith.addi %mul3A_76, %add3A_77 : i32
    "tpu.region"() ({
      %run_scoped3A = tpu.sem_alloc : memref<!tpu.dma_semaphore, #tpu.memory_space<semaphore_mem>>
      %dma_start3A = arith.constant 0 : i32
      %dma_start3A_91 = tpu.memref_slice %arg9[%add3A_78, %dma_start3A] : memref<10240x128xf32, #tpu.memory_space<vmem_shared>> -> memref<128x128xf32, #tpu.memory_space<vmem_shared>>
      %dma_start3A_92 = arith.constant 0 : i32
      %dma_start3A_93 = tpu.memref_slice %arg9[%add3A_78, %dma_start3A_92] : memref<10240x128xf32, #tpu.memory_space<vmem_shared>> -> memref<128x128xf32, #tpu.memory_space<vmem_shared>>
      tpu.enqueue_dma source(%dma_start3A_93 : memref<128x128xf32, #tpu.memory_space<vmem_shared>>) target(%arg8 : memref<128x128xf32, #tpu.memory_space<vmem>>) target_semaphore(%run_scoped3A : memref<!tpu.dma_semaphore, #tpu.memory_space<semaphore_mem>>)
      %dma_wait3A = arith.constant 0 : i32
      %dma_wait3A_94 = tpu.memref_slice %arg9[%add3A_78, %dma_wait3A] : memref<10240x128xf32, #tpu.memory_space<vmem_shared>> -> memref<128x128xf32, #tpu.memory_space<vmem_shared>>
      %dma_wait3A_95 = arith.constant 0 : i32
      %dma_wait3A_96 = tpu.memref_slice %arg9[%add3A_78, %dma_wait3A_95] : memref<10240x128xf32, #tpu.memory_space<vmem_shared>> -> memref<128x128xf32, #tpu.memory_space<vmem_shared>>
      tpu.wait_dma2 semaphore(%run_scoped3A : memref<!tpu.dma_semaphore, #tpu.memory_space<semaphore_mem>>) src(%dma_wait3A_96 : memref<128x128xf32, #tpu.memory_space<vmem_shared>>) dst(%arg8 : memref<128x128xf32, #tpu.memory_space<vmem>>)
      tpu.yield
    }) : () -> ()
    %mul3A_79 = arith.constant 640 : i32
    %mul3A_80 = arith.muli %arg1, %mul3A_79 : i32
    %add3A_81 = arith.constant 384 : i32
    %add3A_82 = arith.addi %mul3A_80, %add3A_81 : i32
    "tpu.region"() ({
      %run_scoped3A = tpu.sem_alloc : memref<!tpu.dma_semaphore, #tpu.memory_space<semaphore_mem>>
      %dma_start3A = arith.constant 0 : i32
      %dma_start3A_91 = tpu.memref_slice %arg5[%arg0, %add3A_82, %dma_start3A] : memref<2x10240x128xf32, #tpu.memory_space<hbm>> -> memref<1x128x128xf32, #tpu.memory_space<hbm>>
      %dma_start3A_92 = tpu.memref_squeeze %dma_start3A_91 : memref<1x128x128xf32, #tpu.memory_space<hbm>> -> memref<128x128xf32, #tpu.memory_space<hbm>>
      %dma_start3A_93 = arith.constant 0 : i32
      %dma_start3A_94 = tpu.memref_slice %arg5[%arg0, %add3A_82, %dma_start3A_93] : memref<2x10240x128xf32, #tpu.memory_space<hbm>> -> memref<1x128x128xf32, #tpu.memory_space<hbm>>
      %dma_start3A_95 = tpu.memref_squeeze %dma_start3A_94 : memref<1x128x128xf32, #tpu.memory_space<hbm>> -> memref<128x128xf32, #tpu.memory_space<hbm>>
      tpu.enqueue_dma source(%arg8 : memref<128x128xf32, #tpu.memory_space<vmem>>) target(%dma_start3A_95 : memref<128x128xf32, #tpu.memory_space<hbm>>) target_semaphore(%run_scoped3A : memref<!tpu.dma_semaphore, #tpu.memory_space<semaphore_mem>>)
      %dma_wait3A = arith.constant 0 : i32
      %dma_wait3A_96 = tpu.memref_slice %arg5[%arg0, %add3A_82, %dma_wait3A] : memref<2x10240x128xf32, #tpu.memory_space<hbm>> -> memref<1x128x128xf32, #tpu.memory_space<hbm>>
      %dma_wait3A_97 = tpu.memref_squeeze %dma_wait3A_96 : memref<1x128x128xf32, #tpu.memory_space<hbm>> -> memref<128x128xf32, #tpu.memory_space<hbm>>
      %dma_wait3A_98 = arith.constant 0 : i32
      %dma_wait3A_99 = tpu.memref_slice %arg5[%arg0, %add3A_82, %dma_wait3A_98] : memref<2x10240x128xf32, #tpu.memory_space<hbm>> -> memref<1x128x128xf32, #tpu.memory_space<hbm>>
      %dma_wait3A_100 = tpu.memref_squeeze %dma_wait3A_99 : memref<1x128x128xf32, #tpu.memory_space<hbm>> -> memref<128x128xf32, #tpu.memory_space<hbm>>
      tpu.wait_dma2 semaphore(%run_scoped3A : memref<!tpu.dma_semaphore, #tpu.memory_space<semaphore_mem>>) src(%arg8 : memref<128x128xf32, #tpu.memory_space<vmem>>) dst(%dma_wait3A_100 : memref<128x128xf32, #tpu.memory_space<hbm>>)
      tpu.yield
    }) : () -> ()
    %mul3A_83 = arith.constant 640 : i32
    %mul3A_84 = arith.muli %arg1, %mul3A_83 : i32
    %add3A_85 = arith.constant 512 : i32
    %add3A_86 = arith.addi %mul3A_84, %add3A_85 : i32
    "tpu.region"() ({
      %run_scoped3A = tpu.sem_alloc : memref<!tpu.dma_semaphore, #tpu.memory_space<semaphore_mem>>
      %dma_start3A = arith.constant 0 : i32
      %dma_start3A_91 = tpu.memref_slice %arg9[%add3A_86, %dma_start3A] : memref<10240x128xf32, #tpu.memory_space<vmem_shared>> -> memref<128x128xf32, #tpu.memory_space<vmem_shared>>
      %dma_start3A_92 = arith.constant 0 : i32
      %dma_start3A_93 = tpu.memref_slice %arg9[%add3A_86, %dma_start3A_92] : memref<10240x128xf32, #tpu.memory_space<vmem_shared>> -> memref<128x128xf32, #tpu.memory_space<vmem_shared>>
      tpu.enqueue_dma source(%dma_start3A_93 : memref<128x128xf32, #tpu.memory_space<vmem_shared>>) target(%arg8 : memref<128x128xf32, #tpu.memory_space<vmem>>) target_semaphore(%run_scoped3A : memref<!tpu.dma_semaphore, #tpu.memory_space<semaphore_mem>>)
      %dma_wait3A = arith.constant 0 : i32
      %dma_wait3A_94 = tpu.memref_slice %arg9[%add3A_86, %dma_wait3A] : memref<10240x128xf32, #tpu.memory_space<vmem_shared>> -> memref<128x128xf32, #tpu.memory_space<vmem_shared>>
      %dma_wait3A_95 = arith.constant 0 : i32
      %dma_wait3A_96 = tpu.memref_slice %arg9[%add3A_86, %dma_wait3A_95] : memref<10240x128xf32, #tpu.memory_space<vmem_shared>> -> memref<128x128xf32, #tpu.memory_space<vmem_shared>>
      tpu.wait_dma2 semaphore(%run_scoped3A : memref<!tpu.dma_semaphore, #tpu.memory_space<semaphore_mem>>) src(%dma_wait3A_96 : memref<128x128xf32, #tpu.memory_space<vmem_shared>>) dst(%arg8 : memref<128x128xf32, #tpu.memory_space<vmem>>)
      tpu.yield
    }) : () -> ()
    %mul3A_87 = arith.constant 640 : i32
    %mul3A_88 = arith.muli %arg1, %mul3A_87 : i32
    %add3A_89 = arith.constant 512 : i32
    %add3A_90 = arith.addi %mul3A_88, %add3A_89 : i32
    "tpu.region"() ({
      %run_scoped3A = tpu.sem_alloc : memref<!tpu.dma_semaphore, #tpu.memory_space<semaphore_mem>>
      %dma_start3A = arith.constant 0 : i32
      %dma_start3A_91 = tpu.memref_slice %arg5[%arg0, %add3A_90, %dma_start3A] : memref<2x10240x128xf32, #tpu.memory_space<hbm>> -> memref<1x128x128xf32, #tpu.memory_space<hbm>>
      %dma_start3A_92 = tpu.memref_squeeze %dma_start3A_91 : memref<1x128x128xf32, #tpu.memory_space<hbm>> -> memref<128x128xf32, #tpu.memory_space<hbm>>
      %dma_start3A_93 = arith.constant 0 : i32
      %dma_start3A_94 = tpu.memref_slice %arg5[%arg0, %add3A_90, %dma_start3A_93] : memref<2x10240x128xf32, #tpu.memory_space<hbm>> -> memref<1x128x128xf32, #tpu.memory_space<hbm>>
      %dma_start3A_95 = tpu.memref_squeeze %dma_start3A_94 : memref<1x128x128xf32, #tpu.memory_space<hbm>> -> memref<128x128xf32, #tpu.memory_space<hbm>>
      tpu.enqueue_dma source(%arg8 : memref<128x128xf32, #tpu.memory_space<vmem>>) target(%dma_start3A_95 : memref<128x128xf32, #tpu.memory_space<hbm>>) target_semaphore(%run_scoped3A : memref<!tpu.dma_semaphore, #tpu.memory_space<semaphore_mem>>)
      %dma_wait3A = arith.constant 0 : i32
      %dma_wait3A_96 = tpu.memref_slice %arg5[%arg0, %add3A_90, %dma_wait3A] : memref<2x10240x128xf32, #tpu.memory_space<hbm>> -> memref<1x128x128xf32, #tpu.memory_space<hbm>>
      %dma_wait3A_97 = tpu.memref_squeeze %dma_wait3A_96 : memref<1x128x128xf32, #tpu.memory_space<hbm>> -> memref<128x128xf32, #tpu.memory_space<hbm>>
      %dma_wait3A_98 = arith.constant 0 : i32
      %dma_wait3A_99 = tpu.memref_slice %arg5[%arg0, %add3A_90, %dma_wait3A_98] : memref<2x10240x128xf32, #tpu.memory_space<hbm>> -> memref<1x128x128xf32, #tpu.memory_space<hbm>>
      %dma_wait3A_100 = tpu.memref_squeeze %dma_wait3A_99 : memref<1x128x128xf32, #tpu.memory_space<hbm>> -> memref<128x128xf32, #tpu.memory_space<hbm>>
      tpu.wait_dma2 semaphore(%run_scoped3A : memref<!tpu.dma_semaphore, #tpu.memory_space<semaphore_mem>>) src(%arg8 : memref<128x128xf32, #tpu.memory_space<vmem>>) dst(%dma_wait3A_100 : memref<128x128xf32, #tpu.memory_space<hbm>>)
      tpu.yield
    }) : () -> ()
    return
  }
}

#map = affine_map<(d0, d1) -> (0, 0)>
#map1 = affine_map<(d0, d1) -> (0, 0, 0)>
module attributes {stable_mosaic.version = 14 : i64} {
  func.func @_scat_body(%arg0: i32, %arg1: i32, %arg2: memref<10000x128xf32, #tpu.memory_space<hbm>>, %arg3: memref<2500x2x128xi32, #tpu.memory_space<hbm>>, %arg4: memref<128x128xf32, #tpu.memory_space<hbm>>, %arg5: memref<2x10240x128xf32, #tpu.memory_space<hbm>>, %arg6: memref<2x128xi32, #tpu.memory_space<vmem>>, %arg7: memref<128x128xf32, #tpu.memory_space<vmem>>, %arg8: memref<128x128xf32, #tpu.memory_space<vmem>>, %arg9: memref<10240x128xf32, #tpu.memory_space<vmem_shared>>, %arg10: memref<!tpu.dma_semaphore, #tpu.memory_space<semaphore_mem>>) attributes {dimension_semantics = [#tpu.dimension_semantics<core_parallel>, #tpu.dimension_semantics<subcore_parallel>], iteration_bounds = array<i64: 2, 16>, scalar_prefetch = 0 : i64, scratch_operands = 5 : i64, tpu.core_type = #tpu.core_type<sc_vector_subcore>, window_params = [{transform_indices = #map}, {transform_indices = #map1}, {transform_indices = #map}, {transform_indices = #map1}]} {
    %mul3A = arith.constant 2 : i32
    %mul3A_0 = arith.muli %arg1, %mul3A : i32
    %add3A = arith.addi %mul3A_0, %arg0 : i32
    "tpu.region"() ({
      %run_scoped3A = tpu.sem_alloc : memref<!tpu.dma_semaphore, #tpu.memory_space<semaphore_mem>>
      tpu.enqueue_dma source(%arg4 : memref<128x128xf32, #tpu.memory_space<hbm>>) target(%arg8 : memref<128x128xf32, #tpu.memory_space<vmem>>) target_semaphore(%run_scoped3A : memref<!tpu.dma_semaphore, #tpu.memory_space<semaphore_mem>>)
      tpu.wait_dma2 semaphore(%run_scoped3A : memref<!tpu.dma_semaphore, #tpu.memory_space<semaphore_mem>>) src(%arg4 : memref<128x128xf32, #tpu.memory_space<hbm>>) dst(%arg8 : memref<128x128xf32, #tpu.memory_space<vmem>>)
      tpu.yield
    }) : () -> ()
    %mul3A_1 = arith.constant 640 : i32
    %mul3A_2 = arith.muli %arg1, %mul3A_1 : i32
    %add3A_3 = arith.constant 0 : i32
    %add3A_4 = arith.addi %mul3A_2, %add3A_3 : i32
    "tpu.region"() ({
      %run_scoped3A = tpu.sem_alloc : memref<!tpu.dma_semaphore, #tpu.memory_space<semaphore_mem>>
      %dma_start3A = arith.constant 0 : i32
      %dma_start3A_91 = tpu.memref_slice %arg9[%add3A_4, %dma_start3A] : memref<10240x128xf32, #tpu.memory_space<vmem_shared>> -> memref<128x128xf32, #tpu.memory_space<vmem_shared>>
      %dma_start3A_92 = arith.constant 0 : i32
      %dma_start3A_93 = tpu.memref_slice %arg9[%add3A_4, %dma_start3A_92] : memref<10240x128xf32, #tpu.memory_space<vmem_shared>> -> memref<128x128xf32, #tpu.memory_space<vmem_shared>>
      tpu.enqueue_dma source(%arg8 : memref<128x128xf32, #tpu.memory_space<vmem>>) target(%dma_start3A_93 : memref<128x128xf32, #tpu.memory_space<vmem_shared>>) target_semaphore(%run_scoped3A : memref<!tpu.dma_semaphore, #tpu.memory_space<semaphore_mem>>)
      %dma_wait3A = arith.constant 0 : i32
      %dma_wait3A_94 = tpu.memref_slice %arg9[%add3A_4, %dma_wait3A] : memref<10240x128xf32, #tpu.memory_space<vmem_shared>> -> memref<128x128xf32, #tpu.memory_space<vmem_shared>>
      %dma_wait3A_95 = arith.constant 0 : i32
      %dma_wait3A_96 = tpu.memref_slice %arg9[%add3A_4, %dma_wait3A_95] : memref<10240x128xf32, #tpu.memory_space<vmem_shared>> -> memref<128x128xf32, #tpu.memory_space<vmem_shared>>
      tpu.wait_dma2 semaphore(%run_scoped3A : memref<!tpu.dma_semaphore, #tpu.memory_space<semaphore_mem>>) src(%arg8 : memref<128x128xf32, #tpu.memory_space<vmem>>) dst(%dma_wait3A_96 : memref<128x128xf32, #tpu.memory_space<vmem_shared>>)
      tpu.yield
    }) : () -> ()
    %mul3A_5 = arith.constant 640 : i32
    %mul3A_6 = arith.muli %arg1, %mul3A_5 : i32
    %add3A_7 = arith.constant 128 : i32
    %add3A_8 = arith.addi %mul3A_6, %add3A_7 : i32
    "tpu.region"() ({
      %run_scoped3A = tpu.sem_alloc : memref<!tpu.dma_semaphore, #tpu.memory_space<semaphore_mem>>
      %dma_start3A = arith.constant 0 : i32
      %dma_start3A_91 = tpu.memref_slice %arg9[%add3A_8, %dma_start3A] : memref<10240x128xf32, #tpu.memory_space<vmem_shared>> -> memref<128x128xf32, #tpu.memory_space<vmem_shared>>
      %dma_start3A_92 = arith.constant 0 : i32
      %dma_start3A_93 = tpu.memref_slice %arg9[%add3A_8, %dma_start3A_92] : memref<10240x128xf32, #tpu.memory_space<vmem_shared>> -> memref<128x128xf32, #tpu.memory_space<vmem_shared>>
      tpu.enqueue_dma source(%arg8 : memref<128x128xf32, #tpu.memory_space<vmem>>) target(%dma_start3A_93 : memref<128x128xf32, #tpu.memory_space<vmem_shared>>) target_semaphore(%run_scoped3A : memref<!tpu.dma_semaphore, #tpu.memory_space<semaphore_mem>>)
      %dma_wait3A = arith.constant 0 : i32
      %dma_wait3A_94 = tpu.memref_slice %arg9[%add3A_8, %dma_wait3A] : memref<10240x128xf32, #tpu.memory_space<vmem_shared>> -> memref<128x128xf32, #tpu.memory_space<vmem_shared>>
      %dma_wait3A_95 = arith.constant 0 : i32
      %dma_wait3A_96 = tpu.memref_slice %arg9[%add3A_8, %dma_wait3A_95] : memref<10240x128xf32, #tpu.memory_space<vmem_shared>> -> memref<128x128xf32, #tpu.memory_space<vmem_shared>>
      tpu.wait_dma2 semaphore(%run_scoped3A : memref<!tpu.dma_semaphore, #tpu.memory_space<semaphore_mem>>) src(%arg8 : memref<128x128xf32, #tpu.memory_space<vmem>>) dst(%dma_wait3A_96 : memref<128x128xf32, #tpu.memory_space<vmem_shared>>)
      tpu.yield
    }) : () -> ()
    %mul3A_9 = arith.constant 640 : i32
    %mul3A_10 = arith.muli %arg1, %mul3A_9 : i32
    %add3A_11 = arith.constant 256 : i32
    %add3A_12 = arith.addi %mul3A_10, %add3A_11 : i32
    "tpu.region"() ({
      %run_scoped3A = tpu.sem_alloc : memref<!tpu.dma_semaphore, #tpu.memory_space<semaphore_mem>>
      %dma_start3A = arith.constant 0 : i32
      %dma_start3A_91 = tpu.memref_slice %arg9[%add3A_12, %dma_start3A] : memref<10240x128xf32, #tpu.memory_space<vmem_shared>> -> memref<128x128xf32, #tpu.memory_space<vmem_shared>>
      %dma_start3A_92 = arith.constant 0 : i32
      %dma_start3A_93 = tpu.memref_slice %arg9[%add3A_12, %dma_start3A_92] : memref<10240x128xf32, #tpu.memory_space<vmem_shared>> -> memref<128x128xf32, #tpu.memory_space<vmem_shared>>
      tpu.enqueue_dma source(%arg8 : memref<128x128xf32, #tpu.memory_space<vmem>>) target(%dma_start3A_93 : memref<128x128xf32, #tpu.memory_space<vmem_shared>>) target_semaphore(%run_scoped3A : memref<!tpu.dma_semaphore, #tpu.memory_space<semaphore_mem>>)
      %dma_wait3A = arith.constant 0 : i32
      %dma_wait3A_94 = tpu.memref_slice %arg9[%add3A_12, %dma_wait3A] : memref<10240x128xf32, #tpu.memory_space<vmem_shared>> -> memref<128x128xf32, #tpu.memory_space<vmem_shared>>
      %dma_wait3A_95 = arith.constant 0 : i32
      %dma_wait3A_96 = tpu.memref_slice %arg9[%add3A_12, %dma_wait3A_95] : memref<10240x128xf32, #tpu.memory_space<vmem_shared>> -> memref<128x128xf32, #tpu.memory_space<vmem_shared>>
      tpu.wait_dma2 semaphore(%run_scoped3A : memref<!tpu.dma_semaphore, #tpu.memory_space<semaphore_mem>>) src(%arg8 : memref<128x128xf32, #tpu.memory_space<vmem>>) dst(%dma_wait3A_96 : memref<128x128xf32, #tpu.memory_space<vmem_shared>>)
      tpu.yield
    }) : () -> ()
    %mul3A_13 = arith.constant 640 : i32
    %mul3A_14 = arith.muli %arg1, %mul3A_13 : i32
    %add3A_15 = arith.constant 384 : i32
    %add3A_16 = arith.addi %mul3A_14, %add3A_15 : i32
    "tpu.region"() ({
      %run_scoped3A = tpu.sem_alloc : memref<!tpu.dma_semaphore, #tpu.memory_space<semaphore_mem>>
      %dma_start3A = arith.constant 0 : i32
      %dma_start3A_91 = tpu.memref_slice %arg9[%add3A_16, %dma_start3A] : memref<10240x128xf32, #tpu.memory_space<vmem_shared>> -> memref<128x128xf32, #tpu.memory_space<vmem_shared>>
      %dma_start3A_92 = arith.constant 0 : i32
      %dma_start3A_93 = tpu.memref_slice %arg9[%add3A_16, %dma_start3A_92] : memref<10240x128xf32, #tpu.memory_space<vmem_shared>> -> memref<128x128xf32, #tpu.memory_space<vmem_shared>>
      tpu.enqueue_dma source(%arg8 : memref<128x128xf32, #tpu.memory_space<vmem>>) target(%dma_start3A_93 : memref<128x128xf32, #tpu.memory_space<vmem_shared>>) target_semaphore(%run_scoped3A : memref<!tpu.dma_semaphore, #tpu.memory_space<semaphore_mem>>)
      %dma_wait3A = arith.constant 0 : i32
      %dma_wait3A_94 = tpu.memref_slice %arg9[%add3A_16, %dma_wait3A] : memref<10240x128xf32, #tpu.memory_space<vmem_shared>> -> memref<128x128xf32, #tpu.memory_space<vmem_shared>>
      %dma_wait3A_95 = arith.constant 0 : i32
      %dma_wait3A_96 = tpu.memref_slice %arg9[%add3A_16, %dma_wait3A_95] : memref<10240x128xf32, #tpu.memory_space<vmem_shared>> -> memref<128x128xf32, #tpu.memory_space<vmem_shared>>
      tpu.wait_dma2 semaphore(%run_scoped3A : memref<!tpu.dma_semaphore, #tpu.memory_space<semaphore_mem>>) src(%arg8 : memref<128x128xf32, #tpu.memory_space<vmem>>) dst(%dma_wait3A_96 : memref<128x128xf32, #tpu.memory_space<vmem_shared>>)
      tpu.yield
    }) : () -> ()
    %mul3A_17 = arith.constant 640 : i32
    %mul3A_18 = arith.muli %arg1, %mul3A_17 : i32
    %add3A_19 = arith.constant 512 : i32
    %add3A_20 = arith.addi %mul3A_18, %add3A_19 : i32
    "tpu.region"() ({
      %run_scoped3A = tpu.sem_alloc : memref<!tpu.dma_semaphore, #tpu.memory_space<semaphore_mem>>
      %dma_start3A = arith.constant 0 : i32
      %dma_start3A_91 = tpu.memref_slice %arg9[%add3A_20, %dma_start3A] : memref<10240x128xf32, #tpu.memory_space<vmem_shared>> -> memref<128x128xf32, #tpu.memory_space<vmem_shared>>
      %dma_start3A_92 = arith.constant 0 : i32
      %dma_start3A_93 = tpu.memref_slice %arg9[%add3A_20, %dma_start3A_92] : memref<10240x128xf32, #tpu.memory_space<vmem_shared>> -> memref<128x128xf32, #tpu.memory_space<vmem_shared>>
      tpu.enqueue_dma source(%arg8 : memref<128x128xf32, #tpu.memory_space<vmem>>) target(%dma_start3A_93 : memref<128x128xf32, #tpu.memory_space<vmem_shared>>) target_semaphore(%run_scoped3A : memref<!tpu.dma_semaphore, #tpu.memory_space<semaphore_mem>>)
      %dma_wait3A = arith.constant 0 : i32
      %dma_wait3A_94 = tpu.memref_slice %arg9[%add3A_20, %dma_wait3A] : memref<10240x128xf32, #tpu.memory_space<vmem_shared>> -> memref<128x128xf32, #tpu.memory_space<vmem_shared>>
      %dma_wait3A_95 = arith.constant 0 : i32
      %dma_wait3A_96 = tpu.memref_slice %arg9[%add3A_20, %dma_wait3A_95] : memref<10240x128xf32, #tpu.memory_space<vmem_shared>> -> memref<128x128xf32, #tpu.memory_space<vmem_shared>>
      tpu.wait_dma2 semaphore(%run_scoped3A : memref<!tpu.dma_semaphore, #tpu.memory_space<semaphore_mem>>) src(%arg8 : memref<128x128xf32, #tpu.memory_space<vmem>>) dst(%dma_wait3A_96 : memref<128x128xf32, #tpu.memory_space<vmem_shared>>)
      tpu.yield
    }) : () -> ()
    %barrier3A = arith.constant 0 : index
    tpu.barrier barrier_id(%barrier3A)
    %sub3A = arith.constant 2499 : i32
    %sub3A_21 = arith.subi %sub3A, %add3A : i32
    %jit3A = arith.constant 32 : i32
    %div3A = arith.divsi %sub3A_21, %jit3A : i32
    %sign3A = arith.constant 0 : i32
    %sign3A_22 = arith.cmpi sgt, %sub3A_21, %sign3A : i32
    %sign3A_23 = arith.extui %sign3A_22 : i1 to i32
    %sign3A_24 = arith.constant 0 : i32
    %sign3A_25 = arith.cmpi slt, %sub3A_21, %sign3A_24 : i32
    %sign3A_26 = arith.extui %sign3A_25 : i1 to i32
    %sign3A_27 = arith.subi %sign3A_23, %sign3A_26 : i32
    %sign3A_28 = arith.constant 0 : i32
    %sign3A_29 = arith.cmpi sgt, %jit3A, %sign3A_28 : i32
    %sign3A_30 = arith.extui %sign3A_29 : i1 to i32
    %sign3A_31 = arith.constant 0 : i32
    %sign3A_32 = arith.cmpi slt, %jit3A, %sign3A_31 : i32
    %sign3A_33 = arith.extui %sign3A_32 : i1 to i32
    %sign3A_34 = arith.subi %sign3A_30, %sign3A_33 : i32
    %ne3A = arith.cmpi ne, %sign3A_27, %sign3A_34 : i32
    %rem3A = arith.remsi %sub3A_21, %jit3A : i32
    %ne3A_35 = arith.constant 0 : i32
    %ne3A_36 = arith.cmpi ne, %rem3A, %ne3A_35 : i32
    %and3A = arith.andi %ne3A, %ne3A_36 : i1
    %sub3A_37 = arith.constant 1 : i32
    %sub3A_38 = arith.subi %div3A, %sub3A_37 : i32
    %select_n3A = arith.select %and3A, %sub3A_38, %div3A : i32
    %add3A_39 = arith.constant 1 : i32
    %add3A_40 = arith.addi %select_n3A, %add3A_39 : i32
    %while3A = arith.constant 0 : i32
    %while3A_41 = arith.constant 0 : i32
    %while3A_42 = arith.subi %add3A_40, %while3A_41 : i32
    %while3A_43 = arith.addi %while3A_41, %while3A_42 : i32
    %while3A_44 = arith.constant 1 : i32
    %while3A_45 = arith.divsi %while3A_42, %while3A_44 : i32
    %while3A_46 = arith.muli %while3A_45, %while3A_44 : i32
    %while3A_47 = arith.addi %while3A_41, %while3A_46 : i32
    %while3A_48 = arith.constant 1 : i32
    scf.for %while3A_91 = %while3A_41 to %while3A_47 step %while3A_48  : i32 {
      %mul3A_92 = arith.constant 32 : i32
      %mul3A_93 = arith.muli %while3A_91, %mul3A_92 : i32
      %add3A_94 = arith.addi %add3A, %mul3A_93 : i32
      "tpu.region"() ({
        %run_scoped3A_107 = tpu.sem_alloc : memref<!tpu.dma_semaphore, #tpu.memory_space<semaphore_mem>>
        %dma_start3A_108 = arith.constant 0 : i32
        %dma_start3A_109 = arith.constant 0 : i32
        %dma_start3A_110 = tpu.memref_slice %arg3[%add3A_94, %dma_start3A_108, %dma_start3A_109] : memref<2500x2x128xi32, #tpu.memory_space<hbm>> -> memref<1x2x128xi32, #tpu.memory_space<hbm>>
        %dma_start3A_111 = tpu.memref_squeeze %dma_start3A_110 : memref<1x2x128xi32, #tpu.memory_space<hbm>> -> memref<2x128xi32, #tpu.memory_space<hbm>>
        %dma_start3A_112 = arith.constant 0 : i32
        %dma_start3A_113 = arith.constant 0 : i32
        %dma_start3A_114 = tpu.memref_slice %arg3[%add3A_94, %dma_start3A_112, %dma_start3A_113] : memref<2500x2x128xi32, #tpu.memory_space<hbm>> -> memref<1x2x128xi32, #tpu.memory_space<hbm>>
        %dma_start3A_115 = tpu.memref_squeeze %dma_start3A_114 : memref<1x2x128xi32, #tpu.memory_space<hbm>> -> memref<2x128xi32, #tpu.memory_space<hbm>>
        tpu.enqueue_dma source(%dma_start3A_115 : memref<2x128xi32, #tpu.memory_space<hbm>>) target(%arg6 : memref<2x128xi32, #tpu.memory_space<vmem>>) target_semaphore(%run_scoped3A_107 : memref<!tpu.dma_semaphore, #tpu.memory_space<semaphore_mem>>)
        %dma_wait3A_116 = arith.constant 0 : i32
        %dma_wait3A_117 = arith.constant 0 : i32
        %dma_wait3A_118 = tpu.memref_slice %arg3[%add3A_94, %dma_wait3A_116, %dma_wait3A_117] : memref<2500x2x128xi32, #tpu.memory_space<hbm>> -> memref<1x2x128xi32, #tpu.memory_space<hbm>>
        %dma_wait3A_119 = tpu.memref_squeeze %dma_wait3A_118 : memref<1x2x128xi32, #tpu.memory_space<hbm>> -> memref<2x128xi32, #tpu.memory_space<hbm>>
        %dma_wait3A_120 = arith.constant 0 : i32
        %dma_wait3A_121 = arith.constant 0 : i32
        %dma_wait3A_122 = tpu.memref_slice %arg3[%add3A_94, %dma_wait3A_120, %dma_wait3A_121] : memref<2500x2x128xi32, #tpu.memory_space<hbm>> -> memref<1x2x128xi32, #tpu.memory_space<hbm>>
        %dma_wait3A_123 = tpu.memref_squeeze %dma_wait3A_122 : memref<1x2x128xi32, #tpu.memory_space<hbm>> -> memref<2x128xi32, #tpu.memory_space<hbm>>
        tpu.wait_dma2 semaphore(%run_scoped3A_107 : memref<!tpu.dma_semaphore, #tpu.memory_space<semaphore_mem>>) src(%dma_wait3A_123 : memref<2x128xi32, #tpu.memory_space<hbm>>) dst(%arg6 : memref<2x128xi32, #tpu.memory_space<vmem>>)
        tpu.yield
      }) : () -> ()
      %dma_start3A = arith.constant 0 : i32
      %dma_start3A_95 = arith.constant 0 : i32
      %dma_start3A_96 = tpu.memref_slice %arg6[%dma_start3A, %dma_start3A_95] : memref<2x128xi32, #tpu.memory_space<vmem>> -> memref<1x128xi32, #tpu.memory_space<vmem>>
      %dma_start3A_97 = tpu.memref_squeeze %dma_start3A_96 : memref<1x128xi32, #tpu.memory_space<vmem>> -> memref<128xi32, #tpu.memory_space<vmem>>
      %dma_start3A_98 = arith.constant 0 : i32
      %dma_start3A_99 = arith.constant 0 : i32
      %dma_start3A_100 = tpu.memref_slice %arg2[%dma_start3A_98, %dma_start3A_99] : memref<10000x128xf32, #tpu.memory_space<hbm>> -> memref<10000x128xf32, #tpu.memory_space<hbm>>
      tpu.enqueue_indirect_dma source(%dma_start3A_100 : memref<10000x128xf32, #tpu.memory_space<hbm>>) target(%arg7 : memref<128x128xf32, #tpu.memory_space<vmem>>) offsets(%dma_start3A_97 : memref<128xi32, #tpu.memory_space<vmem>>) semaphore(%arg10 : memref<!tpu.dma_semaphore, #tpu.memory_space<semaphore_mem>>)
      %dma_wait3A = arith.constant 0 : i32
      %dma_wait3A_101 = arith.constant 0 : i32
      %dma_wait3A_102 = tpu.memref_slice %arg6[%dma_wait3A, %dma_wait3A_101] : memref<2x128xi32, #tpu.memory_space<vmem>> -> memref<1x128xi32, #tpu.memory_space<vmem>>
      %dma_wait3A_103 = tpu.memref_squeeze %dma_wait3A_102 : memref<1x128xi32, #tpu.memory_space<vmem>> -> memref<128xi32, #tpu.memory_space<vmem>>
      %dma_wait3A_104 = arith.constant 0 : i32
      %dma_wait3A_105 = arith.constant 0 : i32
      %dma_wait3A_106 = tpu.memref_slice %arg2[%dma_wait3A_104, %dma_wait3A_105] : memref<10000x128xf32, #tpu.memory_space<hbm>> -> memref<10000x128xf32, #tpu.memory_space<hbm>>
      tpu.wait_indirect_dma semaphore(%arg10 : memref<!tpu.dma_semaphore, #tpu.memory_space<semaphore_mem>>) src(%dma_wait3A_106 : memref<10000x128xf32, #tpu.memory_space<hbm>>) dst(%arg7 : memref<128x128xf32, #tpu.memory_space<vmem>>)
      %run_scoped3A = arith.constant 1 : i32
      "tpu.region"() ({
        %run_scoped3A_107 = tpu.sem_alloc : memref<!tpu.dma_semaphore, #tpu.memory_space<semaphore_mem>>
        %dma_start3A_108 = arith.constant 0 : i32
        %dma_start3A_109 = tpu.memref_slice %arg6[%run_scoped3A, %dma_start3A_108] : memref<2x128xi32, #tpu.memory_space<vmem>> -> memref<1x128xi32, #tpu.memory_space<vmem>>
        %dma_start3A_110 = tpu.memref_squeeze %dma_start3A_109 : memref<1x128xi32, #tpu.memory_space<vmem>> -> memref<128xi32, #tpu.memory_space<vmem>>
        %dma_start3A_111 = arith.constant 0 : i32
        %dma_start3A_112 = arith.constant 0 : i32
        %dma_start3A_113 = tpu.memref_slice %arg9[%dma_start3A_111, %dma_start3A_112] : memref<10240x128xf32, #tpu.memory_space<vmem_shared>> -> memref<10240x128xf32, #tpu.memory_space<vmem_shared>>
        tpu.enqueue_indirect_dma source(%arg7 : memref<128x128xf32, #tpu.memory_space<vmem>>) target(%dma_start3A_113 : memref<10240x128xf32, #tpu.memory_space<vmem_shared>>) offsets(%dma_start3A_110 : memref<128xi32, #tpu.memory_space<vmem>>) semaphore(%run_scoped3A_107 : memref<!tpu.dma_semaphore, #tpu.memory_space<semaphore_mem>>) {add = true}
        %dma_wait3A_114 = arith.constant 0 : i32
        %dma_wait3A_115 = tpu.memref_slice %arg6[%run_scoped3A, %dma_wait3A_114] : memref<2x128xi32, #tpu.memory_space<vmem>> -> memref<1x128xi32, #tpu.memory_space<vmem>>
        %dma_wait3A_116 = tpu.memref_squeeze %dma_wait3A_115 : memref<1x128xi32, #tpu.memory_space<vmem>> -> memref<128xi32, #tpu.memory_space<vmem>>
        %dma_wait3A_117 = arith.constant 0 : i32
        %dma_wait3A_118 = arith.constant 0 : i32
        %dma_wait3A_119 = tpu.memref_slice %arg9[%dma_wait3A_117, %dma_wait3A_118] : memref<10240x128xf32, #tpu.memory_space<vmem_shared>> -> memref<10240x128xf32, #tpu.memory_space<vmem_shared>>
        tpu.wait_indirect_dma semaphore(%run_scoped3A_107 : memref<!tpu.dma_semaphore, #tpu.memory_space<semaphore_mem>>) src(%arg7 : memref<128x128xf32, #tpu.memory_space<vmem>>) dst(%dma_wait3A_119 : memref<10240x128xf32, #tpu.memory_space<vmem_shared>>)
        tpu.yield
      }) : () -> ()
    }
    %while3A_49 = arith.constant 1 : i32
    scf.for %while3A_91 = %while3A_47 to %while3A_43 step %while3A_49  : i32 {
      %mul3A_92 = arith.constant 32 : i32
      %mul3A_93 = arith.muli %while3A_91, %mul3A_92 : i32
      %add3A_94 = arith.addi %add3A, %mul3A_93 : i32
      "tpu.region"() ({
        %run_scoped3A_107 = tpu.sem_alloc : memref<!tpu.dma_semaphore, #tpu.memory_space<semaphore_mem>>
        %dma_start3A_108 = arith.constant 0 : i32
        %dma_start3A_109 = arith.constant 0 : i32
        %dma_start3A_110 = tpu.memref_slice %arg3[%add3A_94, %dma_start3A_108, %dma_start3A_109] : memref<2500x2x128xi32, #tpu.memory_space<hbm>> -> memref<1x2x128xi32, #tpu.memory_space<hbm>>
        %dma_start3A_111 = tpu.memref_squeeze %dma_start3A_110 : memref<1x2x128xi32, #tpu.memory_space<hbm>> -> memref<2x128xi32, #tpu.memory_space<hbm>>
        %dma_start3A_112 = arith.constant 0 : i32
        %dma_start3A_113 = arith.constant 0 : i32
        %dma_start3A_114 = tpu.memref_slice %arg3[%add3A_94, %dma_start3A_112, %dma_start3A_113] : memref<2500x2x128xi32, #tpu.memory_space<hbm>> -> memref<1x2x128xi32, #tpu.memory_space<hbm>>
        %dma_start3A_115 = tpu.memref_squeeze %dma_start3A_114 : memref<1x2x128xi32, #tpu.memory_space<hbm>> -> memref<2x128xi32, #tpu.memory_space<hbm>>
        tpu.enqueue_dma source(%dma_start3A_115 : memref<2x128xi32, #tpu.memory_space<hbm>>) target(%arg6 : memref<2x128xi32, #tpu.memory_space<vmem>>) target_semaphore(%run_scoped3A_107 : memref<!tpu.dma_semaphore, #tpu.memory_space<semaphore_mem>>)
        %dma_wait3A_116 = arith.constant 0 : i32
        %dma_wait3A_117 = arith.constant 0 : i32
        %dma_wait3A_118 = tpu.memref_slice %arg3[%add3A_94, %dma_wait3A_116, %dma_wait3A_117] : memref<2500x2x128xi32, #tpu.memory_space<hbm>> -> memref<1x2x128xi32, #tpu.memory_space<hbm>>
        %dma_wait3A_119 = tpu.memref_squeeze %dma_wait3A_118 : memref<1x2x128xi32, #tpu.memory_space<hbm>> -> memref<2x128xi32, #tpu.memory_space<hbm>>
        %dma_wait3A_120 = arith.constant 0 : i32
        %dma_wait3A_121 = arith.constant 0 : i32
        %dma_wait3A_122 = tpu.memref_slice %arg3[%add3A_94, %dma_wait3A_120, %dma_wait3A_121] : memref<2500x2x128xi32, #tpu.memory_space<hbm>> -> memref<1x2x128xi32, #tpu.memory_space<hbm>>
        %dma_wait3A_123 = tpu.memref_squeeze %dma_wait3A_122 : memref<1x2x128xi32, #tpu.memory_space<hbm>> -> memref<2x128xi32, #tpu.memory_space<hbm>>
        tpu.wait_dma2 semaphore(%run_scoped3A_107 : memref<!tpu.dma_semaphore, #tpu.memory_space<semaphore_mem>>) src(%dma_wait3A_123 : memref<2x128xi32, #tpu.memory_space<hbm>>) dst(%arg6 : memref<2x128xi32, #tpu.memory_space<vmem>>)
        tpu.yield
      }) : () -> ()
      %dma_start3A = arith.constant 0 : i32
      %dma_start3A_95 = arith.constant 0 : i32
      %dma_start3A_96 = tpu.memref_slice %arg6[%dma_start3A, %dma_start3A_95] : memref<2x128xi32, #tpu.memory_space<vmem>> -> memref<1x128xi32, #tpu.memory_space<vmem>>
      %dma_start3A_97 = tpu.memref_squeeze %dma_start3A_96 : memref<1x128xi32, #tpu.memory_space<vmem>> -> memref<128xi32, #tpu.memory_space<vmem>>
      %dma_start3A_98 = arith.constant 0 : i32
      %dma_start3A_99 = arith.constant 0 : i32
      %dma_start3A_100 = tpu.memref_slice %arg2[%dma_start3A_98, %dma_start3A_99] : memref<10000x128xf32, #tpu.memory_space<hbm>> -> memref<10000x128xf32, #tpu.memory_space<hbm>>
      tpu.enqueue_indirect_dma source(%dma_start3A_100 : memref<10000x128xf32, #tpu.memory_space<hbm>>) target(%arg7 : memref<128x128xf32, #tpu.memory_space<vmem>>) offsets(%dma_start3A_97 : memref<128xi32, #tpu.memory_space<vmem>>) semaphore(%arg10 : memref<!tpu.dma_semaphore, #tpu.memory_space<semaphore_mem>>)
      %dma_wait3A = arith.constant 0 : i32
      %dma_wait3A_101 = arith.constant 0 : i32
      %dma_wait3A_102 = tpu.memref_slice %arg6[%dma_wait3A, %dma_wait3A_101] : memref<2x128xi32, #tpu.memory_space<vmem>> -> memref<1x128xi32, #tpu.memory_space<vmem>>
      %dma_wait3A_103 = tpu.memref_squeeze %dma_wait3A_102 : memref<1x128xi32, #tpu.memory_space<vmem>> -> memref<128xi32, #tpu.memory_space<vmem>>
      %dma_wait3A_104 = arith.constant 0 : i32
      %dma_wait3A_105 = arith.constant 0 : i32
      %dma_wait3A_106 = tpu.memref_slice %arg2[%dma_wait3A_104, %dma_wait3A_105] : memref<10000x128xf32, #tpu.memory_space<hbm>> -> memref<10000x128xf32, #tpu.memory_space<hbm>>
      tpu.wait_indirect_dma semaphore(%arg10 : memref<!tpu.dma_semaphore, #tpu.memory_space<semaphore_mem>>) src(%dma_wait3A_106 : memref<10000x128xf32, #tpu.memory_space<hbm>>) dst(%arg7 : memref<128x128xf32, #tpu.memory_space<vmem>>)
      %run_scoped3A = arith.constant 1 : i32
      "tpu.region"() ({
        %run_scoped3A_107 = tpu.sem_alloc : memref<!tpu.dma_semaphore, #tpu.memory_space<semaphore_mem>>
        %dma_start3A_108 = arith.constant 0 : i32
        %dma_start3A_109 = tpu.memref_slice %arg6[%run_scoped3A, %dma_start3A_108] : memref<2x128xi32, #tpu.memory_space<vmem>> -> memref<1x128xi32, #tpu.memory_space<vmem>>
        %dma_start3A_110 = tpu.memref_squeeze %dma_start3A_109 : memref<1x128xi32, #tpu.memory_space<vmem>> -> memref<128xi32, #tpu.memory_space<vmem>>
        %dma_start3A_111 = arith.constant 0 : i32
        %dma_start3A_112 = arith.constant 0 : i32
        %dma_start3A_113 = tpu.memref_slice %arg9[%dma_start3A_111, %dma_start3A_112] : memref<10240x128xf32, #tpu.memory_space<vmem_shared>> -> memref<10240x128xf32, #tpu.memory_space<vmem_shared>>
        tpu.enqueue_indirect_dma source(%arg7 : memref<128x128xf32, #tpu.memory_space<vmem>>) target(%dma_start3A_113 : memref<10240x128xf32, #tpu.memory_space<vmem_shared>>) offsets(%dma_start3A_110 : memref<128xi32, #tpu.memory_space<vmem>>) semaphore(%run_scoped3A_107 : memref<!tpu.dma_semaphore, #tpu.memory_space<semaphore_mem>>) {add = true}
        %dma_wait3A_114 = arith.constant 0 : i32
        %dma_wait3A_115 = tpu.memref_slice %arg6[%run_scoped3A, %dma_wait3A_114] : memref<2x128xi32, #tpu.memory_space<vmem>> -> memref<1x128xi32, #tpu.memory_space<vmem>>
        %dma_wait3A_116 = tpu.memref_squeeze %dma_wait3A_115 : memref<1x128xi32, #tpu.memory_space<vmem>> -> memref<128xi32, #tpu.memory_space<vmem>>
        %dma_wait3A_117 = arith.constant 0 : i32
        %dma_wait3A_118 = arith.constant 0 : i32
        %dma_wait3A_119 = tpu.memref_slice %arg9[%dma_wait3A_117, %dma_wait3A_118] : memref<10240x128xf32, #tpu.memory_space<vmem_shared>> -> memref<10240x128xf32, #tpu.memory_space<vmem_shared>>
        tpu.wait_indirect_dma semaphore(%run_scoped3A_107 : memref<!tpu.dma_semaphore, #tpu.memory_space<semaphore_mem>>) src(%arg7 : memref<128x128xf32, #tpu.memory_space<vmem>>) dst(%dma_wait3A_119 : memref<10240x128xf32, #tpu.memory_space<vmem_shared>>)
        tpu.yield
      }) : () -> ()
    }
    %barrier3A_50 = arith.constant 0 : index
    tpu.barrier barrier_id(%barrier3A_50)
    %mul3A_51 = arith.constant 640 : i32
    %mul3A_52 = arith.muli %arg1, %mul3A_51 : i32
    %add3A_53 = arith.constant 0 : i32
    %add3A_54 = arith.addi %mul3A_52, %add3A_53 : i32
    "tpu.region"() ({
      %run_scoped3A = tpu.sem_alloc : memref<!tpu.dma_semaphore, #tpu.memory_space<semaphore_mem>>
      %dma_start3A = arith.constant 0 : i32
      %dma_start3A_91 = tpu.memref_slice %arg9[%add3A_54, %dma_start3A] : memref<10240x128xf32, #tpu.memory_space<vmem_shared>> -> memref<128x128xf32, #tpu.memory_space<vmem_shared>>
      %dma_start3A_92 = arith.constant 0 : i32
      %dma_start3A_93 = tpu.memref_slice %arg9[%add3A_54, %dma_start3A_92] : memref<10240x128xf32, #tpu.memory_space<vmem_shared>> -> memref<128x128xf32, #tpu.memory_space<vmem_shared>>
      tpu.enqueue_dma source(%dma_start3A_93 : memref<128x128xf32, #tpu.memory_space<vmem_shared>>) target(%arg8 : memref<128x128xf32, #tpu.memory_space<vmem>>) target_semaphore(%run_scoped3A : memref<!tpu.dma_semaphore, #tpu.memory_space<semaphore_mem>>)
      %dma_wait3A = arith.constant 0 : i32
      %dma_wait3A_94 = tpu.memref_slice %arg9[%add3A_54, %dma_wait3A] : memref<10240x128xf32, #tpu.memory_space<vmem_shared>> -> memref<128x128xf32, #tpu.memory_space<vmem_shared>>
      %dma_wait3A_95 = arith.constant 0 : i32
      %dma_wait3A_96 = tpu.memref_slice %arg9[%add3A_54, %dma_wait3A_95] : memref<10240x128xf32, #tpu.memory_space<vmem_shared>> -> memref<128x128xf32, #tpu.memory_space<vmem_shared>>
      tpu.wait_dma2 semaphore(%run_scoped3A : memref<!tpu.dma_semaphore, #tpu.memory_space<semaphore_mem>>) src(%dma_wait3A_96 : memref<128x128xf32, #tpu.memory_space<vmem_shared>>) dst(%arg8 : memref<128x128xf32, #tpu.memory_space<vmem>>)
      tpu.yield
    }) : () -> ()
    %mul3A_55 = arith.constant 640 : i32
    %mul3A_56 = arith.muli %arg1, %mul3A_55 : i32
    %add3A_57 = arith.constant 0 : i32
    %add3A_58 = arith.addi %mul3A_56, %add3A_57 : i32
    "tpu.region"() ({
      %run_scoped3A = tpu.sem_alloc : memref<!tpu.dma_semaphore, #tpu.memory_space<semaphore_mem>>
      %dma_start3A = arith.constant 0 : i32
      %dma_start3A_91 = tpu.memref_slice %arg5[%arg0, %add3A_58, %dma_start3A] : memref<2x10240x128xf32, #tpu.memory_space<hbm>> -> memref<1x128x128xf32, #tpu.memory_space<hbm>>
      %dma_start3A_92 = tpu.memref_squeeze %dma_start3A_91 : memref<1x128x128xf32, #tpu.memory_space<hbm>> -> memref<128x128xf32, #tpu.memory_space<hbm>>
      %dma_start3A_93 = arith.constant 0 : i32
      %dma_start3A_94 = tpu.memref_slice %arg5[%arg0, %add3A_58, %dma_start3A_93] : memref<2x10240x128xf32, #tpu.memory_space<hbm>> -> memref<1x128x128xf32, #tpu.memory_space<hbm>>
      %dma_start3A_95 = tpu.memref_squeeze %dma_start3A_94 : memref<1x128x128xf32, #tpu.memory_space<hbm>> -> memref<128x128xf32, #tpu.memory_space<hbm>>
      tpu.enqueue_dma source(%arg8 : memref<128x128xf32, #tpu.memory_space<vmem>>) target(%dma_start3A_95 : memref<128x128xf32, #tpu.memory_space<hbm>>) target_semaphore(%run_scoped3A : memref<!tpu.dma_semaphore, #tpu.memory_space<semaphore_mem>>)
      %dma_wait3A = arith.constant 0 : i32
      %dma_wait3A_96 = tpu.memref_slice %arg5[%arg0, %add3A_58, %dma_wait3A] : memref<2x10240x128xf32, #tpu.memory_space<hbm>> -> memref<1x128x128xf32, #tpu.memory_space<hbm>>
      %dma_wait3A_97 = tpu.memref_squeeze %dma_wait3A_96 : memref<1x128x128xf32, #tpu.memory_space<hbm>> -> memref<128x128xf32, #tpu.memory_space<hbm>>
      %dma_wait3A_98 = arith.constant 0 : i32
      %dma_wait3A_99 = tpu.memref_slice %arg5[%arg0, %add3A_58, %dma_wait3A_98] : memref<2x10240x128xf32, #tpu.memory_space<hbm>> -> memref<1x128x128xf32, #tpu.memory_space<hbm>>
      %dma_wait3A_100 = tpu.memref_squeeze %dma_wait3A_99 : memref<1x128x128xf32, #tpu.memory_space<hbm>> -> memref<128x128xf32, #tpu.memory_space<hbm>>
      tpu.wait_dma2 semaphore(%run_scoped3A : memref<!tpu.dma_semaphore, #tpu.memory_space<semaphore_mem>>) src(%arg8 : memref<128x128xf32, #tpu.memory_space<vmem>>) dst(%dma_wait3A_100 : memref<128x128xf32, #tpu.memory_space<hbm>>)
      tpu.yield
    }) : () -> ()
    %mul3A_59 = arith.constant 640 : i32
    %mul3A_60 = arith.muli %arg1, %mul3A_59 : i32
    %add3A_61 = arith.constant 128 : i32
    %add3A_62 = arith.addi %mul3A_60, %add3A_61 : i32
    "tpu.region"() ({
      %run_scoped3A = tpu.sem_alloc : memref<!tpu.dma_semaphore, #tpu.memory_space<semaphore_mem>>
      %dma_start3A = arith.constant 0 : i32
      %dma_start3A_91 = tpu.memref_slice %arg9[%add3A_62, %dma_start3A] : memref<10240x128xf32, #tpu.memory_space<vmem_shared>> -> memref<128x128xf32, #tpu.memory_space<vmem_shared>>
      %dma_start3A_92 = arith.constant 0 : i32
      %dma_start3A_93 = tpu.memref_slice %arg9[%add3A_62, %dma_start3A_92] : memref<10240x128xf32, #tpu.memory_space<vmem_shared>> -> memref<128x128xf32, #tpu.memory_space<vmem_shared>>
      tpu.enqueue_dma source(%dma_start3A_93 : memref<128x128xf32, #tpu.memory_space<vmem_shared>>) target(%arg8 : memref<128x128xf32, #tpu.memory_space<vmem>>) target_semaphore(%run_scoped3A : memref<!tpu.dma_semaphore, #tpu.memory_space<semaphore_mem>>)
      %dma_wait3A = arith.constant 0 : i32
      %dma_wait3A_94 = tpu.memref_slice %arg9[%add3A_62, %dma_wait3A] : memref<10240x128xf32, #tpu.memory_space<vmem_shared>> -> memref<128x128xf32, #tpu.memory_space<vmem_shared>>
      %dma_wait3A_95 = arith.constant 0 : i32
      %dma_wait3A_96 = tpu.memref_slice %arg9[%add3A_62, %dma_wait3A_95] : memref<10240x128xf32, #tpu.memory_space<vmem_shared>> -> memref<128x128xf32, #tpu.memory_space<vmem_shared>>
      tpu.wait_dma2 semaphore(%run_scoped3A : memref<!tpu.dma_semaphore, #tpu.memory_space<semaphore_mem>>) src(%dma_wait3A_96 : memref<128x128xf32, #tpu.memory_space<vmem_shared>>) dst(%arg8 : memref<128x128xf32, #tpu.memory_space<vmem>>)
      tpu.yield
    }) : () -> ()
    %mul3A_63 = arith.constant 640 : i32
    %mul3A_64 = arith.muli %arg1, %mul3A_63 : i32
    %add3A_65 = arith.constant 128 : i32
    %add3A_66 = arith.addi %mul3A_64, %add3A_65 : i32
    "tpu.region"() ({
      %run_scoped3A = tpu.sem_alloc : memref<!tpu.dma_semaphore, #tpu.memory_space<semaphore_mem>>
      %dma_start3A = arith.constant 0 : i32
      %dma_start3A_91 = tpu.memref_slice %arg5[%arg0, %add3A_66, %dma_start3A] : memref<2x10240x128xf32, #tpu.memory_space<hbm>> -> memref<1x128x128xf32, #tpu.memory_space<hbm>>
      %dma_start3A_92 = tpu.memref_squeeze %dma_start3A_91 : memref<1x128x128xf32, #tpu.memory_space<hbm>> -> memref<128x128xf32, #tpu.memory_space<hbm>>
      %dma_start3A_93 = arith.constant 0 : i32
      %dma_start3A_94 = tpu.memref_slice %arg5[%arg0, %add3A_66, %dma_start3A_93] : memref<2x10240x128xf32, #tpu.memory_space<hbm>> -> memref<1x128x128xf32, #tpu.memory_space<hbm>>
      %dma_start3A_95 = tpu.memref_squeeze %dma_start3A_94 : memref<1x128x128xf32, #tpu.memory_space<hbm>> -> memref<128x128xf32, #tpu.memory_space<hbm>>
      tpu.enqueue_dma source(%arg8 : memref<128x128xf32, #tpu.memory_space<vmem>>) target(%dma_start3A_95 : memref<128x128xf32, #tpu.memory_space<hbm>>) target_semaphore(%run_scoped3A : memref<!tpu.dma_semaphore, #tpu.memory_space<semaphore_mem>>)
      %dma_wait3A = arith.constant 0 : i32
      %dma_wait3A_96 = tpu.memref_slice %arg5[%arg0, %add3A_66, %dma_wait3A] : memref<2x10240x128xf32, #tpu.memory_space<hbm>> -> memref<1x128x128xf32, #tpu.memory_space<hbm>>
      %dma_wait3A_97 = tpu.memref_squeeze %dma_wait3A_96 : memref<1x128x128xf32, #tpu.memory_space<hbm>> -> memref<128x128xf32, #tpu.memory_space<hbm>>
      %dma_wait3A_98 = arith.constant 0 : i32
      %dma_wait3A_99 = tpu.memref_slice %arg5[%arg0, %add3A_66, %dma_wait3A_98] : memref<2x10240x128xf32, #tpu.memory_space<hbm>> -> memref<1x128x128xf32, #tpu.memory_space<hbm>>
      %dma_wait3A_100 = tpu.memref_squeeze %dma_wait3A_99 : memref<1x128x128xf32, #tpu.memory_space<hbm>> -> memref<128x128xf32, #tpu.memory_space<hbm>>
      tpu.wait_dma2 semaphore(%run_scoped3A : memref<!tpu.dma_semaphore, #tpu.memory_space<semaphore_mem>>) src(%arg8 : memref<128x128xf32, #tpu.memory_space<vmem>>) dst(%dma_wait3A_100 : memref<128x128xf32, #tpu.memory_space<hbm>>)
      tpu.yield
    }) : () -> ()
    %mul3A_67 = arith.constant 640 : i32
    %mul3A_68 = arith.muli %arg1, %mul3A_67 : i32
    %add3A_69 = arith.constant 256 : i32
    %add3A_70 = arith.addi %mul3A_68, %add3A_69 : i32
    "tpu.region"() ({
      %run_scoped3A = tpu.sem_alloc : memref<!tpu.dma_semaphore, #tpu.memory_space<semaphore_mem>>
      %dma_start3A = arith.constant 0 : i32
      %dma_start3A_91 = tpu.memref_slice %arg9[%add3A_70, %dma_start3A] : memref<10240x128xf32, #tpu.memory_space<vmem_shared>> -> memref<128x128xf32, #tpu.memory_space<vmem_shared>>
      %dma_start3A_92 = arith.constant 0 : i32
      %dma_start3A_93 = tpu.memref_slice %arg9[%add3A_70, %dma_start3A_92] : memref<10240x128xf32, #tpu.memory_space<vmem_shared>> -> memref<128x128xf32, #tpu.memory_space<vmem_shared>>
      tpu.enqueue_dma source(%dma_start3A_93 : memref<128x128xf32, #tpu.memory_space<vmem_shared>>) target(%arg8 : memref<128x128xf32, #tpu.memory_space<vmem>>) target_semaphore(%run_scoped3A : memref<!tpu.dma_semaphore, #tpu.memory_space<semaphore_mem>>)
      %dma_wait3A = arith.constant 0 : i32
      %dma_wait3A_94 = tpu.memref_slice %arg9[%add3A_70, %dma_wait3A] : memref<10240x128xf32, #tpu.memory_space<vmem_shared>> -> memref<128x128xf32, #tpu.memory_space<vmem_shared>>
      %dma_wait3A_95 = arith.constant 0 : i32
      %dma_wait3A_96 = tpu.memref_slice %arg9[%add3A_70, %dma_wait3A_95] : memref<10240x128xf32, #tpu.memory_space<vmem_shared>> -> memref<128x128xf32, #tpu.memory_space<vmem_shared>>
      tpu.wait_dma2 semaphore(%run_scoped3A : memref<!tpu.dma_semaphore, #tpu.memory_space<semaphore_mem>>) src(%dma_wait3A_96 : memref<128x128xf32, #tpu.memory_space<vmem_shared>>) dst(%arg8 : memref<128x128xf32, #tpu.memory_space<vmem>>)
      tpu.yield
    }) : () -> ()
    %mul3A_71 = arith.constant 640 : i32
    %mul3A_72 = arith.muli %arg1, %mul3A_71 : i32
    %add3A_73 = arith.constant 256 : i32
    %add3A_74 = arith.addi %mul3A_72, %add3A_73 : i32
    "tpu.region"() ({
      %run_scoped3A = tpu.sem_alloc : memref<!tpu.dma_semaphore, #tpu.memory_space<semaphore_mem>>
      %dma_start3A = arith.constant 0 : i32
      %dma_start3A_91 = tpu.memref_slice %arg5[%arg0, %add3A_74, %dma_start3A] : memref<2x10240x128xf32, #tpu.memory_space<hbm>> -> memref<1x128x128xf32, #tpu.memory_space<hbm>>
      %dma_start3A_92 = tpu.memref_squeeze %dma_start3A_91 : memref<1x128x128xf32, #tpu.memory_space<hbm>> -> memref<128x128xf32, #tpu.memory_space<hbm>>
      %dma_start3A_93 = arith.constant 0 : i32
      %dma_start3A_94 = tpu.memref_slice %arg5[%arg0, %add3A_74, %dma_start3A_93] : memref<2x10240x128xf32, #tpu.memory_space<hbm>> -> memref<1x128x128xf32, #tpu.memory_space<hbm>>
      %dma_start3A_95 = tpu.memref_squeeze %dma_start3A_94 : memref<1x128x128xf32, #tpu.memory_space<hbm>> -> memref<128x128xf32, #tpu.memory_space<hbm>>
      tpu.enqueue_dma source(%arg8 : memref<128x128xf32, #tpu.memory_space<vmem>>) target(%dma_start3A_95 : memref<128x128xf32, #tpu.memory_space<hbm>>) target_semaphore(%run_scoped3A : memref<!tpu.dma_semaphore, #tpu.memory_space<semaphore_mem>>)
      %dma_wait3A = arith.constant 0 : i32
      %dma_wait3A_96 = tpu.memref_slice %arg5[%arg0, %add3A_74, %dma_wait3A] : memref<2x10240x128xf32, #tpu.memory_space<hbm>> -> memref<1x128x128xf32, #tpu.memory_space<hbm>>
      %dma_wait3A_97 = tpu.memref_squeeze %dma_wait3A_96 : memref<1x128x128xf32, #tpu.memory_space<hbm>> -> memref<128x128xf32, #tpu.memory_space<hbm>>
      %dma_wait3A_98 = arith.constant 0 : i32
      %dma_wait3A_99 = tpu.memref_slice %arg5[%arg0, %add3A_74, %dma_wait3A_98] : memref<2x10240x128xf32, #tpu.memory_space<hbm>> -> memref<1x128x128xf32, #tpu.memory_space<hbm>>
      %dma_wait3A_100 = tpu.memref_squeeze %dma_wait3A_99 : memref<1x128x128xf32, #tpu.memory_space<hbm>> -> memref<128x128xf32, #tpu.memory_space<hbm>>
      tpu.wait_dma2 semaphore(%run_scoped3A : memref<!tpu.dma_semaphore, #tpu.memory_space<semaphore_mem>>) src(%arg8 : memref<128x128xf32, #tpu.memory_space<vmem>>) dst(%dma_wait3A_100 : memref<128x128xf32, #tpu.memory_space<hbm>>)
      tpu.yield
    }) : () -> ()
    %mul3A_75 = arith.constant 640 : i32
    %mul3A_76 = arith.muli %arg1, %mul3A_75 : i32
    %add3A_77 = arith.constant 384 : i32
    %add3A_78 = arith.addi %mul3A_76, %add3A_77 : i32
    "tpu.region"() ({
      %run_scoped3A = tpu.sem_alloc : memref<!tpu.dma_semaphore, #tpu.memory_space<semaphore_mem>>
      %dma_start3A = arith.constant 0 : i32
      %dma_start3A_91 = tpu.memref_slice %arg9[%add3A_78, %dma_start3A] : memref<10240x128xf32, #tpu.memory_space<vmem_shared>> -> memref<128x128xf32, #tpu.memory_space<vmem_shared>>
      %dma_start3A_92 = arith.constant 0 : i32
      %dma_start3A_93 = tpu.memref_slice %arg9[%add3A_78, %dma_start3A_92] : memref<10240x128xf32, #tpu.memory_space<vmem_shared>> -> memref<128x128xf32, #tpu.memory_space<vmem_shared>>
      tpu.enqueue_dma source(%dma_start3A_93 : memref<128x128xf32, #tpu.memory_space<vmem_shared>>) target(%arg8 : memref<128x128xf32, #tpu.memory_space<vmem>>) target_semaphore(%run_scoped3A : memref<!tpu.dma_semaphore, #tpu.memory_space<semaphore_mem>>)
      %dma_wait3A = arith.constant 0 : i32
      %dma_wait3A_94 = tpu.memref_slice %arg9[%add3A_78, %dma_wait3A] : memref<10240x128xf32, #tpu.memory_space<vmem_shared>> -> memref<128x128xf32, #tpu.memory_space<vmem_shared>>
      %dma_wait3A_95 = arith.constant 0 : i32
      %dma_wait3A_96 = tpu.memref_slice %arg9[%add3A_78, %dma_wait3A_95] : memref<10240x128xf32, #tpu.memory_space<vmem_shared>> -> memref<128x128xf32, #tpu.memory_space<vmem_shared>>
      tpu.wait_dma2 semaphore(%run_scoped3A : memref<!tpu.dma_semaphore, #tpu.memory_space<semaphore_mem>>) src(%dma_wait3A_96 : memref<128x128xf32, #tpu.memory_space<vmem_shared>>) dst(%arg8 : memref<128x128xf32, #tpu.memory_space<vmem>>)
      tpu.yield
    }) : () -> ()
    %mul3A_79 = arith.constant 640 : i32
    %mul3A_80 = arith.muli %arg1, %mul3A_79 : i32
    %add3A_81 = arith.constant 384 : i32
    %add3A_82 = arith.addi %mul3A_80, %add3A_81 : i32
    "tpu.region"() ({
      %run_scoped3A = tpu.sem_alloc : memref<!tpu.dma_semaphore, #tpu.memory_space<semaphore_mem>>
      %dma_start3A = arith.constant 0 : i32
      %dma_start3A_91 = tpu.memref_slice %arg5[%arg0, %add3A_82, %dma_start3A] : memref<2x10240x128xf32, #tpu.memory_space<hbm>> -> memref<1x128x128xf32, #tpu.memory_space<hbm>>
      %dma_start3A_92 = tpu.memref_squeeze %dma_start3A_91 : memref<1x128x128xf32, #tpu.memory_space<hbm>> -> memref<128x128xf32, #tpu.memory_space<hbm>>
      %dma_start3A_93 = arith.constant 0 : i32
      %dma_start3A_94 = tpu.memref_slice %arg5[%arg0, %add3A_82, %dma_start3A_93] : memref<2x10240x128xf32, #tpu.memory_space<hbm>> -> memref<1x128x128xf32, #tpu.memory_space<hbm>>
      %dma_start3A_95 = tpu.memref_squeeze %dma_start3A_94 : memref<1x128x128xf32, #tpu.memory_space<hbm>> -> memref<128x128xf32, #tpu.memory_space<hbm>>
      tpu.enqueue_dma source(%arg8 : memref<128x128xf32, #tpu.memory_space<vmem>>) target(%dma_start3A_95 : memref<128x128xf32, #tpu.memory_space<hbm>>) target_semaphore(%run_scoped3A : memref<!tpu.dma_semaphore, #tpu.memory_space<semaphore_mem>>)
      %dma_wait3A = arith.constant 0 : i32
      %dma_wait3A_96 = tpu.memref_slice %arg5[%arg0, %add3A_82, %dma_wait3A] : memref<2x10240x128xf32, #tpu.memory_space<hbm>> -> memref<1x128x128xf32, #tpu.memory_space<hbm>>
      %dma_wait3A_97 = tpu.memref_squeeze %dma_wait3A_96 : memref<1x128x128xf32, #tpu.memory_space<hbm>> -> memref<128x128xf32, #tpu.memory_space<hbm>>
      %dma_wait3A_98 = arith.constant 0 : i32
      %dma_wait3A_99 = tpu.memref_slice %arg5[%arg0, %add3A_82, %dma_wait3A_98] : memref<2x10240x128xf32, #tpu.memory_space<hbm>> -> memref<1x128x128xf32, #tpu.memory_space<hbm>>
      %dma_wait3A_100 = tpu.memref_squeeze %dma_wait3A_99 : memref<1x128x128xf32, #tpu.memory_space<hbm>> -> memref<128x128xf32, #tpu.memory_space<hbm>>
      tpu.wait_dma2 semaphore(%run_scoped3A : memref<!tpu.dma_semaphore, #tpu.memory_space<semaphore_mem>>) src(%arg8 : memref<128x128xf32, #tpu.memory_space<vmem>>) dst(%dma_wait3A_100 : memref<128x128xf32, #tpu.memory_space<hbm>>)
      tpu.yield
    }) : () -> ()
    %mul3A_83 = arith.constant 640 : i32
    %mul3A_84 = arith.muli %arg1, %mul3A_83 : i32
    %add3A_85 = arith.constant 512 : i32
    %add3A_86 = arith.addi %mul3A_84, %add3A_85 : i32
    "tpu.region"() ({
      %run_scoped3A = tpu.sem_alloc : memref<!tpu.dma_semaphore, #tpu.memory_space<semaphore_mem>>
      %dma_start3A = arith.constant 0 : i32
      %dma_start3A_91 = tpu.memref_slice %arg9[%add3A_86, %dma_start3A] : memref<10240x128xf32, #tpu.memory_space<vmem_shared>> -> memref<128x128xf32, #tpu.memory_space<vmem_shared>>
      %dma_start3A_92 = arith.constant 0 : i32
      %dma_start3A_93 = tpu.memref_slice %arg9[%add3A_86, %dma_start3A_92] : memref<10240x128xf32, #tpu.memory_space<vmem_shared>> -> memref<128x128xf32, #tpu.memory_space<vmem_shared>>
      tpu.enqueue_dma source(%dma_start3A_93 : memref<128x128xf32, #tpu.memory_space<vmem_shared>>) target(%arg8 : memref<128x128xf32, #tpu.memory_space<vmem>>) target_semaphore(%run_scoped3A : memref<!tpu.dma_semaphore, #tpu.memory_space<semaphore_mem>>)
      %dma_wait3A = arith.constant 0 : i32
      %dma_wait3A_94 = tpu.memref_slice %arg9[%add3A_86, %dma_wait3A] : memref<10240x128xf32, #tpu.memory_space<vmem_shared>> -> memref<128x128xf32, #tpu.memory_space<vmem_shared>>
      %dma_wait3A_95 = arith.constant 0 : i32
      %dma_wait3A_96 = tpu.memref_slice %arg9[%add3A_86, %dma_wait3A_95] : memref<10240x128xf32, #tpu.memory_space<vmem_shared>> -> memref<128x128xf32, #tpu.memory_space<vmem_shared>>
      tpu.wait_dma2 semaphore(%run_scoped3A : memref<!tpu.dma_semaphore, #tpu.memory_space<semaphore_mem>>) src(%dma_wait3A_96 : memref<128x128xf32, #tpu.memory_space<vmem_shared>>) dst(%arg8 : memref<128x128xf32, #tpu.memory_space<vmem>>)
      tpu.yield
    }) : () -> ()
    %mul3A_87 = arith.constant 640 : i32
    %mul3A_88 = arith.muli %arg1, %mul3A_87 : i32
    %add3A_89 = arith.constant 512 : i32
    %add3A_90 = arith.addi %mul3A_88, %add3A_89 : i32
    "tpu.region"() ({
      %run_scoped3A = tpu.sem_alloc : memref<!tpu.dma_semaphore, #tpu.memory_space<semaphore_mem>>
      %dma_start3A = arith.constant 0 : i32
      %dma_start3A_91 = tpu.memref_slice %arg5[%arg0, %add3A_90, %dma_start3A] : memref<2x10240x128xf32, #tpu.memory_space<hbm>> -> memref<1x128x128xf32, #tpu.memory_space<hbm>>
      %dma_start3A_92 = tpu.memref_squeeze %dma_start3A_91 : memref<1x128x128xf32, #tpu.memory_space<hbm>> -> memref<128x128xf32, #tpu.memory_space<hbm>>
      %dma_start3A_93 = arith.constant 0 : i32
      %dma_start3A_94 = tpu.memref_slice %arg5[%arg0, %add3A_90, %dma_start3A_93] : memref<2x10240x128xf32, #tpu.memory_space<hbm>> -> memref<1x128x128xf32, #tpu.memory_space<hbm>>
      %dma_start3A_95 = tpu.memref_squeeze %dma_start3A_94 : memref<1x128x128xf32, #tpu.memory_space<hbm>> -> memref<128x128xf32, #tpu.memory_space<hbm>>
      tpu.enqueue_dma source(%arg8 : memref<128x128xf32, #tpu.memory_space<vmem>>) target(%dma_start3A_95 : memref<128x128xf32, #tpu.memory_space<hbm>>) target_semaphore(%run_scoped3A : memref<!tpu.dma_semaphore, #tpu.memory_space<semaphore_mem>>)
      %dma_wait3A = arith.constant 0 : i32
      %dma_wait3A_96 = tpu.memref_slice %arg5[%arg0, %add3A_90, %dma_wait3A] : memref<2x10240x128xf32, #tpu.memory_space<hbm>> -> memref<1x128x128xf32, #tpu.memory_space<hbm>>
      %dma_wait3A_97 = tpu.memref_squeeze %dma_wait3A_96 : memref<1x128x128xf32, #tpu.memory_space<hbm>> -> memref<128x128xf32, #tpu.memory_space<hbm>>
      %dma_wait3A_98 = arith.constant 0 : i32
      %dma_wait3A_99 = tpu.memref_slice %arg5[%arg0, %add3A_90, %dma_wait3A_98] : memref<2x10240x128xf32, #tpu.memory_space<hbm>> -> memref<1x128x128xf32, #tpu.memory_space<hbm>>
      %dma_wait3A_100 = tpu.memref_squeeze %dma_wait3A_99 : memref<1x128x128xf32, #tpu.memory_space<hbm>> -> memref<128x128xf32, #tpu.memory_space<hbm>>
      tpu.wait_dma2 semaphore(%run_scoped3A : memref<!tpu.dma_semaphore, #tpu.memory_space<semaphore_mem>>) src(%arg8 : memref<128x128xf32, #tpu.memory_space<vmem>>) dst(%dma_wait3A_100 : memref<128x128xf32, #tpu.memory_space<hbm>>)
      tpu.yield
    }) : () -> ()
    return
  }
}

#map = affine_map<(d0, d1) -> (0, 0)>
#map1 = affine_map<(d0, d1) -> (0, 0, 0)>
module attributes {stable_mosaic.version = 14 : i64} {
  func.func @_scat_body(%arg0: i32, %arg1: i32, %arg2: memref<10000x128xf32, #tpu.memory_space<hbm>>, %arg3: memref<2500x2x128xi32, #tpu.memory_space<hbm>>, %arg4: memref<128x128xf32, #tpu.memory_space<hbm>>, %arg5: memref<2x10240x128xf32, #tpu.memory_space<hbm>>, %arg6: memref<2x128xi32, #tpu.memory_space<vmem>>, %arg7: memref<128x128xf32, #tpu.memory_space<vmem>>, %arg8: memref<128x128xf32, #tpu.memory_space<vmem>>, %arg9: memref<10240x128xf32, #tpu.memory_space<vmem_shared>>, %arg10: memref<!tpu.dma_semaphore, #tpu.memory_space<semaphore_mem>>) attributes {dimension_semantics = [#tpu.dimension_semantics<core_parallel>, #tpu.dimension_semantics<subcore_parallel>], iteration_bounds = array<i64: 2, 16>, scalar_prefetch = 0 : i64, scratch_operands = 5 : i64, tpu.core_type = #tpu.core_type<sc_vector_subcore>, window_params = [{transform_indices = #map}, {transform_indices = #map1}, {transform_indices = #map}, {transform_indices = #map1}]} {
    %mul3A = arith.constant 2 : i32
    %mul3A_0 = arith.muli %arg1, %mul3A : i32
    %add3A = arith.addi %mul3A_0, %arg0 : i32
    "tpu.region"() ({
      %run_scoped3A = tpu.sem_alloc : memref<!tpu.dma_semaphore, #tpu.memory_space<semaphore_mem>>
      tpu.enqueue_dma source(%arg4 : memref<128x128xf32, #tpu.memory_space<hbm>>) target(%arg8 : memref<128x128xf32, #tpu.memory_space<vmem>>) target_semaphore(%run_scoped3A : memref<!tpu.dma_semaphore, #tpu.memory_space<semaphore_mem>>)
      tpu.wait_dma2 semaphore(%run_scoped3A : memref<!tpu.dma_semaphore, #tpu.memory_space<semaphore_mem>>) src(%arg4 : memref<128x128xf32, #tpu.memory_space<hbm>>) dst(%arg8 : memref<128x128xf32, #tpu.memory_space<vmem>>)
      tpu.yield
    }) : () -> ()
    %mul3A_1 = arith.constant 640 : i32
    %mul3A_2 = arith.muli %arg1, %mul3A_1 : i32
    %add3A_3 = arith.constant 0 : i32
    %add3A_4 = arith.addi %mul3A_2, %add3A_3 : i32
    "tpu.region"() ({
      %run_scoped3A = tpu.sem_alloc : memref<!tpu.dma_semaphore, #tpu.memory_space<semaphore_mem>>
      %dma_start3A = arith.constant 0 : i32
      %dma_start3A_91 = tpu.memref_slice %arg9[%add3A_4, %dma_start3A] : memref<10240x128xf32, #tpu.memory_space<vmem_shared>> -> memref<128x128xf32, #tpu.memory_space<vmem_shared>>
      %dma_start3A_92 = arith.constant 0 : i32
      %dma_start3A_93 = tpu.memref_slice %arg9[%add3A_4, %dma_start3A_92] : memref<10240x128xf32, #tpu.memory_space<vmem_shared>> -> memref<128x128xf32, #tpu.memory_space<vmem_shared>>
      tpu.enqueue_dma source(%arg8 : memref<128x128xf32, #tpu.memory_space<vmem>>) target(%dma_start3A_93 : memref<128x128xf32, #tpu.memory_space<vmem_shared>>) target_semaphore(%run_scoped3A : memref<!tpu.dma_semaphore, #tpu.memory_space<semaphore_mem>>)
      %dma_wait3A = arith.constant 0 : i32
      %dma_wait3A_94 = tpu.memref_slice %arg9[%add3A_4, %dma_wait3A] : memref<10240x128xf32, #tpu.memory_space<vmem_shared>> -> memref<128x128xf32, #tpu.memory_space<vmem_shared>>
      %dma_wait3A_95 = arith.constant 0 : i32
      %dma_wait3A_96 = tpu.memref_slice %arg9[%add3A_4, %dma_wait3A_95] : memref<10240x128xf32, #tpu.memory_space<vmem_shared>> -> memref<128x128xf32, #tpu.memory_space<vmem_shared>>
      tpu.wait_dma2 semaphore(%run_scoped3A : memref<!tpu.dma_semaphore, #tpu.memory_space<semaphore_mem>>) src(%arg8 : memref<128x128xf32, #tpu.memory_space<vmem>>) dst(%dma_wait3A_96 : memref<128x128xf32, #tpu.memory_space<vmem_shared>>)
      tpu.yield
    }) : () -> ()
    %mul3A_5 = arith.constant 640 : i32
    %mul3A_6 = arith.muli %arg1, %mul3A_5 : i32
    %add3A_7 = arith.constant 128 : i32
    %add3A_8 = arith.addi %mul3A_6, %add3A_7 : i32
    "tpu.region"() ({
      %run_scoped3A = tpu.sem_alloc : memref<!tpu.dma_semaphore, #tpu.memory_space<semaphore_mem>>
      %dma_start3A = arith.constant 0 : i32
      %dma_start3A_91 = tpu.memref_slice %arg9[%add3A_8, %dma_start3A] : memref<10240x128xf32, #tpu.memory_space<vmem_shared>> -> memref<128x128xf32, #tpu.memory_space<vmem_shared>>
      %dma_start3A_92 = arith.constant 0 : i32
      %dma_start3A_93 = tpu.memref_slice %arg9[%add3A_8, %dma_start3A_92] : memref<10240x128xf32, #tpu.memory_space<vmem_shared>> -> memref<128x128xf32, #tpu.memory_space<vmem_shared>>
      tpu.enqueue_dma source(%arg8 : memref<128x128xf32, #tpu.memory_space<vmem>>) target(%dma_start3A_93 : memref<128x128xf32, #tpu.memory_space<vmem_shared>>) target_semaphore(%run_scoped3A : memref<!tpu.dma_semaphore, #tpu.memory_space<semaphore_mem>>)
      %dma_wait3A = arith.constant 0 : i32
      %dma_wait3A_94 = tpu.memref_slice %arg9[%add3A_8, %dma_wait3A] : memref<10240x128xf32, #tpu.memory_space<vmem_shared>> -> memref<128x128xf32, #tpu.memory_space<vmem_shared>>
      %dma_wait3A_95 = arith.constant 0 : i32
      %dma_wait3A_96 = tpu.memref_slice %arg9[%add3A_8, %dma_wait3A_95] : memref<10240x128xf32, #tpu.memory_space<vmem_shared>> -> memref<128x128xf32, #tpu.memory_space<vmem_shared>>
      tpu.wait_dma2 semaphore(%run_scoped3A : memref<!tpu.dma_semaphore, #tpu.memory_space<semaphore_mem>>) src(%arg8 : memref<128x128xf32, #tpu.memory_space<vmem>>) dst(%dma_wait3A_96 : memref<128x128xf32, #tpu.memory_space<vmem_shared>>)
      tpu.yield
    }) : () -> ()
    %mul3A_9 = arith.constant 640 : i32
    %mul3A_10 = arith.muli %arg1, %mul3A_9 : i32
    %add3A_11 = arith.constant 256 : i32
    %add3A_12 = arith.addi %mul3A_10, %add3A_11 : i32
    "tpu.region"() ({
      %run_scoped3A = tpu.sem_alloc : memref<!tpu.dma_semaphore, #tpu.memory_space<semaphore_mem>>
      %dma_start3A = arith.constant 0 : i32
      %dma_start3A_91 = tpu.memref_slice %arg9[%add3A_12, %dma_start3A] : memref<10240x128xf32, #tpu.memory_space<vmem_shared>> -> memref<128x128xf32, #tpu.memory_space<vmem_shared>>
      %dma_start3A_92 = arith.constant 0 : i32
      %dma_start3A_93 = tpu.memref_slice %arg9[%add3A_12, %dma_start3A_92] : memref<10240x128xf32, #tpu.memory_space<vmem_shared>> -> memref<128x128xf32, #tpu.memory_space<vmem_shared>>
      tpu.enqueue_dma source(%arg8 : memref<128x128xf32, #tpu.memory_space<vmem>>) target(%dma_start3A_93 : memref<128x128xf32, #tpu.memory_space<vmem_shared>>) target_semaphore(%run_scoped3A : memref<!tpu.dma_semaphore, #tpu.memory_space<semaphore_mem>>)
      %dma_wait3A = arith.constant 0 : i32
      %dma_wait3A_94 = tpu.memref_slice %arg9[%add3A_12, %dma_wait3A] : memref<10240x128xf32, #tpu.memory_space<vmem_shared>> -> memref<128x128xf32, #tpu.memory_space<vmem_shared>>
      %dma_wait3A_95 = arith.constant 0 : i32
      %dma_wait3A_96 = tpu.memref_slice %arg9[%add3A_12, %dma_wait3A_95] : memref<10240x128xf32, #tpu.memory_space<vmem_shared>> -> memref<128x128xf32, #tpu.memory_space<vmem_shared>>
      tpu.wait_dma2 semaphore(%run_scoped3A : memref<!tpu.dma_semaphore, #tpu.memory_space<semaphore_mem>>) src(%arg8 : memref<128x128xf32, #tpu.memory_space<vmem>>) dst(%dma_wait3A_96 : memref<128x128xf32, #tpu.memory_space<vmem_shared>>)
      tpu.yield
    }) : () -> ()
    %mul3A_13 = arith.constant 640 : i32
    %mul3A_14 = arith.muli %arg1, %mul3A_13 : i32
    %add3A_15 = arith.constant 384 : i32
    %add3A_16 = arith.addi %mul3A_14, %add3A_15 : i32
    "tpu.region"() ({
      %run_scoped3A = tpu.sem_alloc : memref<!tpu.dma_semaphore, #tpu.memory_space<semaphore_mem>>
      %dma_start3A = arith.constant 0 : i32
      %dma_start3A_91 = tpu.memref_slice %arg9[%add3A_16, %dma_start3A] : memref<10240x128xf32, #tpu.memory_space<vmem_shared>> -> memref<128x128xf32, #tpu.memory_space<vmem_shared>>
      %dma_start3A_92 = arith.constant 0 : i32
      %dma_start3A_93 = tpu.memref_slice %arg9[%add3A_16, %dma_start3A_92] : memref<10240x128xf32, #tpu.memory_space<vmem_shared>> -> memref<128x128xf32, #tpu.memory_space<vmem_shared>>
      tpu.enqueue_dma source(%arg8 : memref<128x128xf32, #tpu.memory_space<vmem>>) target(%dma_start3A_93 : memref<128x128xf32, #tpu.memory_space<vmem_shared>>) target_semaphore(%run_scoped3A : memref<!tpu.dma_semaphore, #tpu.memory_space<semaphore_mem>>)
      %dma_wait3A = arith.constant 0 : i32
      %dma_wait3A_94 = tpu.memref_slice %arg9[%add3A_16, %dma_wait3A] : memref<10240x128xf32, #tpu.memory_space<vmem_shared>> -> memref<128x128xf32, #tpu.memory_space<vmem_shared>>
      %dma_wait3A_95 = arith.constant 0 : i32
      %dma_wait3A_96 = tpu.memref_slice %arg9[%add3A_16, %dma_wait3A_95] : memref<10240x128xf32, #tpu.memory_space<vmem_shared>> -> memref<128x128xf32, #tpu.memory_space<vmem_shared>>
      tpu.wait_dma2 semaphore(%run_scoped3A : memref<!tpu.dma_semaphore, #tpu.memory_space<semaphore_mem>>) src(%arg8 : memref<128x128xf32, #tpu.memory_space<vmem>>) dst(%dma_wait3A_96 : memref<128x128xf32, #tpu.memory_space<vmem_shared>>)
      tpu.yield
    }) : () -> ()
    %mul3A_17 = arith.constant 640 : i32
    %mul3A_18 = arith.muli %arg1, %mul3A_17 : i32
    %add3A_19 = arith.constant 512 : i32
    %add3A_20 = arith.addi %mul3A_18, %add3A_19 : i32
    "tpu.region"() ({
      %run_scoped3A = tpu.sem_alloc : memref<!tpu.dma_semaphore, #tpu.memory_space<semaphore_mem>>
      %dma_start3A = arith.constant 0 : i32
      %dma_start3A_91 = tpu.memref_slice %arg9[%add3A_20, %dma_start3A] : memref<10240x128xf32, #tpu.memory_space<vmem_shared>> -> memref<128x128xf32, #tpu.memory_space<vmem_shared>>
      %dma_start3A_92 = arith.constant 0 : i32
      %dma_start3A_93 = tpu.memref_slice %arg9[%add3A_20, %dma_start3A_92] : memref<10240x128xf32, #tpu.memory_space<vmem_shared>> -> memref<128x128xf32, #tpu.memory_space<vmem_shared>>
      tpu.enqueue_dma source(%arg8 : memref<128x128xf32, #tpu.memory_space<vmem>>) target(%dma_start3A_93 : memref<128x128xf32, #tpu.memory_space<vmem_shared>>) target_semaphore(%run_scoped3A : memref<!tpu.dma_semaphore, #tpu.memory_space<semaphore_mem>>)
      %dma_wait3A = arith.constant 0 : i32
      %dma_wait3A_94 = tpu.memref_slice %arg9[%add3A_20, %dma_wait3A] : memref<10240x128xf32, #tpu.memory_space<vmem_shared>> -> memref<128x128xf32, #tpu.memory_space<vmem_shared>>
      %dma_wait3A_95 = arith.constant 0 : i32
      %dma_wait3A_96 = tpu.memref_slice %arg9[%add3A_20, %dma_wait3A_95] : memref<10240x128xf32, #tpu.memory_space<vmem_shared>> -> memref<128x128xf32, #tpu.memory_space<vmem_shared>>
      tpu.wait_dma2 semaphore(%run_scoped3A : memref<!tpu.dma_semaphore, #tpu.memory_space<semaphore_mem>>) src(%arg8 : memref<128x128xf32, #tpu.memory_space<vmem>>) dst(%dma_wait3A_96 : memref<128x128xf32, #tpu.memory_space<vmem_shared>>)
      tpu.yield
    }) : () -> ()
    %barrier3A = arith.constant 0 : index
    tpu.barrier barrier_id(%barrier3A)
    %sub3A = arith.constant 2499 : i32
    %sub3A_21 = arith.subi %sub3A, %add3A : i32
    %jit3A = arith.constant 32 : i32
    %div3A = arith.divsi %sub3A_21, %jit3A : i32
    %sign3A = arith.constant 0 : i32
    %sign3A_22 = arith.cmpi sgt, %sub3A_21, %sign3A : i32
    %sign3A_23 = arith.extui %sign3A_22 : i1 to i32
    %sign3A_24 = arith.constant 0 : i32
    %sign3A_25 = arith.cmpi slt, %sub3A_21, %sign3A_24 : i32
    %sign3A_26 = arith.extui %sign3A_25 : i1 to i32
    %sign3A_27 = arith.subi %sign3A_23, %sign3A_26 : i32
    %sign3A_28 = arith.constant 0 : i32
    %sign3A_29 = arith.cmpi sgt, %jit3A, %sign3A_28 : i32
    %sign3A_30 = arith.extui %sign3A_29 : i1 to i32
    %sign3A_31 = arith.constant 0 : i32
    %sign3A_32 = arith.cmpi slt, %jit3A, %sign3A_31 : i32
    %sign3A_33 = arith.extui %sign3A_32 : i1 to i32
    %sign3A_34 = arith.subi %sign3A_30, %sign3A_33 : i32
    %ne3A = arith.cmpi ne, %sign3A_27, %sign3A_34 : i32
    %rem3A = arith.remsi %sub3A_21, %jit3A : i32
    %ne3A_35 = arith.constant 0 : i32
    %ne3A_36 = arith.cmpi ne, %rem3A, %ne3A_35 : i32
    %and3A = arith.andi %ne3A, %ne3A_36 : i1
    %sub3A_37 = arith.constant 1 : i32
    %sub3A_38 = arith.subi %div3A, %sub3A_37 : i32
    %select_n3A = arith.select %and3A, %sub3A_38, %div3A : i32
    %add3A_39 = arith.constant 1 : i32
    %add3A_40 = arith.addi %select_n3A, %add3A_39 : i32
    %while3A = arith.constant 0 : i32
    %while3A_41 = arith.constant 0 : i32
    %while3A_42 = arith.subi %add3A_40, %while3A_41 : i32
    %while3A_43 = arith.addi %while3A_41, %while3A_42 : i32
    %while3A_44 = arith.constant 1 : i32
    %while3A_45 = arith.divsi %while3A_42, %while3A_44 : i32
    %while3A_46 = arith.muli %while3A_45, %while3A_44 : i32
    %while3A_47 = arith.addi %while3A_41, %while3A_46 : i32
    %while3A_48 = arith.constant 1 : i32
    scf.for %while3A_91 = %while3A_41 to %while3A_47 step %while3A_48  : i32 {
      %mul3A_92 = arith.constant 32 : i32
      %mul3A_93 = arith.muli %while3A_91, %mul3A_92 : i32
      %add3A_94 = arith.addi %add3A, %mul3A_93 : i32
      "tpu.region"() ({
        %run_scoped3A_107 = tpu.sem_alloc : memref<!tpu.dma_semaphore, #tpu.memory_space<semaphore_mem>>
        %dma_start3A_108 = arith.constant 0 : i32
        %dma_start3A_109 = arith.constant 0 : i32
        %dma_start3A_110 = tpu.memref_slice %arg3[%add3A_94, %dma_start3A_108, %dma_start3A_109] : memref<2500x2x128xi32, #tpu.memory_space<hbm>> -> memref<1x2x128xi32, #tpu.memory_space<hbm>>
        %dma_start3A_111 = tpu.memref_squeeze %dma_start3A_110 : memref<1x2x128xi32, #tpu.memory_space<hbm>> -> memref<2x128xi32, #tpu.memory_space<hbm>>
        %dma_start3A_112 = arith.constant 0 : i32
        %dma_start3A_113 = arith.constant 0 : i32
        %dma_start3A_114 = tpu.memref_slice %arg3[%add3A_94, %dma_start3A_112, %dma_start3A_113] : memref<2500x2x128xi32, #tpu.memory_space<hbm>> -> memref<1x2x128xi32, #tpu.memory_space<hbm>>
        %dma_start3A_115 = tpu.memref_squeeze %dma_start3A_114 : memref<1x2x128xi32, #tpu.memory_space<hbm>> -> memref<2x128xi32, #tpu.memory_space<hbm>>
        tpu.enqueue_dma source(%dma_start3A_115 : memref<2x128xi32, #tpu.memory_space<hbm>>) target(%arg6 : memref<2x128xi32, #tpu.memory_space<vmem>>) target_semaphore(%run_scoped3A_107 : memref<!tpu.dma_semaphore, #tpu.memory_space<semaphore_mem>>)
        %dma_wait3A_116 = arith.constant 0 : i32
        %dma_wait3A_117 = arith.constant 0 : i32
        %dma_wait3A_118 = tpu.memref_slice %arg3[%add3A_94, %dma_wait3A_116, %dma_wait3A_117] : memref<2500x2x128xi32, #tpu.memory_space<hbm>> -> memref<1x2x128xi32, #tpu.memory_space<hbm>>
        %dma_wait3A_119 = tpu.memref_squeeze %dma_wait3A_118 : memref<1x2x128xi32, #tpu.memory_space<hbm>> -> memref<2x128xi32, #tpu.memory_space<hbm>>
        %dma_wait3A_120 = arith.constant 0 : i32
        %dma_wait3A_121 = arith.constant 0 : i32
        %dma_wait3A_122 = tpu.memref_slice %arg3[%add3A_94, %dma_wait3A_120, %dma_wait3A_121] : memref<2500x2x128xi32, #tpu.memory_space<hbm>> -> memref<1x2x128xi32, #tpu.memory_space<hbm>>
        %dma_wait3A_123 = tpu.memref_squeeze %dma_wait3A_122 : memref<1x2x128xi32, #tpu.memory_space<hbm>> -> memref<2x128xi32, #tpu.memory_space<hbm>>
        tpu.wait_dma2 semaphore(%run_scoped3A_107 : memref<!tpu.dma_semaphore, #tpu.memory_space<semaphore_mem>>) src(%dma_wait3A_123 : memref<2x128xi32, #tpu.memory_space<hbm>>) dst(%arg6 : memref<2x128xi32, #tpu.memory_space<vmem>>)
        tpu.yield
      }) : () -> ()
      %dma_start3A = arith.constant 0 : i32
      %dma_start3A_95 = arith.constant 0 : i32
      %dma_start3A_96 = tpu.memref_slice %arg6[%dma_start3A, %dma_start3A_95] : memref<2x128xi32, #tpu.memory_space<vmem>> -> memref<1x128xi32, #tpu.memory_space<vmem>>
      %dma_start3A_97 = tpu.memref_squeeze %dma_start3A_96 : memref<1x128xi32, #tpu.memory_space<vmem>> -> memref<128xi32, #tpu.memory_space<vmem>>
      %dma_start3A_98 = arith.constant 0 : i32
      %dma_start3A_99 = arith.constant 0 : i32
      %dma_start3A_100 = tpu.memref_slice %arg2[%dma_start3A_98, %dma_start3A_99] : memref<10000x128xf32, #tpu.memory_space<hbm>> -> memref<10000x128xf32, #tpu.memory_space<hbm>>
      tpu.enqueue_indirect_dma source(%dma_start3A_100 : memref<10000x128xf32, #tpu.memory_space<hbm>>) target(%arg7 : memref<128x128xf32, #tpu.memory_space<vmem>>) offsets(%dma_start3A_97 : memref<128xi32, #tpu.memory_space<vmem>>) semaphore(%arg10 : memref<!tpu.dma_semaphore, #tpu.memory_space<semaphore_mem>>)
      %dma_wait3A = arith.constant 0 : i32
      %dma_wait3A_101 = arith.constant 0 : i32
      %dma_wait3A_102 = tpu.memref_slice %arg6[%dma_wait3A, %dma_wait3A_101] : memref<2x128xi32, #tpu.memory_space<vmem>> -> memref<1x128xi32, #tpu.memory_space<vmem>>
      %dma_wait3A_103 = tpu.memref_squeeze %dma_wait3A_102 : memref<1x128xi32, #tpu.memory_space<vmem>> -> memref<128xi32, #tpu.memory_space<vmem>>
      %dma_wait3A_104 = arith.constant 0 : i32
      %dma_wait3A_105 = arith.constant 0 : i32
      %dma_wait3A_106 = tpu.memref_slice %arg2[%dma_wait3A_104, %dma_wait3A_105] : memref<10000x128xf32, #tpu.memory_space<hbm>> -> memref<10000x128xf32, #tpu.memory_space<hbm>>
      tpu.wait_indirect_dma semaphore(%arg10 : memref<!tpu.dma_semaphore, #tpu.memory_space<semaphore_mem>>) src(%dma_wait3A_106 : memref<10000x128xf32, #tpu.memory_space<hbm>>) dst(%arg7 : memref<128x128xf32, #tpu.memory_space<vmem>>)
      %run_scoped3A = arith.constant 1 : i32
      "tpu.region"() ({
        %run_scoped3A_107 = tpu.sem_alloc : memref<!tpu.dma_semaphore, #tpu.memory_space<semaphore_mem>>
        %dma_start3A_108 = arith.constant 0 : i32
        %dma_start3A_109 = tpu.memref_slice %arg6[%run_scoped3A, %dma_start3A_108] : memref<2x128xi32, #tpu.memory_space<vmem>> -> memref<1x128xi32, #tpu.memory_space<vmem>>
        %dma_start3A_110 = tpu.memref_squeeze %dma_start3A_109 : memref<1x128xi32, #tpu.memory_space<vmem>> -> memref<128xi32, #tpu.memory_space<vmem>>
        %dma_start3A_111 = arith.constant 0 : i32
        %dma_start3A_112 = arith.constant 0 : i32
        %dma_start3A_113 = tpu.memref_slice %arg9[%dma_start3A_111, %dma_start3A_112] : memref<10240x128xf32, #tpu.memory_space<vmem_shared>> -> memref<10240x128xf32, #tpu.memory_space<vmem_shared>>
        tpu.enqueue_indirect_dma source(%arg7 : memref<128x128xf32, #tpu.memory_space<vmem>>) target(%dma_start3A_113 : memref<10240x128xf32, #tpu.memory_space<vmem_shared>>) offsets(%dma_start3A_110 : memref<128xi32, #tpu.memory_space<vmem>>) semaphore(%run_scoped3A_107 : memref<!tpu.dma_semaphore, #tpu.memory_space<semaphore_mem>>) {add = true}
        %dma_wait3A_114 = arith.constant 0 : i32
        %dma_wait3A_115 = tpu.memref_slice %arg6[%run_scoped3A, %dma_wait3A_114] : memref<2x128xi32, #tpu.memory_space<vmem>> -> memref<1x128xi32, #tpu.memory_space<vmem>>
        %dma_wait3A_116 = tpu.memref_squeeze %dma_wait3A_115 : memref<1x128xi32, #tpu.memory_space<vmem>> -> memref<128xi32, #tpu.memory_space<vmem>>
        %dma_wait3A_117 = arith.constant 0 : i32
        %dma_wait3A_118 = arith.constant 0 : i32
        %dma_wait3A_119 = tpu.memref_slice %arg9[%dma_wait3A_117, %dma_wait3A_118] : memref<10240x128xf32, #tpu.memory_space<vmem_shared>> -> memref<10240x128xf32, #tpu.memory_space<vmem_shared>>
        tpu.wait_indirect_dma semaphore(%run_scoped3A_107 : memref<!tpu.dma_semaphore, #tpu.memory_space<semaphore_mem>>) src(%arg7 : memref<128x128xf32, #tpu.memory_space<vmem>>) dst(%dma_wait3A_119 : memref<10240x128xf32, #tpu.memory_space<vmem_shared>>)
        tpu.yield
      }) : () -> ()
    }
    %while3A_49 = arith.constant 1 : i32
    scf.for %while3A_91 = %while3A_47 to %while3A_43 step %while3A_49  : i32 {
      %mul3A_92 = arith.constant 32 : i32
      %mul3A_93 = arith.muli %while3A_91, %mul3A_92 : i32
      %add3A_94 = arith.addi %add3A, %mul3A_93 : i32
      "tpu.region"() ({
        %run_scoped3A_107 = tpu.sem_alloc : memref<!tpu.dma_semaphore, #tpu.memory_space<semaphore_mem>>
        %dma_start3A_108 = arith.constant 0 : i32
        %dma_start3A_109 = arith.constant 0 : i32
        %dma_start3A_110 = tpu.memref_slice %arg3[%add3A_94, %dma_start3A_108, %dma_start3A_109] : memref<2500x2x128xi32, #tpu.memory_space<hbm>> -> memref<1x2x128xi32, #tpu.memory_space<hbm>>
        %dma_start3A_111 = tpu.memref_squeeze %dma_start3A_110 : memref<1x2x128xi32, #tpu.memory_space<hbm>> -> memref<2x128xi32, #tpu.memory_space<hbm>>
        %dma_start3A_112 = arith.constant 0 : i32
        %dma_start3A_113 = arith.constant 0 : i32
        %dma_start3A_114 = tpu.memref_slice %arg3[%add3A_94, %dma_start3A_112, %dma_start3A_113] : memref<2500x2x128xi32, #tpu.memory_space<hbm>> -> memref<1x2x128xi32, #tpu.memory_space<hbm>>
        %dma_start3A_115 = tpu.memref_squeeze %dma_start3A_114 : memref<1x2x128xi32, #tpu.memory_space<hbm>> -> memref<2x128xi32, #tpu.memory_space<hbm>>
        tpu.enqueue_dma source(%dma_start3A_115 : memref<2x128xi32, #tpu.memory_space<hbm>>) target(%arg6 : memref<2x128xi32, #tpu.memory_space<vmem>>) target_semaphore(%run_scoped3A_107 : memref<!tpu.dma_semaphore, #tpu.memory_space<semaphore_mem>>)
        %dma_wait3A_116 = arith.constant 0 : i32
        %dma_wait3A_117 = arith.constant 0 : i32
        %dma_wait3A_118 = tpu.memref_slice %arg3[%add3A_94, %dma_wait3A_116, %dma_wait3A_117] : memref<2500x2x128xi32, #tpu.memory_space<hbm>> -> memref<1x2x128xi32, #tpu.memory_space<hbm>>
        %dma_wait3A_119 = tpu.memref_squeeze %dma_wait3A_118 : memref<1x2x128xi32, #tpu.memory_space<hbm>> -> memref<2x128xi32, #tpu.memory_space<hbm>>
        %dma_wait3A_120 = arith.constant 0 : i32
        %dma_wait3A_121 = arith.constant 0 : i32
        %dma_wait3A_122 = tpu.memref_slice %arg3[%add3A_94, %dma_wait3A_120, %dma_wait3A_121] : memref<2500x2x128xi32, #tpu.memory_space<hbm>> -> memref<1x2x128xi32, #tpu.memory_space<hbm>>
        %dma_wait3A_123 = tpu.memref_squeeze %dma_wait3A_122 : memref<1x2x128xi32, #tpu.memory_space<hbm>> -> memref<2x128xi32, #tpu.memory_space<hbm>>
        tpu.wait_dma2 semaphore(%run_scoped3A_107 : memref<!tpu.dma_semaphore, #tpu.memory_space<semaphore_mem>>) src(%dma_wait3A_123 : memref<2x128xi32, #tpu.memory_space<hbm>>) dst(%arg6 : memref<2x128xi32, #tpu.memory_space<vmem>>)
        tpu.yield
      }) : () -> ()
      %dma_start3A = arith.constant 0 : i32
      %dma_start3A_95 = arith.constant 0 : i32
      %dma_start3A_96 = tpu.memref_slice %arg6[%dma_start3A, %dma_start3A_95] : memref<2x128xi32, #tpu.memory_space<vmem>> -> memref<1x128xi32, #tpu.memory_space<vmem>>
      %dma_start3A_97 = tpu.memref_squeeze %dma_start3A_96 : memref<1x128xi32, #tpu.memory_space<vmem>> -> memref<128xi32, #tpu.memory_space<vmem>>
      %dma_start3A_98 = arith.constant 0 : i32
      %dma_start3A_99 = arith.constant 0 : i32
      %dma_start3A_100 = tpu.memref_slice %arg2[%dma_start3A_98, %dma_start3A_99] : memref<10000x128xf32, #tpu.memory_space<hbm>> -> memref<10000x128xf32, #tpu.memory_space<hbm>>
      tpu.enqueue_indirect_dma source(%dma_start3A_100 : memref<10000x128xf32, #tpu.memory_space<hbm>>) target(%arg7 : memref<128x128xf32, #tpu.memory_space<vmem>>) offsets(%dma_start3A_97 : memref<128xi32, #tpu.memory_space<vmem>>) semaphore(%arg10 : memref<!tpu.dma_semaphore, #tpu.memory_space<semaphore_mem>>)
      %dma_wait3A = arith.constant 0 : i32
      %dma_wait3A_101 = arith.constant 0 : i32
      %dma_wait3A_102 = tpu.memref_slice %arg6[%dma_wait3A, %dma_wait3A_101] : memref<2x128xi32, #tpu.memory_space<vmem>> -> memref<1x128xi32, #tpu.memory_space<vmem>>
      %dma_wait3A_103 = tpu.memref_squeeze %dma_wait3A_102 : memref<1x128xi32, #tpu.memory_space<vmem>> -> memref<128xi32, #tpu.memory_space<vmem>>
      %dma_wait3A_104 = arith.constant 0 : i32
      %dma_wait3A_105 = arith.constant 0 : i32
      %dma_wait3A_106 = tpu.memref_slice %arg2[%dma_wait3A_104, %dma_wait3A_105] : memref<10000x128xf32, #tpu.memory_space<hbm>> -> memref<10000x128xf32, #tpu.memory_space<hbm>>
      tpu.wait_indirect_dma semaphore(%arg10 : memref<!tpu.dma_semaphore, #tpu.memory_space<semaphore_mem>>) src(%dma_wait3A_106 : memref<10000x128xf32, #tpu.memory_space<hbm>>) dst(%arg7 : memref<128x128xf32, #tpu.memory_space<vmem>>)
      %run_scoped3A = arith.constant 1 : i32
      "tpu.region"() ({
        %run_scoped3A_107 = tpu.sem_alloc : memref<!tpu.dma_semaphore, #tpu.memory_space<semaphore_mem>>
        %dma_start3A_108 = arith.constant 0 : i32
        %dma_start3A_109 = tpu.memref_slice %arg6[%run_scoped3A, %dma_start3A_108] : memref<2x128xi32, #tpu.memory_space<vmem>> -> memref<1x128xi32, #tpu.memory_space<vmem>>
        %dma_start3A_110 = tpu.memref_squeeze %dma_start3A_109 : memref<1x128xi32, #tpu.memory_space<vmem>> -> memref<128xi32, #tpu.memory_space<vmem>>
        %dma_start3A_111 = arith.constant 0 : i32
        %dma_start3A_112 = arith.constant 0 : i32
        %dma_start3A_113 = tpu.memref_slice %arg9[%dma_start3A_111, %dma_start3A_112] : memref<10240x128xf32, #tpu.memory_space<vmem_shared>> -> memref<10240x128xf32, #tpu.memory_space<vmem_shared>>
        tpu.enqueue_indirect_dma source(%arg7 : memref<128x128xf32, #tpu.memory_space<vmem>>) target(%dma_start3A_113 : memref<10240x128xf32, #tpu.memory_space<vmem_shared>>) offsets(%dma_start3A_110 : memref<128xi32, #tpu.memory_space<vmem>>) semaphore(%run_scoped3A_107 : memref<!tpu.dma_semaphore, #tpu.memory_space<semaphore_mem>>) {add = true}
        %dma_wait3A_114 = arith.constant 0 : i32
        %dma_wait3A_115 = tpu.memref_slice %arg6[%run_scoped3A, %dma_wait3A_114] : memref<2x128xi32, #tpu.memory_space<vmem>> -> memref<1x128xi32, #tpu.memory_space<vmem>>
        %dma_wait3A_116 = tpu.memref_squeeze %dma_wait3A_115 : memref<1x128xi32, #tpu.memory_space<vmem>> -> memref<128xi32, #tpu.memory_space<vmem>>
        %dma_wait3A_117 = arith.constant 0 : i32
        %dma_wait3A_118 = arith.constant 0 : i32
        %dma_wait3A_119 = tpu.memref_slice %arg9[%dma_wait3A_117, %dma_wait3A_118] : memref<10240x128xf32, #tpu.memory_space<vmem_shared>> -> memref<10240x128xf32, #tpu.memory_space<vmem_shared>>
        tpu.wait_indirect_dma semaphore(%run_scoped3A_107 : memref<!tpu.dma_semaphore, #tpu.memory_space<semaphore_mem>>) src(%arg7 : memref<128x128xf32, #tpu.memory_space<vmem>>) dst(%dma_wait3A_119 : memref<10240x128xf32, #tpu.memory_space<vmem_shared>>)
        tpu.yield
      }) : () -> ()
    }
    %barrier3A_50 = arith.constant 0 : index
    tpu.barrier barrier_id(%barrier3A_50)
    %mul3A_51 = arith.constant 640 : i32
    %mul3A_52 = arith.muli %arg1, %mul3A_51 : i32
    %add3A_53 = arith.constant 0 : i32
    %add3A_54 = arith.addi %mul3A_52, %add3A_53 : i32
    "tpu.region"() ({
      %run_scoped3A = tpu.sem_alloc : memref<!tpu.dma_semaphore, #tpu.memory_space<semaphore_mem>>
      %dma_start3A = arith.constant 0 : i32
      %dma_start3A_91 = tpu.memref_slice %arg9[%add3A_54, %dma_start3A] : memref<10240x128xf32, #tpu.memory_space<vmem_shared>> -> memref<128x128xf32, #tpu.memory_space<vmem_shared>>
      %dma_start3A_92 = arith.constant 0 : i32
      %dma_start3A_93 = tpu.memref_slice %arg9[%add3A_54, %dma_start3A_92] : memref<10240x128xf32, #tpu.memory_space<vmem_shared>> -> memref<128x128xf32, #tpu.memory_space<vmem_shared>>
      tpu.enqueue_dma source(%dma_start3A_93 : memref<128x128xf32, #tpu.memory_space<vmem_shared>>) target(%arg8 : memref<128x128xf32, #tpu.memory_space<vmem>>) target_semaphore(%run_scoped3A : memref<!tpu.dma_semaphore, #tpu.memory_space<semaphore_mem>>)
      %dma_wait3A = arith.constant 0 : i32
      %dma_wait3A_94 = tpu.memref_slice %arg9[%add3A_54, %dma_wait3A] : memref<10240x128xf32, #tpu.memory_space<vmem_shared>> -> memref<128x128xf32, #tpu.memory_space<vmem_shared>>
      %dma_wait3A_95 = arith.constant 0 : i32
      %dma_wait3A_96 = tpu.memref_slice %arg9[%add3A_54, %dma_wait3A_95] : memref<10240x128xf32, #tpu.memory_space<vmem_shared>> -> memref<128x128xf32, #tpu.memory_space<vmem_shared>>
      tpu.wait_dma2 semaphore(%run_scoped3A : memref<!tpu.dma_semaphore, #tpu.memory_space<semaphore_mem>>) src(%dma_wait3A_96 : memref<128x128xf32, #tpu.memory_space<vmem_shared>>) dst(%arg8 : memref<128x128xf32, #tpu.memory_space<vmem>>)
      tpu.yield
    }) : () -> ()
    %mul3A_55 = arith.constant 640 : i32
    %mul3A_56 = arith.muli %arg1, %mul3A_55 : i32
    %add3A_57 = arith.constant 0 : i32
    %add3A_58 = arith.addi %mul3A_56, %add3A_57 : i32
    "tpu.region"() ({
      %run_scoped3A = tpu.sem_alloc : memref<!tpu.dma_semaphore, #tpu.memory_space<semaphore_mem>>
      %dma_start3A = arith.constant 0 : i32
      %dma_start3A_91 = tpu.memref_slice %arg5[%arg0, %add3A_58, %dma_start3A] : memref<2x10240x128xf32, #tpu.memory_space<hbm>> -> memref<1x128x128xf32, #tpu.memory_space<hbm>>
      %dma_start3A_92 = tpu.memref_squeeze %dma_start3A_91 : memref<1x128x128xf32, #tpu.memory_space<hbm>> -> memref<128x128xf32, #tpu.memory_space<hbm>>
      %dma_start3A_93 = arith.constant 0 : i32
      %dma_start3A_94 = tpu.memref_slice %arg5[%arg0, %add3A_58, %dma_start3A_93] : memref<2x10240x128xf32, #tpu.memory_space<hbm>> -> memref<1x128x128xf32, #tpu.memory_space<hbm>>
      %dma_start3A_95 = tpu.memref_squeeze %dma_start3A_94 : memref<1x128x128xf32, #tpu.memory_space<hbm>> -> memref<128x128xf32, #tpu.memory_space<hbm>>
      tpu.enqueue_dma source(%arg8 : memref<128x128xf32, #tpu.memory_space<vmem>>) target(%dma_start3A_95 : memref<128x128xf32, #tpu.memory_space<hbm>>) target_semaphore(%run_scoped3A : memref<!tpu.dma_semaphore, #tpu.memory_space<semaphore_mem>>)
      %dma_wait3A = arith.constant 0 : i32
      %dma_wait3A_96 = tpu.memref_slice %arg5[%arg0, %add3A_58, %dma_wait3A] : memref<2x10240x128xf32, #tpu.memory_space<hbm>> -> memref<1x128x128xf32, #tpu.memory_space<hbm>>
      %dma_wait3A_97 = tpu.memref_squeeze %dma_wait3A_96 : memref<1x128x128xf32, #tpu.memory_space<hbm>> -> memref<128x128xf32, #tpu.memory_space<hbm>>
      %dma_wait3A_98 = arith.constant 0 : i32
      %dma_wait3A_99 = tpu.memref_slice %arg5[%arg0, %add3A_58, %dma_wait3A_98] : memref<2x10240x128xf32, #tpu.memory_space<hbm>> -> memref<1x128x128xf32, #tpu.memory_space<hbm>>
      %dma_wait3A_100 = tpu.memref_squeeze %dma_wait3A_99 : memref<1x128x128xf32, #tpu.memory_space<hbm>> -> memref<128x128xf32, #tpu.memory_space<hbm>>
      tpu.wait_dma2 semaphore(%run_scoped3A : memref<!tpu.dma_semaphore, #tpu.memory_space<semaphore_mem>>) src(%arg8 : memref<128x128xf32, #tpu.memory_space<vmem>>) dst(%dma_wait3A_100 : memref<128x128xf32, #tpu.memory_space<hbm>>)
      tpu.yield
    }) : () -> ()
    %mul3A_59 = arith.constant 640 : i32
    %mul3A_60 = arith.muli %arg1, %mul3A_59 : i32
    %add3A_61 = arith.constant 128 : i32
    %add3A_62 = arith.addi %mul3A_60, %add3A_61 : i32
    "tpu.region"() ({
      %run_scoped3A = tpu.sem_alloc : memref<!tpu.dma_semaphore, #tpu.memory_space<semaphore_mem>>
      %dma_start3A = arith.constant 0 : i32
      %dma_start3A_91 = tpu.memref_slice %arg9[%add3A_62, %dma_start3A] : memref<10240x128xf32, #tpu.memory_space<vmem_shared>> -> memref<128x128xf32, #tpu.memory_space<vmem_shared>>
      %dma_start3A_92 = arith.constant 0 : i32
      %dma_start3A_93 = tpu.memref_slice %arg9[%add3A_62, %dma_start3A_92] : memref<10240x128xf32, #tpu.memory_space<vmem_shared>> -> memref<128x128xf32, #tpu.memory_space<vmem_shared>>
      tpu.enqueue_dma source(%dma_start3A_93 : memref<128x128xf32, #tpu.memory_space<vmem_shared>>) target(%arg8 : memref<128x128xf32, #tpu.memory_space<vmem>>) target_semaphore(%run_scoped3A : memref<!tpu.dma_semaphore, #tpu.memory_space<semaphore_mem>>)
      %dma_wait3A = arith.constant 0 : i32
      %dma_wait3A_94 = tpu.memref_slice %arg9[%add3A_62, %dma_wait3A] : memref<10240x128xf32, #tpu.memory_space<vmem_shared>> -> memref<128x128xf32, #tpu.memory_space<vmem_shared>>
      %dma_wait3A_95 = arith.constant 0 : i32
      %dma_wait3A_96 = tpu.memref_slice %arg9[%add3A_62, %dma_wait3A_95] : memref<10240x128xf32, #tpu.memory_space<vmem_shared>> -> memref<128x128xf32, #tpu.memory_space<vmem_shared>>
      tpu.wait_dma2 semaphore(%run_scoped3A : memref<!tpu.dma_semaphore, #tpu.memory_space<semaphore_mem>>) src(%dma_wait3A_96 : memref<128x128xf32, #tpu.memory_space<vmem_shared>>) dst(%arg8 : memref<128x128xf32, #tpu.memory_space<vmem>>)
      tpu.yield
    }) : () -> ()
    %mul3A_63 = arith.constant 640 : i32
    %mul3A_64 = arith.muli %arg1, %mul3A_63 : i32
    %add3A_65 = arith.constant 128 : i32
    %add3A_66 = arith.addi %mul3A_64, %add3A_65 : i32
    "tpu.region"() ({
      %run_scoped3A = tpu.sem_alloc : memref<!tpu.dma_semaphore, #tpu.memory_space<semaphore_mem>>
      %dma_start3A = arith.constant 0 : i32
      %dma_start3A_91 = tpu.memref_slice %arg5[%arg0, %add3A_66, %dma_start3A] : memref<2x10240x128xf32, #tpu.memory_space<hbm>> -> memref<1x128x128xf32, #tpu.memory_space<hbm>>
      %dma_start3A_92 = tpu.memref_squeeze %dma_start3A_91 : memref<1x128x128xf32, #tpu.memory_space<hbm>> -> memref<128x128xf32, #tpu.memory_space<hbm>>
      %dma_start3A_93 = arith.constant 0 : i32
      %dma_start3A_94 = tpu.memref_slice %arg5[%arg0, %add3A_66, %dma_start3A_93] : memref<2x10240x128xf32, #tpu.memory_space<hbm>> -> memref<1x128x128xf32, #tpu.memory_space<hbm>>
      %dma_start3A_95 = tpu.memref_squeeze %dma_start3A_94 : memref<1x128x128xf32, #tpu.memory_space<hbm>> -> memref<128x128xf32, #tpu.memory_space<hbm>>
      tpu.enqueue_dma source(%arg8 : memref<128x128xf32, #tpu.memory_space<vmem>>) target(%dma_start3A_95 : memref<128x128xf32, #tpu.memory_space<hbm>>) target_semaphore(%run_scoped3A : memref<!tpu.dma_semaphore, #tpu.memory_space<semaphore_mem>>)
      %dma_wait3A = arith.constant 0 : i32
      %dma_wait3A_96 = tpu.memref_slice %arg5[%arg0, %add3A_66, %dma_wait3A] : memref<2x10240x128xf32, #tpu.memory_space<hbm>> -> memref<1x128x128xf32, #tpu.memory_space<hbm>>
      %dma_wait3A_97 = tpu.memref_squeeze %dma_wait3A_96 : memref<1x128x128xf32, #tpu.memory_space<hbm>> -> memref<128x128xf32, #tpu.memory_space<hbm>>
      %dma_wait3A_98 = arith.constant 0 : i32
      %dma_wait3A_99 = tpu.memref_slice %arg5[%arg0, %add3A_66, %dma_wait3A_98] : memref<2x10240x128xf32, #tpu.memory_space<hbm>> -> memref<1x128x128xf32, #tpu.memory_space<hbm>>
      %dma_wait3A_100 = tpu.memref_squeeze %dma_wait3A_99 : memref<1x128x128xf32, #tpu.memory_space<hbm>> -> memref<128x128xf32, #tpu.memory_space<hbm>>
      tpu.wait_dma2 semaphore(%run_scoped3A : memref<!tpu.dma_semaphore, #tpu.memory_space<semaphore_mem>>) src(%arg8 : memref<128x128xf32, #tpu.memory_space<vmem>>) dst(%dma_wait3A_100 : memref<128x128xf32, #tpu.memory_space<hbm>>)
      tpu.yield
    }) : () -> ()
    %mul3A_67 = arith.constant 640 : i32
    %mul3A_68 = arith.muli %arg1, %mul3A_67 : i32
    %add3A_69 = arith.constant 256 : i32
    %add3A_70 = arith.addi %mul3A_68, %add3A_69 : i32
    "tpu.region"() ({
      %run_scoped3A = tpu.sem_alloc : memref<!tpu.dma_semaphore, #tpu.memory_space<semaphore_mem>>
      %dma_start3A = arith.constant 0 : i32
      %dma_start3A_91 = tpu.memref_slice %arg9[%add3A_70, %dma_start3A] : memref<10240x128xf32, #tpu.memory_space<vmem_shared>> -> memref<128x128xf32, #tpu.memory_space<vmem_shared>>
      %dma_start3A_92 = arith.constant 0 : i32
      %dma_start3A_93 = tpu.memref_slice %arg9[%add3A_70, %dma_start3A_92] : memref<10240x128xf32, #tpu.memory_space<vmem_shared>> -> memref<128x128xf32, #tpu.memory_space<vmem_shared>>
      tpu.enqueue_dma source(%dma_start3A_93 : memref<128x128xf32, #tpu.memory_space<vmem_shared>>) target(%arg8 : memref<128x128xf32, #tpu.memory_space<vmem>>) target_semaphore(%run_scoped3A : memref<!tpu.dma_semaphore, #tpu.memory_space<semaphore_mem>>)
      %dma_wait3A = arith.constant 0 : i32
      %dma_wait3A_94 = tpu.memref_slice %arg9[%add3A_70, %dma_wait3A] : memref<10240x128xf32, #tpu.memory_space<vmem_shared>> -> memref<128x128xf32, #tpu.memory_space<vmem_shared>>
      %dma_wait3A_95 = arith.constant 0 : i32
      %dma_wait3A_96 = tpu.memref_slice %arg9[%add3A_70, %dma_wait3A_95] : memref<10240x128xf32, #tpu.memory_space<vmem_shared>> -> memref<128x128xf32, #tpu.memory_space<vmem_shared>>
      tpu.wait_dma2 semaphore(%run_scoped3A : memref<!tpu.dma_semaphore, #tpu.memory_space<semaphore_mem>>) src(%dma_wait3A_96 : memref<128x128xf32, #tpu.memory_space<vmem_shared>>) dst(%arg8 : memref<128x128xf32, #tpu.memory_space<vmem>>)
      tpu.yield
    }) : () -> ()
    %mul3A_71 = arith.constant 640 : i32
    %mul3A_72 = arith.muli %arg1, %mul3A_71 : i32
    %add3A_73 = arith.constant 256 : i32
    %add3A_74 = arith.addi %mul3A_72, %add3A_73 : i32
    "tpu.region"() ({
      %run_scoped3A = tpu.sem_alloc : memref<!tpu.dma_semaphore, #tpu.memory_space<semaphore_mem>>
      %dma_start3A = arith.constant 0 : i32
      %dma_start3A_91 = tpu.memref_slice %arg5[%arg0, %add3A_74, %dma_start3A] : memref<2x10240x128xf32, #tpu.memory_space<hbm>> -> memref<1x128x128xf32, #tpu.memory_space<hbm>>
      %dma_start3A_92 = tpu.memref_squeeze %dma_start3A_91 : memref<1x128x128xf32, #tpu.memory_space<hbm>> -> memref<128x128xf32, #tpu.memory_space<hbm>>
      %dma_start3A_93 = arith.constant 0 : i32
      %dma_start3A_94 = tpu.memref_slice %arg5[%arg0, %add3A_74, %dma_start3A_93] : memref<2x10240x128xf32, #tpu.memory_space<hbm>> -> memref<1x128x128xf32, #tpu.memory_space<hbm>>
      %dma_start3A_95 = tpu.memref_squeeze %dma_start3A_94 : memref<1x128x128xf32, #tpu.memory_space<hbm>> -> memref<128x128xf32, #tpu.memory_space<hbm>>
      tpu.enqueue_dma source(%arg8 : memref<128x128xf32, #tpu.memory_space<vmem>>) target(%dma_start3A_95 : memref<128x128xf32, #tpu.memory_space<hbm>>) target_semaphore(%run_scoped3A : memref<!tpu.dma_semaphore, #tpu.memory_space<semaphore_mem>>)
      %dma_wait3A = arith.constant 0 : i32
      %dma_wait3A_96 = tpu.memref_slice %arg5[%arg0, %add3A_74, %dma_wait3A] : memref<2x10240x128xf32, #tpu.memory_space<hbm>> -> memref<1x128x128xf32, #tpu.memory_space<hbm>>
      %dma_wait3A_97 = tpu.memref_squeeze %dma_wait3A_96 : memref<1x128x128xf32, #tpu.memory_space<hbm>> -> memref<128x128xf32, #tpu.memory_space<hbm>>
      %dma_wait3A_98 = arith.constant 0 : i32
      %dma_wait3A_99 = tpu.memref_slice %arg5[%arg0, %add3A_74, %dma_wait3A_98] : memref<2x10240x128xf32, #tpu.memory_space<hbm>> -> memref<1x128x128xf32, #tpu.memory_space<hbm>>
      %dma_wait3A_100 = tpu.memref_squeeze %dma_wait3A_99 : memref<1x128x128xf32, #tpu.memory_space<hbm>> -> memref<128x128xf32, #tpu.memory_space<hbm>>
      tpu.wait_dma2 semaphore(%run_scoped3A : memref<!tpu.dma_semaphore, #tpu.memory_space<semaphore_mem>>) src(%arg8 : memref<128x128xf32, #tpu.memory_space<vmem>>) dst(%dma_wait3A_100 : memref<128x128xf32, #tpu.memory_space<hbm>>)
      tpu.yield
    }) : () -> ()
    %mul3A_75 = arith.constant 640 : i32
    %mul3A_76 = arith.muli %arg1, %mul3A_75 : i32
    %add3A_77 = arith.constant 384 : i32
    %add3A_78 = arith.addi %mul3A_76, %add3A_77 : i32
    "tpu.region"() ({
      %run_scoped3A = tpu.sem_alloc : memref<!tpu.dma_semaphore, #tpu.memory_space<semaphore_mem>>
      %dma_start3A = arith.constant 0 : i32
      %dma_start3A_91 = tpu.memref_slice %arg9[%add3A_78, %dma_start3A] : memref<10240x128xf32, #tpu.memory_space<vmem_shared>> -> memref<128x128xf32, #tpu.memory_space<vmem_shared>>
      %dma_start3A_92 = arith.constant 0 : i32
      %dma_start3A_93 = tpu.memref_slice %arg9[%add3A_78, %dma_start3A_92] : memref<10240x128xf32, #tpu.memory_space<vmem_shared>> -> memref<128x128xf32, #tpu.memory_space<vmem_shared>>
      tpu.enqueue_dma source(%dma_start3A_93 : memref<128x128xf32, #tpu.memory_space<vmem_shared>>) target(%arg8 : memref<128x128xf32, #tpu.memory_space<vmem>>) target_semaphore(%run_scoped3A : memref<!tpu.dma_semaphore, #tpu.memory_space<semaphore_mem>>)
      %dma_wait3A = arith.constant 0 : i32
      %dma_wait3A_94 = tpu.memref_slice %arg9[%add3A_78, %dma_wait3A] : memref<10240x128xf32, #tpu.memory_space<vmem_shared>> -> memref<128x128xf32, #tpu.memory_space<vmem_shared>>
      %dma_wait3A_95 = arith.constant 0 : i32
      %dma_wait3A_96 = tpu.memref_slice %arg9[%add3A_78, %dma_wait3A_95] : memref<10240x128xf32, #tpu.memory_space<vmem_shared>> -> memref<128x128xf32, #tpu.memory_space<vmem_shared>>
      tpu.wait_dma2 semaphore(%run_scoped3A : memref<!tpu.dma_semaphore, #tpu.memory_space<semaphore_mem>>) src(%dma_wait3A_96 : memref<128x128xf32, #tpu.memory_space<vmem_shared>>) dst(%arg8 : memref<128x128xf32, #tpu.memory_space<vmem>>)
      tpu.yield
    }) : () -> ()
    %mul3A_79 = arith.constant 640 : i32
    %mul3A_80 = arith.muli %arg1, %mul3A_79 : i32
    %add3A_81 = arith.constant 384 : i32
    %add3A_82 = arith.addi %mul3A_80, %add3A_81 : i32
    "tpu.region"() ({
      %run_scoped3A = tpu.sem_alloc : memref<!tpu.dma_semaphore, #tpu.memory_space<semaphore_mem>>
      %dma_start3A = arith.constant 0 : i32
      %dma_start3A_91 = tpu.memref_slice %arg5[%arg0, %add3A_82, %dma_start3A] : memref<2x10240x128xf32, #tpu.memory_space<hbm>> -> memref<1x128x128xf32, #tpu.memory_space<hbm>>
      %dma_start3A_92 = tpu.memref_squeeze %dma_start3A_91 : memref<1x128x128xf32, #tpu.memory_space<hbm>> -> memref<128x128xf32, #tpu.memory_space<hbm>>
      %dma_start3A_93 = arith.constant 0 : i32
      %dma_start3A_94 = tpu.memref_slice %arg5[%arg0, %add3A_82, %dma_start3A_93] : memref<2x10240x128xf32, #tpu.memory_space<hbm>> -> memref<1x128x128xf32, #tpu.memory_space<hbm>>
      %dma_start3A_95 = tpu.memref_squeeze %dma_start3A_94 : memref<1x128x128xf32, #tpu.memory_space<hbm>> -> memref<128x128xf32, #tpu.memory_space<hbm>>
      tpu.enqueue_dma source(%arg8 : memref<128x128xf32, #tpu.memory_space<vmem>>) target(%dma_start3A_95 : memref<128x128xf32, #tpu.memory_space<hbm>>) target_semaphore(%run_scoped3A : memref<!tpu.dma_semaphore, #tpu.memory_space<semaphore_mem>>)
      %dma_wait3A = arith.constant 0 : i32
      %dma_wait3A_96 = tpu.memref_slice %arg5[%arg0, %add3A_82, %dma_wait3A] : memref<2x10240x128xf32, #tpu.memory_space<hbm>> -> memref<1x128x128xf32, #tpu.memory_space<hbm>>
      %dma_wait3A_97 = tpu.memref_squeeze %dma_wait3A_96 : memref<1x128x128xf32, #tpu.memory_space<hbm>> -> memref<128x128xf32, #tpu.memory_space<hbm>>
      %dma_wait3A_98 = arith.constant 0 : i32
      %dma_wait3A_99 = tpu.memref_slice %arg5[%arg0, %add3A_82, %dma_wait3A_98] : memref<2x10240x128xf32, #tpu.memory_space<hbm>> -> memref<1x128x128xf32, #tpu.memory_space<hbm>>
      %dma_wait3A_100 = tpu.memref_squeeze %dma_wait3A_99 : memref<1x128x128xf32, #tpu.memory_space<hbm>> -> memref<128x128xf32, #tpu.memory_space<hbm>>
      tpu.wait_dma2 semaphore(%run_scoped3A : memref<!tpu.dma_semaphore, #tpu.memory_space<semaphore_mem>>) src(%arg8 : memref<128x128xf32, #tpu.memory_space<vmem>>) dst(%dma_wait3A_100 : memref<128x128xf32, #tpu.memory_space<hbm>>)
      tpu.yield
    }) : () -> ()
    %mul3A_83 = arith.constant 640 : i32
    %mul3A_84 = arith.muli %arg1, %mul3A_83 : i32
    %add3A_85 = arith.constant 512 : i32
    %add3A_86 = arith.addi %mul3A_84, %add3A_85 : i32
    "tpu.region"() ({
      %run_scoped3A = tpu.sem_alloc : memref<!tpu.dma_semaphore, #tpu.memory_space<semaphore_mem>>
      %dma_start3A = arith.constant 0 : i32
      %dma_start3A_91 = tpu.memref_slice %arg9[%add3A_86, %dma_start3A] : memref<10240x128xf32, #tpu.memory_space<vmem_shared>> -> memref<128x128xf32, #tpu.memory_space<vmem_shared>>
      %dma_start3A_92 = arith.constant 0 : i32
      %dma_start3A_93 = tpu.memref_slice %arg9[%add3A_86, %dma_start3A_92] : memref<10240x128xf32, #tpu.memory_space<vmem_shared>> -> memref<128x128xf32, #tpu.memory_space<vmem_shared>>
      tpu.enqueue_dma source(%dma_start3A_93 : memref<128x128xf32, #tpu.memory_space<vmem_shared>>) target(%arg8 : memref<128x128xf32, #tpu.memory_space<vmem>>) target_semaphore(%run_scoped3A : memref<!tpu.dma_semaphore, #tpu.memory_space<semaphore_mem>>)
      %dma_wait3A = arith.constant 0 : i32
      %dma_wait3A_94 = tpu.memref_slice %arg9[%add3A_86, %dma_wait3A] : memref<10240x128xf32, #tpu.memory_space<vmem_shared>> -> memref<128x128xf32, #tpu.memory_space<vmem_shared>>
      %dma_wait3A_95 = arith.constant 0 : i32
      %dma_wait3A_96 = tpu.memref_slice %arg9[%add3A_86, %dma_wait3A_95] : memref<10240x128xf32, #tpu.memory_space<vmem_shared>> -> memref<128x128xf32, #tpu.memory_space<vmem_shared>>
      tpu.wait_dma2 semaphore(%run_scoped3A : memref<!tpu.dma_semaphore, #tpu.memory_space<semaphore_mem>>) src(%dma_wait3A_96 : memref<128x128xf32, #tpu.memory_space<vmem_shared>>) dst(%arg8 : memref<128x128xf32, #tpu.memory_space<vmem>>)
      tpu.yield
    }) : () -> ()
    %mul3A_87 = arith.constant 640 : i32
    %mul3A_88 = arith.muli %arg1, %mul3A_87 : i32
    %add3A_89 = arith.constant 512 : i32
    %add3A_90 = arith.addi %mul3A_88, %add3A_89 : i32
    "tpu.region"() ({
      %run_scoped3A = tpu.sem_alloc : memref<!tpu.dma_semaphore, #tpu.memory_space<semaphore_mem>>
      %dma_start3A = arith.constant 0 : i32
      %dma_start3A_91 = tpu.memref_slice %arg5[%arg0, %add3A_90, %dma_start3A] : memref<2x10240x128xf32, #tpu.memory_space<hbm>> -> memref<1x128x128xf32, #tpu.memory_space<hbm>>
      %dma_start3A_92 = tpu.memref_squeeze %dma_start3A_91 : memref<1x128x128xf32, #tpu.memory_space<hbm>> -> memref<128x128xf32, #tpu.memory_space<hbm>>
      %dma_start3A_93 = arith.constant 0 : i32
      %dma_start3A_94 = tpu.memref_slice %arg5[%arg0, %add3A_90, %dma_start3A_93] : memref<2x10240x128xf32, #tpu.memory_space<hbm>> -> memref<1x128x128xf32, #tpu.memory_space<hbm>>
      %dma_start3A_95 = tpu.memref_squeeze %dma_start3A_94 : memref<1x128x128xf32, #tpu.memory_space<hbm>> -> memref<128x128xf32, #tpu.memory_space<hbm>>
      tpu.enqueue_dma source(%arg8 : memref<128x128xf32, #tpu.memory_space<vmem>>) target(%dma_start3A_95 : memref<128x128xf32, #tpu.memory_space<hbm>>) target_semaphore(%run_scoped3A : memref<!tpu.dma_semaphore, #tpu.memory_space<semaphore_mem>>)
      %dma_wait3A = arith.constant 0 : i32
      %dma_wait3A_96 = tpu.memref_slice %arg5[%arg0, %add3A_90, %dma_wait3A] : memref<2x10240x128xf32, #tpu.memory_space<hbm>> -> memref<1x128x128xf32, #tpu.memory_space<hbm>>
      %dma_wait3A_97 = tpu.memref_squeeze %dma_wait3A_96 : memref<1x128x128xf32, #tpu.memory_space<hbm>> -> memref<128x128xf32, #tpu.memory_space<hbm>>
      %dma_wait3A_98 = arith.constant 0 : i32
      %dma_wait3A_99 = tpu.memref_slice %arg5[%arg0, %add3A_90, %dma_wait3A_98] : memref<2x10240x128xf32, #tpu.memory_space<hbm>> -> memref<1x128x128xf32, #tpu.memory_space<hbm>>
      %dma_wait3A_100 = tpu.memref_squeeze %dma_wait3A_99 : memref<1x128x128xf32, #tpu.memory_space<hbm>> -> memref<128x128xf32, #tpu.memory_space<hbm>>
      tpu.wait_dma2 semaphore(%run_scoped3A : memref<!tpu.dma_semaphore, #tpu.memory_space<semaphore_mem>>) src(%arg8 : memref<128x128xf32, #tpu.memory_space<vmem>>) dst(%dma_wait3A_100 : memref<128x128xf32, #tpu.memory_space<hbm>>)
      tpu.yield
    }) : () -> ()
    return
  }
}

#map = affine_map<(d0, d1) -> (0)>
module attributes {stable_mosaic.version = 14 : i64} {
  func.func @_deg_body(%arg0: i32, %arg1: i32, %arg2: memref<320000xi32, #tpu.memory_space<hbm>>, %arg3: memref<640xf32, #tpu.memory_space<hbm>>, %arg4: memref<20480xf32, #tpu.memory_space<hbm>>, %arg5: memref<128xi32, #tpu.memory_space<vmem>>, %arg6: memref<128xf32, #tpu.memory_space<vmem>>, %arg7: memref<640xf32, #tpu.memory_space<vmem>>, %arg8: memref<10240xf32, #tpu.memory_space<vmem_shared>>, %arg9: memref<!tpu.dma_semaphore, #tpu.memory_space<semaphore_mem>>) attributes {dimension_semantics = [#tpu.dimension_semantics<core_parallel>, #tpu.dimension_semantics<subcore_parallel>], iteration_bounds = array<i64: 2, 16>, scalar_prefetch = 0 : i64, scratch_operands = 5 : i64, tpu.core_type = #tpu.core_type<sc_vector_subcore>, window_params = [{transform_indices = #map}, {transform_indices = #map}, {transform_indices = #map}]} {
    %mul3A = arith.constant 2 : i32
    %mul3A_0 = arith.muli %arg1, %mul3A : i32
    %add3A = arith.addi %mul3A_0, %arg0 : i32
    "tpu.region"() ({
      %run_scoped3A = tpu.sem_alloc : memref<!tpu.dma_semaphore, #tpu.memory_space<semaphore_mem>>
      tpu.enqueue_dma source(%arg3 : memref<640xf32, #tpu.memory_space<hbm>>) target(%arg7 : memref<640xf32, #tpu.memory_space<vmem>>) target_semaphore(%run_scoped3A : memref<!tpu.dma_semaphore, #tpu.memory_space<semaphore_mem>>)
      tpu.wait_dma2 semaphore(%run_scoped3A : memref<!tpu.dma_semaphore, #tpu.memory_space<semaphore_mem>>) src(%arg3 : memref<640xf32, #tpu.memory_space<hbm>>) dst(%arg7 : memref<640xf32, #tpu.memory_space<vmem>>)
      tpu.yield
    }) : () -> ()
    %mul3A_1 = arith.constant 640 : i32
    %mul3A_2 = arith.muli %arg1, %mul3A_1 : i32
    "tpu.region"() ({
      %run_scoped3A = tpu.sem_alloc : memref<!tpu.dma_semaphore, #tpu.memory_space<semaphore_mem>>
      %dma_start3A = tpu.memref_slice %arg8[%mul3A_2] : memref<10240xf32, #tpu.memory_space<vmem_shared>> -> memref<640xf32, #tpu.memory_space<vmem_shared>>
      %dma_start3A_86 = tpu.memref_slice %arg8[%mul3A_2] : memref<10240xf32, #tpu.memory_space<vmem_shared>> -> memref<640xf32, #tpu.memory_space<vmem_shared>>
      tpu.enqueue_dma source(%arg7 : memref<640xf32, #tpu.memory_space<vmem>>) target(%dma_start3A_86 : memref<640xf32, #tpu.memory_space<vmem_shared>>) target_semaphore(%run_scoped3A : memref<!tpu.dma_semaphore, #tpu.memory_space<semaphore_mem>>)
      %dma_wait3A = tpu.memref_slice %arg8[%mul3A_2] : memref<10240xf32, #tpu.memory_space<vmem_shared>> -> memref<640xf32, #tpu.memory_space<vmem_shared>>
      %dma_wait3A_87 = tpu.memref_slice %arg8[%mul3A_2] : memref<10240xf32, #tpu.memory_space<vmem_shared>> -> memref<640xf32, #tpu.memory_space<vmem_shared>>
      tpu.wait_dma2 semaphore(%run_scoped3A : memref<!tpu.dma_semaphore, #tpu.memory_space<semaphore_mem>>) src(%arg7 : memref<640xf32, #tpu.memory_space<vmem>>) dst(%dma_wait3A_87 : memref<640xf32, #tpu.memory_space<vmem_shared>>)
      tpu.yield
    }) : () -> ()
    %broadcast_in_dim3A = arith.constant 1.000000e+00 : f32
    %broadcast_in_dim3A_3 = vector.broadcast %broadcast_in_dim3A : f32 to vector<16xf32>
    %swap3A = arith.constant 0 : index
    %swap3A_4 = tpu.vector_load %arg6[%swap3A] {strides = array<i32>} : memref<128xf32, #tpu.memory_space<vmem>>, vector<16xf32>,
    %swap3A_5 = vector.shape_cast %swap3A_4 : vector<16xf32> to vector<16xf32>
    %swap3A_6 = vector.shape_cast %broadcast_in_dim3A_3 : vector<16xf32> to vector<16xf32>
    tpu.vector_store %arg6[%swap3A], %swap3A_6 {strides = array<i32>} : memref<128xf32, #tpu.memory_space<vmem>>, vector<16xf32>,
    %broadcast_in_dim3A_7 = arith.constant 1.000000e+00 : f32
    %broadcast_in_dim3A_8 = vector.broadcast %broadcast_in_dim3A_7 : f32 to vector<16xf32>
    %swap3A_9 = arith.constant 16 : index
    %swap3A_10 = tpu.vector_load %arg6[%swap3A_9] {strides = array<i32>} : memref<128xf32, #tpu.memory_space<vmem>>, vector<16xf32>,
    %swap3A_11 = vector.shape_cast %swap3A_10 : vector<16xf32> to vector<16xf32>
    %swap3A_12 = vector.shape_cast %broadcast_in_dim3A_8 : vector<16xf32> to vector<16xf32>
    tpu.vector_store %arg6[%swap3A_9], %swap3A_12 {strides = array<i32>} : memref<128xf32, #tpu.memory_space<vmem>>, vector<16xf32>,
    %broadcast_in_dim3A_13 = arith.constant 1.000000e+00 : f32
    %broadcast_in_dim3A_14 = vector.broadcast %broadcast_in_dim3A_13 : f32 to vector<16xf32>
    %swap3A_15 = arith.constant 32 : index
    %swap3A_16 = tpu.vector_load %arg6[%swap3A_15] {strides = array<i32>} : memref<128xf32, #tpu.memory_space<vmem>>, vector<16xf32>,
    %swap3A_17 = vector.shape_cast %swap3A_16 : vector<16xf32> to vector<16xf32>
    %swap3A_18 = vector.shape_cast %broadcast_in_dim3A_14 : vector<16xf32> to vector<16xf32>
    tpu.vector_store %arg6[%swap3A_15], %swap3A_18 {strides = array<i32>} : memref<128xf32, #tpu.memory_space<vmem>>, vector<16xf32>,
    %broadcast_in_dim3A_19 = arith.constant 1.000000e+00 : f32
    %broadcast_in_dim3A_20 = vector.broadcast %broadcast_in_dim3A_19 : f32 to vector<16xf32>
    %swap3A_21 = arith.constant 48 : index
    %swap3A_22 = tpu.vector_load %arg6[%swap3A_21] {strides = array<i32>} : memref<128xf32, #tpu.memory_space<vmem>>, vector<16xf32>,
    %swap3A_23 = vector.shape_cast %swap3A_22 : vector<16xf32> to vector<16xf32>
    %swap3A_24 = vector.shape_cast %broadcast_in_dim3A_20 : vector<16xf32> to vector<16xf32>
    tpu.vector_store %arg6[%swap3A_21], %swap3A_24 {strides = array<i32>} : memref<128xf32, #tpu.memory_space<vmem>>, vector<16xf32>,
    %broadcast_in_dim3A_25 = arith.constant 1.000000e+00 : f32
    %broadcast_in_dim3A_26 = vector.broadcast %broadcast_in_dim3A_25 : f32 to vector<16xf32>
    %swap3A_27 = arith.constant 64 : index
    %swap3A_28 = tpu.vector_load %arg6[%swap3A_27] {strides = array<i32>} : memref<128xf32, #tpu.memory_space<vmem>>, vector<16xf32>,
    %swap3A_29 = vector.shape_cast %swap3A_28 : vector<16xf32> to vector<16xf32>
    %swap3A_30 = vector.shape_cast %broadcast_in_dim3A_26 : vector<16xf32> to vector<16xf32>
    tpu.vector_store %arg6[%swap3A_27], %swap3A_30 {strides = array<i32>} : memref<128xf32, #tpu.memory_space<vmem>>, vector<16xf32>,
    %broadcast_in_dim3A_31 = arith.constant 1.000000e+00 : f32
    %broadcast_in_dim3A_32 = vector.broadcast %broadcast_in_dim3A_31 : f32 to vector<16xf32>
    %swap3A_33 = arith.constant 80 : index
    %swap3A_34 = tpu.vector_load %arg6[%swap3A_33] {strides = array<i32>} : memref<128xf32, #tpu.memory_space<vmem>>, vector<16xf32>,
    %swap3A_35 = vector.shape_cast %swap3A_34 : vector<16xf32> to vector<16xf32>
    %swap3A_36 = vector.shape_cast %broadcast_in_dim3A_32 : vector<16xf32> to vector<16xf32>
    tpu.vector_store %arg6[%swap3A_33], %swap3A_36 {strides = array<i32>} : memref<128xf32, #tpu.memory_space<vmem>>, vector<16xf32>,
    %broadcast_in_dim3A_37 = arith.constant 1.000000e+00 : f32
    %broadcast_in_dim3A_38 = vector.broadcast %broadcast_in_dim3A_37 : f32 to vector<16xf32>
    %swap3A_39 = arith.constant 96 : index
    %swap3A_40 = tpu.vector_load %arg6[%swap3A_39] {strides = array<i32>} : memref<128xf32, #tpu.memory_space<vmem>>, vector<16xf32>,
    %swap3A_41 = vector.shape_cast %swap3A_40 : vector<16xf32> to vector<16xf32>
    %swap3A_42 = vector.shape_cast %broadcast_in_dim3A_38 : vector<16xf32> to vector<16xf32>
    tpu.vector_store %arg6[%swap3A_39], %swap3A_42 {strides = array<i32>} : memref<128xf32, #tpu.memory_space<vmem>>, vector<16xf32>,
    %broadcast_in_dim3A_43 = arith.constant 1.000000e+00 : f32
    %broadcast_in_dim3A_44 = vector.broadcast %broadcast_in_dim3A_43 : f32 to vector<16xf32>
    %swap3A_45 = arith.constant 112 : index
    %swap3A_46 = tpu.vector_load %arg6[%swap3A_45] {strides = array<i32>} : memref<128xf32, #tpu.memory_space<vmem>>, vector<16xf32>,
    %swap3A_47 = vector.shape_cast %swap3A_46 : vector<16xf32> to vector<16xf32>
    %swap3A_48 = vector.shape_cast %broadcast_in_dim3A_44 : vector<16xf32> to vector<16xf32>
    tpu.vector_store %arg6[%swap3A_45], %swap3A_48 {strides = array<i32>} : memref<128xf32, #tpu.memory_space<vmem>>, vector<16xf32>,
    %barrier3A = arith.constant 0 : index
    tpu.barrier barrier_id(%barrier3A)
    %sub3A = arith.constant 2499 : i32
    %sub3A_49 = arith.subi %sub3A, %add3A : i32
    %jit3A = arith.constant 32 : i32
    %div3A = arith.divsi %sub3A_49, %jit3A : i32
    %sign3A = arith.constant 0 : i32
    %sign3A_50 = arith.cmpi sgt, %sub3A_49, %sign3A : i32
    %sign3A_51 = arith.extui %sign3A_50 : i1 to i32
    %sign3A_52 = arith.constant 0 : i32
    %sign3A_53 = arith.cmpi slt, %sub3A_49, %sign3A_52 : i32
    %sign3A_54 = arith.extui %sign3A_53 : i1 to i32
    %sign3A_55 = arith.subi %sign3A_51, %sign3A_54 : i32
    %sign3A_56 = arith.constant 0 : i32
    %sign3A_57 = arith.cmpi sgt, %jit3A, %sign3A_56 : i32
    %sign3A_58 = arith.extui %sign3A_57 : i1 to i32
    %sign3A_59 = arith.constant 0 : i32
    %sign3A_60 = arith.cmpi slt, %jit3A, %sign3A_59 : i32
    %sign3A_61 = arith.extui %sign3A_60 : i1 to i32
    %sign3A_62 = arith.subi %sign3A_58, %sign3A_61 : i32
    %ne3A = arith.cmpi ne, %sign3A_55, %sign3A_62 : i32
    %rem3A = arith.remsi %sub3A_49, %jit3A : i32
    %ne3A_63 = arith.constant 0 : i32
    %ne3A_64 = arith.cmpi ne, %rem3A, %ne3A_63 : i32
    %and3A = arith.andi %ne3A, %ne3A_64 : i1
    %sub3A_65 = arith.constant 1 : i32
    %sub3A_66 = arith.subi %div3A, %sub3A_65 : i32
    %select_n3A = arith.select %and3A, %sub3A_66, %div3A : i32
    %add3A_67 = arith.constant 1 : i32
    %add3A_68 = arith.addi %select_n3A, %add3A_67 : i32
    %while3A = arith.constant 0 : i32
    %while3A_69 = arith.constant 0 : i32
    %while3A_70 = arith.subi %add3A_68, %while3A_69 : i32
    %while3A_71 = arith.addi %while3A_69, %while3A_70 : i32
    %while3A_72 = arith.constant 1 : i32
    %while3A_73 = arith.divsi %while3A_70, %while3A_72 : i32
    %while3A_74 = arith.muli %while3A_73, %while3A_72 : i32
    %while3A_75 = arith.addi %while3A_69, %while3A_74 : i32
    %while3A_76 = arith.constant 1 : i32
    scf.for %while3A_86 = %while3A_69 to %while3A_75 step %while3A_76  : i32 {
      %mul3A_87 = arith.constant 32 : i32
      %mul3A_88 = arith.muli %while3A_86, %mul3A_87 : i32
      %add3A_89 = arith.addi %add3A, %mul3A_88 : i32
      %mul3A_90 = arith.constant 128 : i32
      %mul3A_91 = arith.muli %add3A_89, %mul3A_90 : i32
      "tpu.region"() ({
        %run_scoped3A = tpu.sem_alloc : memref<!tpu.dma_semaphore, #tpu.memory_space<semaphore_mem>>
        %dma_start3A = tpu.memref_slice %arg2[%mul3A_91] : memref<320000xi32, #tpu.memory_space<hbm>> -> memref<128xi32, #tpu.memory_space<hbm>>
        %dma_start3A_92 = tpu.memref_slice %arg2[%mul3A_91] : memref<320000xi32, #tpu.memory_space<hbm>> -> memref<128xi32, #tpu.memory_space<hbm>>
        tpu.enqueue_dma source(%dma_start3A_92 : memref<128xi32, #tpu.memory_space<hbm>>) target(%arg5 : memref<128xi32, #tpu.memory_space<vmem>>) target_semaphore(%run_scoped3A : memref<!tpu.dma_semaphore, #tpu.memory_space<semaphore_mem>>)
        %dma_wait3A = tpu.memref_slice %arg2[%mul3A_91] : memref<320000xi32, #tpu.memory_space<hbm>> -> memref<128xi32, #tpu.memory_space<hbm>>
        %dma_wait3A_93 = tpu.memref_slice %arg2[%mul3A_91] : memref<320000xi32, #tpu.memory_space<hbm>> -> memref<128xi32, #tpu.memory_space<hbm>>
        tpu.wait_dma2 semaphore(%run_scoped3A : memref<!tpu.dma_semaphore, #tpu.memory_space<semaphore_mem>>) src(%dma_wait3A_93 : memref<128xi32, #tpu.memory_space<hbm>>) dst(%arg5 : memref<128xi32, #tpu.memory_space<vmem>>)
        tpu.yield
      }) : () -> ()
      "tpu.region"() ({
        %run_scoped3A = tpu.sem_alloc : memref<!tpu.dma_semaphore, #tpu.memory_space<semaphore_mem>>
        %dma_start3A = arith.constant 0 : i32
        %dma_start3A_92 = tpu.memref_slice %arg8[%dma_start3A] : memref<10240xf32, #tpu.memory_space<vmem_shared>> -> memref<10240xf32, #tpu.memory_space<vmem_shared>>
        tpu.enqueue_indirect_dma source(%arg6 : memref<128xf32, #tpu.memory_space<vmem>>) target(%dma_start3A_92 : memref<10240xf32, #tpu.memory_space<vmem_shared>>) offsets(%arg5 : memref<128xi32, #tpu.memory_space<vmem>>) semaphore(%run_scoped3A : memref<!tpu.dma_semaphore, #tpu.memory_space<semaphore_mem>>) {add = true}
        %dma_wait3A = arith.constant 0 : i32
        %dma_wait3A_93 = tpu.memref_slice %arg8[%dma_wait3A] : memref<10240xf32, #tpu.memory_space<vmem_shared>> -> memref<10240xf32, #tpu.memory_space<vmem_shared>>
        tpu.wait_indirect_dma semaphore(%run_scoped3A : memref<!tpu.dma_semaphore, #tpu.memory_space<semaphore_mem>>) src(%arg6 : memref<128xf32, #tpu.memory_space<vmem>>) dst(%dma_wait3A_93 : memref<10240xf32, #tpu.memory_space<vmem_shared>>)
        tpu.yield
      }) : () -> ()
    }
    %while3A_77 = arith.constant 1 : i32
    scf.for %while3A_86 = %while3A_75 to %while3A_71 step %while3A_77  : i32 {
      %mul3A_87 = arith.constant 32 : i32
      %mul3A_88 = arith.muli %while3A_86, %mul3A_87 : i32
      %add3A_89 = arith.addi %add3A, %mul3A_88 : i32
      %mul3A_90 = arith.constant 128 : i32
      %mul3A_91 = arith.muli %add3A_89, %mul3A_90 : i32
      "tpu.region"() ({
        %run_scoped3A = tpu.sem_alloc : memref<!tpu.dma_semaphore, #tpu.memory_space<semaphore_mem>>
        %dma_start3A = tpu.memref_slice %arg2[%mul3A_91] : memref<320000xi32, #tpu.memory_space<hbm>> -> memref<128xi32, #tpu.memory_space<hbm>>
        %dma_start3A_92 = tpu.memref_slice %arg2[%mul3A_91] : memref<320000xi32, #tpu.memory_space<hbm>> -> memref<128xi32, #tpu.memory_space<hbm>>
        tpu.enqueue_dma source(%dma_start3A_92 : memref<128xi32, #tpu.memory_space<hbm>>) target(%arg5 : memref<128xi32, #tpu.memory_space<vmem>>) target_semaphore(%run_scoped3A : memref<!tpu.dma_semaphore, #tpu.memory_space<semaphore_mem>>)
        %dma_wait3A = tpu.memref_slice %arg2[%mul3A_91] : memref<320000xi32, #tpu.memory_space<hbm>> -> memref<128xi32, #tpu.memory_space<hbm>>
        %dma_wait3A_93 = tpu.memref_slice %arg2[%mul3A_91] : memref<320000xi32, #tpu.memory_space<hbm>> -> memref<128xi32, #tpu.memory_space<hbm>>
        tpu.wait_dma2 semaphore(%run_scoped3A : memref<!tpu.dma_semaphore, #tpu.memory_space<semaphore_mem>>) src(%dma_wait3A_93 : memref<128xi32, #tpu.memory_space<hbm>>) dst(%arg5 : memref<128xi32, #tpu.memory_space<vmem>>)
        tpu.yield
      }) : () -> ()
      "tpu.region"() ({
        %run_scoped3A = tpu.sem_alloc : memref<!tpu.dma_semaphore, #tpu.memory_space<semaphore_mem>>
        %dma_start3A = arith.constant 0 : i32
        %dma_start3A_92 = tpu.memref_slice %arg8[%dma_start3A] : memref<10240xf32, #tpu.memory_space<vmem_shared>> -> memref<10240xf32, #tpu.memory_space<vmem_shared>>
        tpu.enqueue_indirect_dma source(%arg6 : memref<128xf32, #tpu.memory_space<vmem>>) target(%dma_start3A_92 : memref<10240xf32, #tpu.memory_space<vmem_shared>>) offsets(%arg5 : memref<128xi32, #tpu.memory_space<vmem>>) semaphore(%run_scoped3A : memref<!tpu.dma_semaphore, #tpu.memory_space<semaphore_mem>>) {add = true}
        %dma_wait3A = arith.constant 0 : i32
        %dma_wait3A_93 = tpu.memref_slice %arg8[%dma_wait3A] : memref<10240xf32, #tpu.memory_space<vmem_shared>> -> memref<10240xf32, #tpu.memory_space<vmem_shared>>
        tpu.wait_indirect_dma semaphore(%run_scoped3A : memref<!tpu.dma_semaphore, #tpu.memory_space<semaphore_mem>>) src(%arg6 : memref<128xf32, #tpu.memory_space<vmem>>) dst(%dma_wait3A_93 : memref<10240xf32, #tpu.memory_space<vmem_shared>>)
        tpu.yield
      }) : () -> ()
    }
    %barrier3A_78 = arith.constant 0 : index
    tpu.barrier barrier_id(%barrier3A_78)
    %mul3A_79 = arith.constant 640 : i32
    %mul3A_80 = arith.muli %arg1, %mul3A_79 : i32
    "tpu.region"() ({
      %run_scoped3A = tpu.sem_alloc : memref<!tpu.dma_semaphore, #tpu.memory_space<semaphore_mem>>
      %dma_start3A = tpu.memref_slice %arg8[%mul3A_80] : memref<10240xf32, #tpu.memory_space<vmem_shared>> -> memref<640xf32, #tpu.memory_space<vmem_shared>>
      %dma_start3A_86 = tpu.memref_slice %arg8[%mul3A_80] : memref<10240xf32, #tpu.memory_space<vmem_shared>> -> memref<640xf32, #tpu.memory_space<vmem_shared>>
      tpu.enqueue_dma source(%dma_start3A_86 : memref<640xf32, #tpu.memory_space<vmem_shared>>) target(%arg7 : memref<640xf32, #tpu.memory_space<vmem>>) target_semaphore(%run_scoped3A : memref<!tpu.dma_semaphore, #tpu.memory_space<semaphore_mem>>)
      %dma_wait3A = tpu.memref_slice %arg8[%mul3A_80] : memref<10240xf32, #tpu.memory_space<vmem_shared>> -> memref<640xf32, #tpu.memory_space<vmem_shared>>
      %dma_wait3A_87 = tpu.memref_slice %arg8[%mul3A_80] : memref<10240xf32, #tpu.memory_space<vmem_shared>> -> memref<640xf32, #tpu.memory_space<vmem_shared>>
      tpu.wait_dma2 semaphore(%run_scoped3A : memref<!tpu.dma_semaphore, #tpu.memory_space<semaphore_mem>>) src(%dma_wait3A_87 : memref<640xf32, #tpu.memory_space<vmem_shared>>) dst(%arg7 : memref<640xf32, #tpu.memory_space<vmem>>)
      tpu.yield
    }) : () -> ()
    %mul3A_81 = arith.constant 10240 : i32
    %mul3A_82 = arith.muli %arg0, %mul3A_81 : i32
    %mul3A_83 = arith.constant 640 : i32
    %mul3A_84 = arith.muli %arg1, %mul3A_83 : i32
    %add3A_85 = arith.addi %mul3A_82, %mul3A_84 : i32
    "tpu.region"() ({
      %run_scoped3A = tpu.sem_alloc : memref<!tpu.dma_semaphore, #tpu.memory_space<semaphore_mem>>
      %dma_start3A = tpu.memref_slice %arg4[%add3A_85] : memref<20480xf32, #tpu.memory_space<hbm>> -> memref<640xf32, #tpu.memory_space<hbm>>
      %dma_start3A_86 = tpu.memref_slice %arg4[%add3A_85] : memref<20480xf32, #tpu.memory_space<hbm>> -> memref<640xf32, #tpu.memory_space<hbm>>
      tpu.enqueue_dma source(%arg7 : memref<640xf32, #tpu.memory_space<vmem>>) target(%dma_start3A_86 : memref<640xf32, #tpu.memory_space<hbm>>) target_semaphore(%run_scoped3A : memref<!tpu.dma_semaphore, #tpu.memory_space<semaphore_mem>>)
      %dma_wait3A = tpu.memref_slice %arg4[%add3A_85] : memref<20480xf32, #tpu.memory_space<hbm>> -> memref<640xf32, #tpu.memory_space<hbm>>
      %dma_wait3A_87 = tpu.memref_slice %arg4[%add3A_85] : memref<20480xf32, #tpu.memory_space<hbm>> -> memref<640xf32, #tpu.memory_space<hbm>>
      tpu.wait_dma2 semaphore(%run_scoped3A : memref<!tpu.dma_semaphore, #tpu.memory_space<semaphore_mem>>) src(%arg7 : memref<640xf32, #tpu.memory_space<vmem>>) dst(%dma_wait3A_87 : memref<640xf32, #tpu.memory_space<hbm>>)
      tpu.yield
    }) : () -> ()
    return
  }
}

module attributes {stable_mosaic.version = 14 : i64} {
  func.func @_tc_first_body(%arg0: i32, %arg1: memref<1000x128xf32, #tpu.memory_space<vmem>>, %arg2: memref<128x128xf32, #tpu.memory_space<vmem>>, %arg3: memref<1000x128xf32, #tpu.memory_space<vmem>>) attributes {dimension_semantics = [#tpu.dimension_semantics<arbitrary>], iteration_bounds = array<i64: 10>, scalar_prefetch = 0 : i64, scratch_operands = 0 : i64, tpu.core_type = #tpu.core_type<tc>, window_params = [{transform_indices = @transform_0, window_bounds = array<i64: 1000, 128>}, {pipeline_mode = #tpu.pipeline_mode<synchronous>, transform_indices = @transform_1, window_bounds = array<i64: 128, 128>}, {transform_indices = @transform_2, window_bounds = array<i64: 1000, 128>}]} {
    %get3A = arith.constant 0 : index
    %get3A_0 = arith.constant 0 : index
    %get3A_1 = vector.load %arg1[%get3A, %get3A_0] : memref<1000x128xf32, #tpu.memory_space<vmem>>, vector<1000x128xf32>
    %get3A_2 = arith.constant 0 : index
    %get3A_3 = arith.constant 0 : index
    %get3A_4 = vector.load %arg2[%get3A_2, %get3A_3] : memref<128x128xf32, #tpu.memory_space<vmem>>, vector<128x128xf32>
    %dot_general3A = arith.constant dense<0.000000e+00> : vector<1000x128xf32>
    %dot_general3A_5 = tpu.matmul %get3A_1, %get3A_4, %dot_general3A {dimension_numbers = #tpu.dot_dimension_numbers<[1], [0], [0], [1], [0, 0, 1, 1], [], []>, transpose_lhs_hint = false} : vector<1000x128xf32>, vector<128x128xf32>, vector<1000x128xf32> -> vector<1000x128xf32>
    %swap3A = arith.constant 0 : index
    %swap3A_6 = arith.constant 0 : index
    %swap3A_7 = vector.load %arg3[%swap3A, %swap3A_6] : memref<1000x128xf32, #tpu.memory_space<vmem>>, vector<1000x128xf32>
    tpu.vector_store %arg3[%swap3A, %swap3A_6], %dot_general3A_5 {strides = array<i32>} : memref<1000x128xf32, #tpu.memory_space<vmem>>, vector<1000x128xf32>,
    return
  }
  func.func @transform_0(%arg0: i32) -> (i32, i32) {
    %c0_i32 = arith.constant 0 : i32
    %c0_i32_0 = arith.constant 0 : i32
    return %arg0, %c0_i32 : i32, i32
  }
  func.func @transform_1(%arg0: i32) -> (i32, i32) {
    %c0_i32 = arith.constant 0 : i32
    %c0_i32_0 = arith.constant 0 : i32
    %c0_i32_1 = arith.constant 0 : i32
    return %c0_i32, %c0_i32_0 : i32, i32
  }
  func.func @transform_2(%arg0: i32) -> (i32, i32) {
    %c0_i32 = arith.constant 0 : i32
    %c0_i32_0 = arith.constant 0 : i32
    return %arg0, %c0_i32 : i32, i32
  }
}

module attributes {stable_mosaic.version = 14 : i64} {
  func.func @_tc_scale_body(%arg0: i32, %arg1: memref<1000x128xf32, #tpu.memory_space<vmem>>, %arg2: memref<1000x1xf32, #tpu.memory_space<vmem>>, %arg3: memref<1000x128xf32, #tpu.memory_space<vmem>>) attributes {dimension_semantics = [#tpu.dimension_semantics<arbitrary>], iteration_bounds = array<i64: 10>, scalar_prefetch = 0 : i64, scratch_operands = 0 : i64, tpu.core_type = #tpu.core_type<tc>, window_params = [{transform_indices = @transform_0, window_bounds = array<i64: 1000, 128>}, {transform_indices = @transform_1, window_bounds = array<i64: 1000, 1>}, {transform_indices = @transform_2, window_bounds = array<i64: 1000, 128>}]} {
    %get3A = arith.constant 0 : index
    %get3A_0 = arith.constant 0 : index
    %get3A_1 = vector.load %arg1[%get3A, %get3A_0] : memref<1000x128xf32, #tpu.memory_space<vmem>>, vector<1000x128xf32>
    %get3A_2 = arith.constant 0 : index
    %get3A_3 = arith.constant 0 : index
    %get3A_4 = vector.load %arg2[%get3A_2, %get3A_3] : memref<1000x1xf32, #tpu.memory_space<vmem>>, vector<1000x1xf32>
    %mul3A = vector.broadcast %get3A_4 : vector<1000x1xf32> to vector<1000x128xf32>
    %mul3A_5 = arith.mulf %get3A_1, %mul3A : vector<1000x128xf32>
    %swap3A = arith.constant 0 : index
    %swap3A_6 = arith.constant 0 : index
    %swap3A_7 = vector.load %arg3[%swap3A, %swap3A_6] : memref<1000x128xf32, #tpu.memory_space<vmem>>, vector<1000x128xf32>
    tpu.vector_store %arg3[%swap3A, %swap3A_6], %mul3A_5 {strides = array<i32>} : memref<1000x128xf32, #tpu.memory_space<vmem>>, vector<1000x128xf32>,
    return
  }
  func.func @transform_0(%arg0: i32) -> (i32, i32) {
    %c0_i32 = arith.constant 0 : i32
    %c0_i32_0 = arith.constant 0 : i32
    return %arg0, %c0_i32 : i32, i32
  }
  func.func @transform_1(%arg0: i32) -> (i32, i32) {
    %c0_i32 = arith.constant 0 : i32
    %c0_i32_0 = arith.constant 0 : i32
    return %arg0, %c0_i32 : i32, i32
  }
  func.func @transform_2(%arg0: i32) -> (i32, i32) {
    %c0_i32 = arith.constant 0 : i32
    %c0_i32_0 = arith.constant 0 : i32
    return %arg0, %c0_i32 : i32, i32
  }
}

module attributes {stable_mosaic.version = 14 : i64} {
  func.func @_tc_mid_body(%arg0: i32, %arg1: memref<2x1000x128xf32, #tpu.memory_space<vmem>>, %arg2: memref<1000x128xf32, #tpu.memory_space<vmem>>, %arg3: memref<1000x1xf32, #tpu.memory_space<vmem>>, %arg4: memref<1x128xf32, #tpu.memory_space<vmem>>, %arg5: memref<1x128xf32, #tpu.memory_space<vmem>>, %arg6: memref<128x128xf32, #tpu.memory_space<vmem>>, %arg7: memref<1000x128xf32, #tpu.memory_space<vmem>>) attributes {dimension_semantics = [#tpu.dimension_semantics<arbitrary>], iteration_bounds = array<i64: 10>, scalar_prefetch = 0 : i64, scratch_operands = 0 : i64, tpu.core_type = #tpu.core_type<tc>, window_params = [{transform_indices = @transform_0, window_bounds = array<i64: 2, 1000, 128>}, {transform_indices = @transform_1, window_bounds = array<i64: 1000, 128>}, {transform_indices = @transform_2, window_bounds = array<i64: 1000, 1>}, {pipeline_mode = #tpu.pipeline_mode<synchronous>, transform_indices = @transform_3, window_bounds = array<i64: 1, 128>}, {pipeline_mode = #tpu.pipeline_mode<synchronous>, transform_indices = @transform_4, window_bounds = array<i64: 1, 128>}, {pipeline_mode = #tpu.pipeline_mode<synchronous>, transform_indices = @transform_5, window_bounds = array<i64: 128, 128>}, {transform_indices = @transform_6, window_bounds = array<i64: 1000, 128>}]} {
    %get3A = arith.constant 0 : index
    %get3A_0 = arith.constant 0 : index
    %get3A_1 = arith.constant 0 : index
    %get3A_2 = vector.load %arg1[%get3A, %get3A_0, %get3A_1] : memref<2x1000x128xf32, #tpu.memory_space<vmem>>, vector<1x1000x128xf32>
    %get3A_3 = vector.shape_cast %get3A_2 : vector<1x1000x128xf32> to vector<1000x128xf32>
    %get3A_4 = arith.constant 1 : index
    %get3A_5 = arith.constant 0 : index
    %get3A_6 = arith.constant 0 : index
    %get3A_7 = vector.load %arg1[%get3A_4, %get3A_5, %get3A_6] : memref<2x1000x128xf32, #tpu.memory_space<vmem>>, vector<1x1000x128xf32>
    %get3A_8 = vector.shape_cast %get3A_7 : vector<1x1000x128xf32> to vector<1000x128xf32>
    %add3A = arith.addf %get3A_3, %get3A_8 : vector<1000x128xf32>
    %get3A_9 = arith.constant 0 : index
    %get3A_10 = arith.constant 0 : index
    %get3A_11 = vector.load %arg2[%get3A_9, %get3A_10] : memref<1000x128xf32, #tpu.memory_space<vmem>>, vector<1000x128xf32>
    %add3A_12 = arith.addf %add3A, %get3A_11 : vector<1000x128xf32>
    %get3A_13 = arith.constant 0 : index
    %get3A_14 = arith.constant 0 : index
    %get3A_15 = vector.load %arg3[%get3A_13, %get3A_14] : memref<1000x1xf32, #tpu.memory_space<vmem>>, vector<1000x1xf32>
    %mul3A = vector.broadcast %get3A_15 : vector<1000x1xf32> to vector<1000x128xf32>
    %mul3A_16 = arith.mulf %add3A_12, %mul3A : vector<1000x128xf32>
    %get3A_17 = arith.constant 0 : index
    %get3A_18 = arith.constant 0 : index
    %get3A_19 = vector.load %arg4[%get3A_17, %get3A_18] : memref<1x128xf32, #tpu.memory_space<vmem>>, vector<1x128xf32>
    %mul3A_20 = vector.broadcast %get3A_19 : vector<1x128xf32> to vector<1000x128xf32>
    %mul3A_21 = arith.mulf %mul3A_16, %mul3A_20 : vector<1000x128xf32>
    %get3A_22 = arith.constant 0 : index
    %get3A_23 = arith.constant 0 : index
    %get3A_24 = vector.load %arg5[%get3A_22, %get3A_23] : memref<1x128xf32, #tpu.memory_space<vmem>>, vector<1x128xf32>
    %add3A_25 = vector.broadcast %get3A_24 : vector<1x128xf32> to vector<1000x128xf32>
    %add3A_26 = arith.addf %mul3A_21, %add3A_25 : vector<1000x128xf32>
    %max3A = arith.constant 0.000000e+00 : f32
    %max3A_27 = vector.broadcast %max3A : f32 to vector<1000x128xf32>
    %max3A_28 = arith.maximumf %add3A_26, %max3A_27 : vector<1000x128xf32>
    %get3A_29 = arith.constant 0 : index
    %get3A_30 = arith.constant 0 : index
    %get3A_31 = vector.load %arg6[%get3A_29, %get3A_30] : memref<128x128xf32, #tpu.memory_space<vmem>>, vector<128x128xf32>
    %dot_general3A = arith.constant dense<0.000000e+00> : vector<1000x128xf32>
    %dot_general3A_32 = tpu.matmul %max3A_28, %get3A_31, %dot_general3A {dimension_numbers = #tpu.dot_dimension_numbers<[1], [0], [0], [1], [0, 0, 1, 1], [], []>, transpose_lhs_hint = false} : vector<1000x128xf32>, vector<128x128xf32>, vector<1000x128xf32> -> vector<1000x128xf32>
    %get3A_33 = arith.constant 0 : index
    %get3A_34 = arith.constant 0 : index
    %get3A_35 = vector.load %arg3[%get3A_33, %get3A_34] : memref<1000x1xf32, #tpu.memory_space<vmem>>, vector<1000x1xf32>
    %mul3A_36 = vector.broadcast %get3A_35 : vector<1000x1xf32> to vector<1000x128xf32>
    %mul3A_37 = arith.mulf %dot_general3A_32, %mul3A_36 : vector<1000x128xf32>
    %swap3A = arith.constant 0 : index
    %swap3A_38 = arith.constant 0 : index
    %swap3A_39 = vector.load %arg7[%swap3A, %swap3A_38] : memref<1000x128xf32, #tpu.memory_space<vmem>>, vector<1000x128xf32>
    tpu.vector_store %arg7[%swap3A, %swap3A_38], %mul3A_37 {strides = array<i32>} : memref<1000x128xf32, #tpu.memory_space<vmem>>, vector<1000x128xf32>,
    return
  }
  func.func @transform_0(%arg0: i32) -> (i32, i32, i32) {
    %c0_i32 = arith.constant 0 : i32
    %c0_i32_0 = arith.constant 0 : i32
    %c0_i32_1 = arith.constant 0 : i32
    return %c0_i32, %arg0, %c0_i32_0 : i32, i32, i32
  }
  func.func @transform_1(%arg0: i32) -> (i32, i32) {
    %c0_i32 = arith.constant 0 : i32
    %c0_i32_0 = arith.constant 0 : i32
    return %arg0, %c0_i32 : i32, i32
  }
  func.func @transform_2(%arg0: i32) -> (i32, i32) {
    %c0_i32 = arith.constant 0 : i32
    %c0_i32_0 = arith.constant 0 : i32
    return %arg0, %c0_i32 : i32, i32
  }
  func.func @transform_3(%arg0: i32) -> (i32, i32) {
    %c0_i32 = arith.constant 0 : i32
    %c0_i32_0 = arith.constant 0 : i32
    %c0_i32_1 = arith.constant 0 : i32
    return %c0_i32, %c0_i32_0 : i32, i32
  }
  func.func @transform_4(%arg0: i32) -> (i32, i32) {
    %c0_i32 = arith.constant 0 : i32
    %c0_i32_0 = arith.constant 0 : i32
    %c0_i32_1 = arith.constant 0 : i32
    return %c0_i32, %c0_i32_0 : i32, i32
  }
  func.func @transform_5(%arg0: i32) -> (i32, i32) {
    %c0_i32 = arith.constant 0 : i32
    %c0_i32_0 = arith.constant 0 : i32
    %c0_i32_1 = arith.constant 0 : i32
    return %c0_i32, %c0_i32_0 : i32, i32
  }
  func.func @transform_6(%arg0: i32) -> (i32, i32) {
    %c0_i32 = arith.constant 0 : i32
    %c0_i32_0 = arith.constant 0 : i32
    return %arg0, %c0_i32 : i32, i32
  }
}

module attributes {stable_mosaic.version = 14 : i64} {
  func.func @_tc_final_body(%arg0: i32, %arg1: memref<2x1000x128xf32, #tpu.memory_space<vmem>>, %arg2: memref<1000x128xf32, #tpu.memory_space<vmem>>, %arg3: memref<1000x1xf32, #tpu.memory_space<vmem>>, %arg4: memref<1x128xf32, #tpu.memory_space<vmem>>, %arg5: memref<1x128xf32, #tpu.memory_space<vmem>>, %arg6: memref<128x128xf32, #tpu.memory_space<vmem>>, %arg7: memref<1x128xf32, #tpu.memory_space<vmem>>, %arg8: memref<1000x128xf32, #tpu.memory_space<vmem>>) attributes {dimension_semantics = [#tpu.dimension_semantics<arbitrary>], iteration_bounds = array<i64: 10>, scalar_prefetch = 0 : i64, scratch_operands = 0 : i64, tpu.core_type = #tpu.core_type<tc>, window_params = [{transform_indices = @transform_0, window_bounds = array<i64: 2, 1000, 128>}, {transform_indices = @transform_1, window_bounds = array<i64: 1000, 128>}, {transform_indices = @transform_2, window_bounds = array<i64: 1000, 1>}, {pipeline_mode = #tpu.pipeline_mode<synchronous>, transform_indices = @transform_3, window_bounds = array<i64: 1, 128>}, {pipeline_mode = #tpu.pipeline_mode<synchronous>, transform_indices = @transform_4, window_bounds = array<i64: 1, 128>}, {pipeline_mode = #tpu.pipeline_mode<synchronous>, transform_indices = @transform_5, window_bounds = array<i64: 128, 128>}, {pipeline_mode = #tpu.pipeline_mode<synchronous>, transform_indices = @transform_6, window_bounds = array<i64: 1, 128>}, {transform_indices = @transform_7, window_bounds = array<i64: 1000, 128>}]} {
    %get3A = arith.constant 0 : index
    %get3A_0 = arith.constant 0 : index
    %get3A_1 = arith.constant 0 : index
    %get3A_2 = vector.load %arg1[%get3A, %get3A_0, %get3A_1] : memref<2x1000x128xf32, #tpu.memory_space<vmem>>, vector<1x1000x128xf32>
    %get3A_3 = vector.shape_cast %get3A_2 : vector<1x1000x128xf32> to vector<1000x128xf32>
    %get3A_4 = arith.constant 1 : index
    %get3A_5 = arith.constant 0 : index
    %get3A_6 = arith.constant 0 : index
    %get3A_7 = vector.load %arg1[%get3A_4, %get3A_5, %get3A_6] : memref<2x1000x128xf32, #tpu.memory_space<vmem>>, vector<1x1000x128xf32>
    %get3A_8 = vector.shape_cast %get3A_7 : vector<1x1000x128xf32> to vector<1000x128xf32>
    %add3A = arith.addf %get3A_3, %get3A_8 : vector<1000x128xf32>
    %get3A_9 = arith.constant 0 : index
    %get3A_10 = arith.constant 0 : index
    %get3A_11 = vector.load %arg2[%get3A_9, %get3A_10] : memref<1000x128xf32, #tpu.memory_space<vmem>>, vector<1000x128xf32>
    %add3A_12 = arith.addf %add3A, %get3A_11 : vector<1000x128xf32>
    %get3A_13 = arith.constant 0 : index
    %get3A_14 = arith.constant 0 : index
    %get3A_15 = vector.load %arg3[%get3A_13, %get3A_14] : memref<1000x1xf32, #tpu.memory_space<vmem>>, vector<1000x1xf32>
    %mul3A = vector.broadcast %get3A_15 : vector<1000x1xf32> to vector<1000x128xf32>
    %mul3A_16 = arith.mulf %add3A_12, %mul3A : vector<1000x128xf32>
    %get3A_17 = arith.constant 0 : index
    %get3A_18 = arith.constant 0 : index
    %get3A_19 = vector.load %arg4[%get3A_17, %get3A_18] : memref<1x128xf32, #tpu.memory_space<vmem>>, vector<1x128xf32>
    %mul3A_20 = vector.broadcast %get3A_19 : vector<1x128xf32> to vector<1000x128xf32>
    %mul3A_21 = arith.mulf %mul3A_16, %mul3A_20 : vector<1000x128xf32>
    %get3A_22 = arith.constant 0 : index
    %get3A_23 = arith.constant 0 : index
    %get3A_24 = vector.load %arg5[%get3A_22, %get3A_23] : memref<1x128xf32, #tpu.memory_space<vmem>>, vector<1x128xf32>
    %add3A_25 = vector.broadcast %get3A_24 : vector<1x128xf32> to vector<1000x128xf32>
    %add3A_26 = arith.addf %mul3A_21, %add3A_25 : vector<1000x128xf32>
    %max3A = arith.constant 0.000000e+00 : f32
    %max3A_27 = vector.broadcast %max3A : f32 to vector<1000x128xf32>
    %max3A_28 = arith.maximumf %add3A_26, %max3A_27 : vector<1000x128xf32>
    %get3A_29 = arith.constant 0 : index
    %get3A_30 = arith.constant 0 : index
    %get3A_31 = vector.load %arg6[%get3A_29, %get3A_30] : memref<128x128xf32, #tpu.memory_space<vmem>>, vector<128x128xf32>
    %dot_general3A = arith.constant dense<0.000000e+00> : vector<1000x128xf32>
    %dot_general3A_32 = tpu.matmul %max3A_28, %get3A_31, %dot_general3A {dimension_numbers = #tpu.dot_dimension_numbers<[1], [0], [0], [1], [0, 0, 1, 1], [], []>, transpose_lhs_hint = false} : vector<1000x128xf32>, vector<128x128xf32>, vector<1000x128xf32> -> vector<1000x128xf32>
    %get3A_33 = arith.constant 0 : index
    %get3A_34 = arith.constant 0 : index
    %get3A_35 = vector.load %arg7[%get3A_33, %get3A_34] : memref<1x128xf32, #tpu.memory_space<vmem>>, vector<1x128xf32>
    %add3A_36 = vector.broadcast %get3A_35 : vector<1x128xf32> to vector<1000x128xf32>
    %add3A_37 = arith.addf %dot_general3A_32, %add3A_36 : vector<1000x128xf32>
    %swap3A = arith.constant 0 : index
    %swap3A_38 = arith.constant 0 : index
    %swap3A_39 = vector.load %arg8[%swap3A, %swap3A_38] : memref<1000x128xf32, #tpu.memory_space<vmem>>, vector<1000x128xf32>
    tpu.vector_store %arg8[%swap3A, %swap3A_38], %add3A_37 {strides = array<i32>} : memref<1000x128xf32, #tpu.memory_space<vmem>>, vector<1000x128xf32>,
    return
  }
  func.func @transform_0(%arg0: i32) -> (i32, i32, i32) {
    %c0_i32 = arith.constant 0 : i32
    %c0_i32_0 = arith.constant 0 : i32
    %c0_i32_1 = arith.constant 0 : i32
    return %c0_i32, %arg0, %c0_i32_0 : i32, i32, i32
  }
  func.func @transform_1(%arg0: i32) -> (i32, i32) {
    %c0_i32 = arith.constant 0 : i32
    %c0_i32_0 = arith.constant 0 : i32
    return %arg0, %c0_i32 : i32, i32
  }
  func.func @transform_2(%arg0: i32) -> (i32, i32) {
    %c0_i32 = arith.constant 0 : i32
    %c0_i32_0 = arith.constant 0 : i32
    return %arg0, %c0_i32 : i32, i32
  }
  func.func @transform_3(%arg0: i32) -> (i32, i32) {
    %c0_i32 = arith.constant 0 : i32
    %c0_i32_0 = arith.constant 0 : i32
    %c0_i32_1 = arith.constant 0 : i32
    return %c0_i32, %c0_i32_0 : i32, i32
  }
  func.func @transform_4(%arg0: i32) -> (i32, i32) {
    %c0_i32 = arith.constant 0 : i32
    %c0_i32_0 = arith.constant 0 : i32
    %c0_i32_1 = arith.constant 0 : i32
    return %c0_i32, %c0_i32_0 : i32, i32
  }
  func.func @transform_5(%arg0: i32) -> (i32, i32) {
    %c0_i32 = arith.constant 0 : i32
    %c0_i32_0 = arith.constant 0 : i32
    %c0_i32_1 = arith.constant 0 : i32
    return %c0_i32, %c0_i32_0 : i32, i32
  }
  func.func @transform_6(%arg0: i32) -> (i32, i32) {
    %c0_i32 = arith.constant 0 : i32
    %c0_i32_0 = arith.constant 0 : i32
    %c0_i32_1 = arith.constant 0 : i32
    return %c0_i32, %c0_i32_0 : i32, i32
  }
  func.func @transform_7(%arg0: i32) -> (i32, i32) {
    %c0_i32 = arith.constant 0 : i32
    %c0_i32_0 = arith.constant 0 : i32
    return %arg0, %c0_i32 : i32, i32
  }
}

</mosaic_0001>

<sc_bundles>
// kernel: kernel.11.cloned.1.call-start
scs
__scs_entry_jumppad:
0x0: {  	(pc) =	sbr.rel $0x88, $3  }
0x1: {  	(tag) =	ssettag $0x0;
	lr =	simm.s32 $0x1  }
0x2: {  	[smem:$0x3F94] =	sst lr;
	_ =	strace $0xD0000000  }
0x3: {  	_ = 	snop  }
0x4: {  	_ = 	snop  }
0x5: {  	_ = 	snop  }
0x6: {  	_ = 	snop  }
0x7: {  	_ = 	snop  }
__scs_overlays_trampoline_lowered:
0x8: {  	[smem:$0x3FA3] =	sst s0  }
0x9: {  	[smem:$0x3FA4] =	sst s1  }
0xa: {  	[smem:$0x3FA5] =	sst s2  }
0xb: {  	[smem:$0x3FA6] =	sst s3  }
0xc: {  	[smem:$0x3FA7] =	sst s4  }
0xd: {  	[smem:$0x3FA8] =	sst s5  }
0xe: {  	[smem:$0x3FA9] =	sst s6  }
0xf: {  	[smem:$0x3FAA] =	sst s7  }
0x10: {  	[smem:$0x3FAB] =	sst s8  }
0x11: {  	[smem:$0x3FAC] =	sst s9;
	s0 =	simm.s32 @!p0 $0x0  }
0x12: {  	s1 =	sld [smem:$0x3F92];
	s0 =	simm.s32 @p0 $0x1  }
0x13: {  	[smem:$0x3FAD] =	sst s0;
	s0 =	simm.s32 @!p1 $0x0  }
0x14: {  	s2 =	sld [smem:$0x3F91];
	s0 =	simm.s32 @p1 $0x1  }
0x15: {  	[smem:$0x3FAE] =	sst s0;
	s0 =	simm.s32 @!p2 $0x0  }
0x16: {  	s3 =	sld [smem:$0x3FDB];
	s0 =	simm.s32 @p2 $0x1  }
0x17: {  	s4 =	simm.s32 $0x1BF5;
	[smem:$0x3FB0] =	sst s0  }
0x18: {  	s0 =	sld [smem:$0x3F93];
	_ =	swait.ge [sflag:s4], $0x0  }
0x19: {  	s7 =	sld [smem:$0x3F94]  }
0x1a: {  	s8 =	sadd.s32 $0xFFFFE003, lr  }
0x1b: {  	s9 =	sadd.s32 $0xFFFFFEF7, lr;
	s5 =	simm.s32 $0xFFFFFFFF;
	p2 =	slt.u32 s8, $0xFFFFF086  }
0x1c: {  	p1 =	slt.u32 s9, $0xF7A;
	s5 =	simm.s32 @!p2 $0x0  }
0x1d: {  	s5 =	simm.s32 @p1 $0x1;
	p0 =	seq.s32 s7, s2  }
0x1e: {  	s7 =	smul.u32 @!p0 $0xF7A, s2;
	p2 =	seq.s32 @!p0 s5, $0x0  }
0x1f: {  	s9 =	smul.u32 $0xF7A, s1;
	s8 =	simm.s32 @!p0 $0x1BF5;
	p2 =	por !p2, p0  }
0x20: {  	[sflag:s8] =	ssyncset.s32 @!p0 $0xFFFFF086;
	s6 =	sadd.s32 @!p0 s3, s7;
	s7 =	simm.s32 @!p0 $0x108  }
0x21: {  	s3 =	sadd.s32 s3, s9;
	s6 =	sadd.s32 @!p0 $0x88, s6;
	s7 =	simm.s32 @p2 $0x1082  }
0x22: {  	[simem:s7], [sflag:s8] =	dma.local @!p0 [hbm:s6], $0xF7A  }
0x23: {  	s9 =	sor.u32 $0xD0000000, s2;
	s6 =	simm.s32 $0x108;
	_ =	swait.ge @!p0 [sflag:s8], $0x0  }
0x24: {  	s3 =	sadd.s32 $0x88, s3;
	s6 =	simm.s32 @!p1 $0x1082;
	[sflag:s4] =	ssyncset.s32 $0xFFFFF086  }
0x25: {  	[simem:s6], [sflag:s4] =	dma.local [hbm:s3], $0xF7A  }
0x26: {  	[smem:$0x3F94] =	sst s1;
	(tag) =	ssettag s2;
	_ =	strace s9  }
0x27: {  	s1 =	sld [smem:$0x3FA4]  }
0x28: {  	s2 =	sld [smem:$0x3FA5]  }
0x29: {  	s4 =	sld [smem:$0x3FA7]  }
0x2a: {  	p0 =	seq.s32 s5, $0x0;
	s5 =	sld [smem:$0x3FA8]  }
0x2b: {  	s6 =	sld [smem:$0x3FA9]  }
0x2c: {  	s7 =	sld [smem:$0x3FAA]  }
0x2d: {  	s3 =	simm.s32 $0x108;
	s8 =	sld [smem:$0x3FAB]  }
0x2e: {  	s3 =	simm.s32 @!p0 $0x1082;
	s9 =	sld [smem:$0x3FAC]  }
0x2f: {  	lr =	sadd.s32 s0, s3;
	s0 =	sld [smem:$0x3FA3]  }
0x30: {  	s3 =	sld [smem:$0x3FA6]  }
0x31: {  	[smem:$0x3FAF] =	sst s10  }
0x32: {  	s10 =	sld [smem:$0x3FAD];
	_ =	sdelay $0x3  }
0x33: {  	p0 =	seq.s32 s10, $0x1;
	s10 =	sld [smem:$0x3FAF];
	_ =	sdelay $0x3  }
0x34: {  	[smem:$0x3FAF] =	sst s10  }
0x35: {  	s10 =	sld [smem:$0x3FAE];
	_ =	sdelay $0x3  }
0x36: {  	p1 =	seq.s32 s10, $0x1;
	s10 =	sld [smem:$0x3FAF];
	_ =	sdelay $0x3  }
0x37: {  	[smem:$0x3FAF] =	sst s10  }
0x38: {  	s10 =	sld [smem:$0x3FB0]  }
0x39: {  	_ = 	snop;
	(pc) =	sbr.ind lr, $3  }
0x3a: {  	_ = 	snop  }
0x3b: {  	_ = 	snop  }
0x3c: {  	p2 =	seq.s32 s10, $0x1;
	s10 =	sld [smem:$0x3FAF]  }
0x3d: {  	_ =	shalt  }
0x3e: {  	_ =	shalt  }
0x3f: {  	_ =	shalt  }
0x40: {  	_ =	shalt  }
0x41: {  	_ =	shalt  }
0x42: {  	_ =	shalt  }
0x43: {  	_ =	shalt  }
0x44: {  	_ =	shalt  }
0x45: {  	_ =	shalt  }
0x46: {  	_ =	shalt  }
0x47: {  	_ =	shalt  }
0x48: {  	_ =	shalt  }
0x49: {  	_ =	shalt  }
0x4a: {  	_ =	shalt  }
0x4b: {  	_ =	shalt  }
0x4c: {  	_ =	shalt  }
0x4d: {  	_ =	shalt  }
0x4e: {  	_ =	shalt  }
0x4f: {  	_ =	shalt  }
0x50: {  	_ =	shalt  }
0x51: {  	_ =	shalt  }
0x52: {  	_ =	shalt  }
0x53: {  	_ =	shalt  }
0x54: {  	_ =	shalt  }
0x55: {  	_ =	shalt  }
0x56: {  	_ =	shalt  }
0x57: {  	_ =	shalt  }
0x58: {  	_ =	shalt  }
0x59: {  	_ =	shalt  }
0x5a: {  	_ =	shalt  }
0x5b: {  	_ =	shalt  }
0x5c: {  	_ =	shalt  }
0x5d: {  	_ =	shalt  }
0x5e: {  	_ =	shalt  }
0x5f: {  	_ =	shalt  }
0x60: {  	_ =	shalt  }
0x61: {  	_ =	shalt  }
0x62: {  	_ =	shalt  }
0x63: {  	_ =	shalt  }
0x64: {  	_ =	shalt  }
0x65: {  	_ =	shalt  }
0x66: {  	_ =	shalt  }
0x67: {  	_ =	shalt  }
0x68: {  	_ =	shalt  }
0x69: {  	_ =	shalt  }
0x6a: {  	_ =	shalt  }
0x6b: {  	_ =	shalt  }
0x6c: {  	_ =	shalt  }
0x6d: {  	_ =	shalt  }
0x6e: {  	_ =	shalt  }
0x6f: {  	_ =	shalt  }
0x70: {  	_ =	shalt  }
0x71: {  	_ =	shalt  }
0x72: {  	_ =	shalt  }
0x73: {  	_ =	shalt  }
0x74: {  	_ =	shalt  }
0x75: {  	_ =	shalt  }
0x76: {  	_ =	shalt  }
0x77: {  	_ =	shalt  }
0x78: {  	_ =	shalt  }
0x79: {  	_ =	shalt  }
0x7a: {  	_ =	shalt  }
0x7b: {  	_ =	shalt  }
0x7c: {  	_ =	shalt  }
0x7d: {  	_ =	shalt  }
0x7e: {  	_ =	shalt  }
0x7f: {  	_ =	shalt  }
0x80: {  	_ =	shalt  }
0x81: {  	_ =	shalt  }
0x82: {  	_ =	shalt  }
0x83: {  	_ =	shalt  }
0x84: {  	_ =	shalt  }
0x85: {  	_ =	shalt  }
0x86: {  	_ =	shalt  }
0x87: {  	_ =	shalt  }
.Lfunc_end0:
.L_simem_size_0:
called_computation_lowered:
.L_overlay_start_0:
0x88: {  	s2 =	sld [smem:$0x3FD9]  }
0x89: {  	s3 =	sld [smem:$0x3FFE];
	_ =	sdelay $0x1  }
0x8a: {  	s1 =	srdreg.scid  }
0x8b: {  	s0 =	sand.u32 $0x1, s1  }
0x8c: {  	s17 =	sshll.u32 s0, $0xA;
	s2 =	sadd.s32 s3, s2  }
0x8d: {  	s2 =	sadd.s32 s2, s17  }
0x8e: {  	[smem:$0x3FBB] =	sst s2  }
0x8f: {  	_ = 	snop  }
0x90: {  	s2 =	sld [smem:$0x3FD0];
	(tm) =	ssettm $0x1  }
0x91: {  	s18 =	sld [smem:$0x3FFB];
	_ =	sdelay $0x3  }
0x92: {  	_ =	strace s18  }
0x93: {  	s3 =	sld [smem:$0x3FFC];
	_ =	sdelay $0x3  }
0x94: {  	_ =	strace s3  }
0x95: {  	s3 =	sld [smem:$0x3FFD];
	_ =	sdelay $0x3  }
0x96: {  	_ =	strace s3  }
0x97: {  	_ =	strace $0x8FFFFFFF  }
0x98: {  	s19 =	sld [smem:$0x3FDB];
	_ =	sdelay $0x1  }
0x99: {  	s4 =	simm.s32 $_scs_section_size  }
0x9a: {  	s5 =	simm.s32 $_size__tile_overlayer_lowered;
	s6 =	simm.s32 $_tile_overlayer_lowered  }
0x9b: {  	s22 =	simm.s32 $0x1BFF;
	s21 =	sshll.u32 s6, $0x1;
	s3 =	sadd.s32 s4, s19  }
0x9c: {  	s7 =	simm.s32 $0x0;
	s20 =	sshll.u32 s5, $0x1;
	s5 =	sadd.s32 s21, s3  }
0x9d: {  	[timem:s7], [sflag:s22] =	dma.local [hbm:s5], s20  }
0x9e: {  	_ =	swait.ge [sflag:s22], s20  }
0x9f: {  	s4 =	ssub.s32 $0x0, s20;
	[sflag:s22] =	ssyncset.done $0x0  }
0xa0: {  	[sflag:s22] =	ssyncadd.s32 s4;
	_ =	sdelay $0x1  }
0xa1: {  	s23 =	simm.s32 $0x1B8B  }
0xa2: {  	_ =	swait.ge [sflag:s23], $0x1  }
0xa3: {  	[sflag:s23] =	ssyncset.done $0x0  }
0xa4: {  	s25 =	simm.s32 $0x1B8E;
	s24 =	sld [smem:$0x3FFE];
	[sflag:s23] =	ssyncadd.s32 $0xFFFFFFFF  }
0xa5: {  	s26 =	simm.s32 $execute0_lowered;
	[smem:$0x3FD2] =	sst s25  }
0xa6: {  	s5 =	sshll.u32 s26, $0x1;
	_ =	strace $0x80000046;
	[dreg:$0x1] =	wrdreg $0xFFFFFFFF  }
0xa7: {  	s28 =	simm.s32 $_size_execute0_lowered;
	s3 =	sadd.s32 s3, s5;
	[dreg:$0x0] =	wrdreg $0x0  }
0xa8: {  	s5 =	sshll.u32 s28, $0x1;
	[dreg:$0x2] =	wrdreg s3  }
0xa9: {  	[dreg:$0x3] =	wrdreg s5  }
0xaa: {  	[dreg:$0x4] =	wrdreg $0xC0  }
0xab: {  	_ =	task [dreg:s7], $0x5FFFF  }
0xac: {  	[dreg:$0x1] =	wrdreg $0xFFFFFFFF  }
0xad: {  	[dreg:$0x0] =	wrdreg $0x60  }
0xae: {  	[dreg:$0x2] =	wrdreg s2  }
0xaf: {  	[dreg:$0x3] =	wrdreg s24  }
0xb0: {  	[dreg:$0x4] =	wrdreg $0x3800  }
0xb1: {  	[dreg:$0x5] =	wrdreg $0x9  }
0xb2: {  	_ =	task.clear_ibuf [dreg:s7], $0x6FFFF;
	_ =	strace $0x90000046  }
0xb3: {  	s29 =	simm.s32 $0x9;
	_ =	strace $0x80000048  }
0xb4: {  	_ =	swait.ge [sflag:s29], $0x1  }
0xb5: {  	[sflag:s29] =	ssyncadd.s32 $0xFFFFFFFF  }
0xb6: {  	_ =	strace $0x90000048  }
0xb7: {  	_ =	sfence  }
0xb8: {  	s30 =	sld [smem:$0x0];
	_ =	sdelay $0x2  }
0xb9: {  	s31 =	sshll.u32 s1, $0xD;
	s1 =	sshrl.u32 s1, $0x2  }
0xba: {  	s3 =	sand.u32 $0x4000, s31;
	s1 =	sadd.s32 s1, s30  }
0xbb: {  	s0 =	sor.u32 s3, s0;
	s1 =	sshll.u32 s1, $0x11  }
0xbc: {  	s0 =	sor.u32 s1, s0  }
0xbd: {  	s0 =	sadd.s32 $0x8F2B, s0  }
0xbe: {  	[sflag:s0] =	ssyncadd.remote.s32 $0x1  }
0xbf: {  	_ =	sfence.sel $0xFFFF  }
0xc0: {  	[dreg:$0x0] =	wrdreg $0xFFFFFFFF;
	(pc) =	sbr.abs _section_cstart, $3  }
0xc1: {  	[dreg:$0x1] =	wrdreg $0xFFFFFFFF  }
0xc2: {  	_ =	task.clear_ibuf [dreg:s7], $0x2FFFF;
	_ =	strace $0x9FFFFFFF  }
0xc3: {  	(tm) =	ssettm $0x7FFFFFFF  }
tec
execute0_lowered:
.L_overlay_start_1:
0x0: {  	(tag) =	ssettag $0x1  }
0x1: {  	s1 =	rddreg [dreg:$0x0]  }
0x2: {  	s6 =	rddreg [dreg:$0x1]  }
0x3: {  	s2 =	srdreg.scid;
	s0 =	stileid.u32  }
0x4: {  	s3 =	rddreg [dreg:$0x2];
	s4 =	simm.s32 $0x0;
	s13 =	simm.s32 $0x80  }
0x5: {  	s14 =	simm.s32 $0x0;
	s9 =	sand.u32 $0x1, s2;
	s2 =	rddreg [dreg:$0x3]  }
0x6: {  	s7 =	smul.u32 $0x280, s0;
	[smem:$0x7FF] =	sst s4;
	s11 =	sshll.u32 s0, $0x1  }
0x7: {  	s31 =	sshll.u32 s0, $0x8;
	s5 =	smul.u32 $0x2800, s9;
	_ =	strace $0x80000047  }
0x8: {  	s10 =	ssub.s32 $0x2, s9;
	s11 =	sor.u32 s11, s9;
	s12 =	sshll.u32 s9, $0x7  }
0x9: {  	s29 =	sshrl.u32 s10, $0x1;
	s30 =	ssub.s32 $0x9C3, s11;
	s8 =	sadd.s32 s7, s5  }
0xa: {  	s11 =	simm.s32 $0x100;
	s5 =	sadd.s32 $0x4000, s6;
	s8 =	sshrl.u32 s8, $0x3  }
0xb: {  	s10 =	ssub.s32 s10, s29;
	s8 =	sadd.s32 s8, s6;
	s6 =	sadd.s32 s7, s3  }
0xc: {  	s7 =	sadd.s32 $0x4200, s8;
	s8 =	smax.u32 s10, $0x1;
	s10 =	sshrl.u32 s30, $0x5  }
0xd: {  	v0 =	vimm.f32 $1.000000000e+00;
	s9 =	sxor.u32 $0xFFFFFFFF, s10;
	s10 =	sor.u32 s12, s31;
	s12 =	simm.s32 $0x1  }
.LBB2_1:
0xe: {  	[tilespmem:s11], [sflag:$0x1] =	stream.linear.gather [hbm4b:s5+s4], $0x280, $0x38;
	[tilespmem:$0x600] =	vst v63  }
0xf: {  	_ =	swait.ge [sflag:s12], $0x280  }
0x10: {  	[sflag:s12] =	ssyncset.done $0x0  }
0x11: {  	[sflag:s12] =	ssyncadd.s32 $0xFFFFFD80  }
0x12: {  	[spmem:s6] =	stream.linear.scatter [tilespmem:s11], [sflag:$0x1], $0x280, $0x38;
	[tilespmem:$0x600] =	vst v63  }
0x13: {  	_ =	swait.ge [sflag:s12], $0x280  }
0x14: {  	[sflag:s12] =	ssyncset.done $0x0  }
0x15: {  	[sflag:s12] =	ssyncadd.s32 $0xFFFFFD80  }
0x16: {  	[tilespmem:$0x80] =	vst v0  }
0x17: {  	[tilespmem:$0x90] =	vst v0  }
0x18: {  	[tilespmem:$0xA0] =	vst v0  }
0x19: {  	s15 =	sadd.s32 $0x1, s9;
	[tilespmem:$0xB0] =	vst v0  }
0x1a: {  	p1 =	seq.s32 s15, $0x0;
	[tilespmem:$0xC0] =	vst v0  }
.Ltmp0:
0x1b: {  	[tilespmem:$0xD0] =	vst v0;
	(pc) =	sbr.rel @p1 .LBB2_4-.Ltmp0, $4  }
0x1c: {  	[tilespmem:$0xE0] =	vst v0  }
0x1d: {  	[tilespmem:$0xF0] =	vst v0  }
0x1e: {  	[bflag:$0x0] =	sbarrier.arrive $0xFFFF  }
0x1f: {  	s17 =	sshrl.u32 s10, $0x3;
	p0 =	por $0x0, $0x0  }
0x20: {  	s16 =	sadd.s32 s1, s17;
	s15 =	sadd.s32 $0x1, s15  }
0x21: {  	[tilespmem:s4], [sflag:$0x1] =	stream.linear.gather [hbm4b:s16+s4], $0x80, $0x38;
	[tilespmem:$0x600] =	vst v63  }
0x22: {  	p1 =	seq.s32 s15, $0x0;
	_ =	swait.ge [sflag:s12], $0x80  }
.Ltmp1:
0x23: {  	[sflag:s12] =	ssyncset.done $0x0;
	(pc) =	sbr.rel @p1 .LBB2_4-.Ltmp1, $4  }
0x24: {  	[sflag:s12] =	ssyncadd.s32 $0xFFFFFF80  }
0x25: {  	[spmem:s3] =	stream.indirect.scatter.add.f32 [tilespmem:s13], [sflag:$0x1], $0x1, s4, s13, $0xb8;
	[tilespmem:$0x600] =	vst v63  }
0x26: {  	s16 =	sadd.s32 $0x1000, s10;
	_ =	swait.ge [sflag:s12], $0x80  }
0x27: {  	p0 =	por $0x1, $0x1;
	s17 =	sshrl.u32 s16, $0x3;
	[sflag:s12] =	ssyncset.done $0x0  }
.LBB2_3:
0x28: {  	s15 =	sadd.s32 $0x1, s15;
	s17 =	sadd.s32 s1, s17;
	[sflag:s12] =	ssyncadd.s32 $0xFFFFFF80  }
0x29: {  	[tilespmem:s4], [sflag:$0x1] =	stream.linear.gather [hbm4b:s17+s4], $0x80, $0x38;
	[tilespmem:$0x600] =	vst v63  }
0x2a: {  	p1 =	seq.s32 s15, $0x0;
	_ =	swait.ge [sflag:s12], $0x80  }
.Ltmp2:
0x2b: {  	[sflag:s12] =	ssyncset.done $0x0;
	(pc) =	sbr.rel @!p1 .LBB2_3-.Ltmp2, $4  }
0x2c: {  	[sflag:s12] =	ssyncadd.s32 $0xFFFFFF80  }
0x2d: {  	[spmem:s3] =	stream.indirect.scatter.add.f32 [tilespmem:s13], [sflag:$0x1], $0x1, s4, s13, $0xb8;
	[tilespmem:$0x600] =	vst v63  }
0x2e: {  	s16 =	sadd.s32 $0x1000, s16;
	_ =	swait.ge [sflag:s12], $0x80  }
0x2f: {  	s17 =	sshrl.u32 s16, $0x3;
	[sflag:s12] =	ssyncset.done $0x0  }
.LBB2_4:
0x30: {  	s15 =	sadd.s32 s1, s17;
	[sflag:s12] =	ssyncadd.s32 @p0 $0xFFFFFF80  }
0x31: {  	[tilespmem:s4], [sflag:$0x1] =	stream.linear.gather [hbm4b:s15+s4], $0x80, $0x38;
	[tilespmem:$0x600] =	vst v63  }
0x32: {  	_ =	swait.ge [sflag:s12], $0x80  }
0x33: {  	[sflag:s12] =	ssyncset.done $0x0  }
0x34: {  	[sflag:s12] =	ssyncadd.s32 $0xFFFFFF80  }
0x35: {  	[spmem:s3] =	stream.indirect.scatter.add.f32 [tilespmem:s13], [sflag:$0x1], $0x1, s4, s13, $0xb8;
	[tilespmem:$0x600] =	vst v63  }
0x36: {  	_ =	swait.ge [sflag:s12], $0x80  }
0x37: {  	[sflag:s12] =	ssyncset.done $0x0  }
0x38: {  	[sflag:s12] =	ssyncadd.s32 $0xFFFFFF80  }
0x39: {  	[bflag:$0x0] =	sbarrier.arrive $0xFFFF  }
0x3a: {  	[tilespmem:s11], [sflag:$0x1] =	stream.linear.gather [spmem:s6], $0x280, $0x38;
	[tilespmem:$0x600] =	vst v63  }
0x3b: {  	s14 =	sadd.s32 $0x1, s14;
	_ =	swait.ge [sflag:s12], $0x280  }
0x3c: {  	p0 =	sne.s32 s14, s8;
	[sflag:s12] =	ssyncset.done $0x0  }
.Ltmp3:
0x3d: {  	[sflag:s12] =	ssyncadd.s32 $0xFFFFFD80;
	(pc) =	sbr.rel @p0 .LBB2_1-.Ltmp3, $4  }
0x3e: {  	[hbm4b:s7+s4] =	stream.linear.scatter [tilespmem:s11], [sflag:$0x1], $0x280, $0x38;
	[tilespmem:$0x600] =	vst v63  }
0x3f: {  	_ =	swait.ge [sflag:s12], $0x280  }
0x40: {  	[sflag:s12] =	ssyncset.done $0x0  }
0x41: {  	[sflag:s12] =	ssyncadd.s32 $0xFFFFFD80  }
0x42: {  	_ =	sfence.sel $0x180000  }
0x43: {  	[bflag:$0x0] =	sbarrier.arrive $0xFFFF  }
0x44: {  	p0 =	sne.s32 s0, $0x0;
	_ =	strace $0x90000047  }
0x45: {  	s0 =	sadd.s32 @!p0 $0x100000, s2;
	[bflag:$0x2] =	sbarrier.arrive $0xFFFF  }
0x46: {  	[sflag:s0] =	ssyncadd.tile.s32 @!p0 $0x1;
	_ =	shalt  }
.Lfunc_end2:
_tile_overlayer_lowered:
.L_overlay_start_2:
0x47: {  	(tag) =	ssettag $0x2  }
0x48: {  	s0 =	rddreg [dreg:$0x0];
	s2 =	stileid.u32  }
0x49: {  	s1 =	rddreg [dreg:$0x1];
	p0 =	sne.s32 s2, $0x0  }
0x4a: {  	s3 =	rddreg [dreg:$0x2];
	[bflag:$0x3] =	sbarrier.arrive $0xFFFF;
	s2 =	simm.s32 @!p0 $0x1C01  }
0x4b: {  	[timem:s3], [sflag:s2] =	dma.local @!p0 [hbm:s0], s1  }
0x4c: {  	s0 =	simm.s32 @!p0 $0x1  }
0x4d: {  	_ =	swait.ge @!p0 [sflag:s0], s1  }
0x4e: {  	s1 =	ssub.s32 @!p0 $0x0, s1;
	[sflag:s0] =	ssyncset.done @!p0 $0x0  }
0x4f: {  	[sflag:s0] =	ssyncadd.s32 @!p0 s1  }
0x50: {  	[bflag:$0x3] =	sbarrier.arrive $0xFFFF  }
0x51: {  	_ =	shalt  }

// kernel: kernel.14.cloned.1.call-start
scs
__scs_entry_jumppad:
0x0: {  	(pc) =	sbr.rel $0x88, $3  }
0x1: {  	(tag) =	ssettag $0x0;
	lr =	simm.s32 $0x1  }
0x2: {  	[smem:$0x3F94] =	sst lr;
	_ =	strace $0xD0000000  }
0x3: {  	_ = 	snop  }
0x4: {  	_ = 	snop  }
0x5: {  	_ = 	snop  }
0x6: {  	_ = 	snop  }
0x7: {  	_ = 	snop  }
__scs_overlays_trampoline_lowered:
0x8: {  	[smem:$0x3FA3] =	sst s0  }
0x9: {  	[smem:$0x3FA4] =	sst s1  }
0xa: {  	[smem:$0x3FA5] =	sst s2  }
0xb: {  	[smem:$0x3FA6] =	sst s3  }
0xc: {  	[smem:$0x3FA7] =	sst s4  }
0xd: {  	[smem:$0x3FA8] =	sst s5  }
0xe: {  	[smem:$0x3FA9] =	sst s6  }
0xf: {  	[smem:$0x3FAA] =	sst s7  }
0x10: {  	[smem:$0x3FAB] =	sst s8  }
0x11: {  	[smem:$0x3FAC] =	sst s9;
	s0 =	simm.s32 @!p0 $0x0  }
0x12: {  	s1 =	sld [smem:$0x3F92];
	s0 =	simm.s32 @p0 $0x1  }
0x13: {  	[smem:$0x3FAD] =	sst s0;
	s0 =	simm.s32 @!p1 $0x0  }
0x14: {  	s2 =	sld [smem:$0x3F91];
	s0 =	simm.s32 @p1 $0x1  }
0x15: {  	[smem:$0x3FAE] =	sst s0;
	s0 =	simm.s32 @!p2 $0x0  }
0x16: {  	s3 =	sld [smem:$0x3FDB];
	s0 =	simm.s32 @p2 $0x1  }
0x17: {  	s4 =	simm.s32 $0x1BF5;
	[smem:$0x3FB0] =	sst s0  }
0x18: {  	s0 =	sld [smem:$0x3F93];
	_ =	swait.ge [sflag:s4], $0x0  }
0x19: {  	s7 =	sld [smem:$0x3F94]  }
0x1a: {  	s8 =	sadd.s32 $0xFFFFE003, lr  }
0x1b: {  	s9 =	sadd.s32 $0xFFFFFEF7, lr;
	s5 =	simm.s32 $0xFFFFFFFF;
	p2 =	slt.u32 s8, $0xFFFFF086  }
0x1c: {  	p1 =	slt.u32 s9, $0xF7A;
	s5 =	simm.s32 @!p2 $0x0  }
0x1d: {  	s5 =	simm.s32 @p1 $0x1;
	p0 =	seq.s32 s7, s2  }
0x1e: {  	s7 =	smul.u32 @!p0 $0xF7A, s2;
	p2 =	seq.s32 @!p0 s5, $0x0  }
0x1f: {  	s9 =	smul.u32 $0xF7A, s1;
	s8 =	simm.s32 @!p0 $0x1BF5;
	p2 =	por !p2, p0  }
0x20: {  	[sflag:s8] =	ssyncset.s32 @!p0 $0xFFFFF086;
	s6 =	sadd.s32 @!p0 s3, s7;
	s7 =	simm.s32 @!p0 $0x108  }
0x21: {  	s3 =	sadd.s32 s3, s9;
	s6 =	sadd.s32 @!p0 $0x88, s6;
	s7 =	simm.s32 @p2 $0x1082  }
0x22: {  	[simem:s7], [sflag:s8] =	dma.local @!p0 [hbm:s6], $0xF7A  }
0x23: {  	s9 =	sor.u32 $0xD0000000, s2;
	s6 =	simm.s32 $0x108;
	_ =	swait.ge @!p0 [sflag:s8], $0x0  }
0x24: {  	s3 =	sadd.s32 $0x88, s3;
	s6 =	simm.s32 @!p1 $0x1082;
	[sflag:s4] =	ssyncset.s32 $0xFFFFF086  }
0x25: {  	[simem:s6], [sflag:s4] =	dma.local [hbm:s3], $0xF7A  }
0x26: {  	[smem:$0x3F94] =	sst s1;
	(tag) =	ssettag s2;
	_ =	strace s9  }
0x27: {  	s1 =	sld [smem:$0x3FA4]  }
0x28: {  	s2 =	sld [smem:$0x3FA5]  }
0x29: {  	s4 =	sld [smem:$0x3FA7]  }
0x2a: {  	p0 =	seq.s32 s5, $0x0;
	s5 =	sld [smem:$0x3FA8]  }
0x2b: {  	s6 =	sld [smem:$0x3FA9]  }
0x2c: {  	s7 =	sld [smem:$0x3FAA]  }
0x2d: {  	s3 =	simm.s32 $0x108;
	s8 =	sld [smem:$0x3FAB]  }
0x2e: {  	s3 =	simm.s32 @!p0 $0x1082;
	s9 =	sld [smem:$0x3FAC]  }
0x2f: {  	lr =	sadd.s32 s0, s3;
	s0 =	sld [smem:$0x3FA3]  }
0x30: {  	s3 =	sld [smem:$0x3FA6]  }
0x31: {  	[smem:$0x3FAF] =	sst s10  }
0x32: {  	s10 =	sld [smem:$0x3FAD];
	_ =	sdelay $0x3  }
0x33: {  	p0 =	seq.s32 s10, $0x1;
	s10 =	sld [smem:$0x3FAF];
	_ =	sdelay $0x3  }
0x34: {  	[smem:$0x3FAF] =	sst s10  }
0x35: {  	s10 =	sld [smem:$0x3FAE];
	_ =	sdelay $0x3  }
0x36: {  	p1 =	seq.s32 s10, $0x1;
	s10 =	sld [smem:$0x3FAF];
	_ =	sdelay $0x3  }
0x37: {  	[smem:$0x3FAF] =	sst s10  }
0x38: {  	s10 =	sld [smem:$0x3FB0]  }
0x39: {  	_ = 	snop;
	(pc) =	sbr.ind lr, $3  }
0x3a: {  	_ = 	snop  }
0x3b: {  	_ = 	snop  }
0x3c: {  	p2 =	seq.s32 s10, $0x1;
	s10 =	sld [smem:$0x3FAF]  }
0x3d: {  	_ =	shalt  }
0x3e: {  	_ =	shalt  }
0x3f: {  	_ =	shalt  }
0x40: {  	_ =	shalt  }
0x41: {  	_ =	shalt  }
0x42: {  	_ =	shalt  }
0x43: {  	_ =	shalt  }
0x44: {  	_ =	shalt  }
0x45: {  	_ =	shalt  }
0x46: {  	_ =	shalt  }
0x47: {  	_ =	shalt  }
0x48: {  	_ =	shalt  }
0x49: {  	_ =	shalt  }
0x4a: {  	_ =	shalt  }
0x4b: {  	_ =	shalt  }
0x4c: {  	_ =	shalt  }
0x4d: {  	_ =	shalt  }
0x4e: {  	_ =	shalt  }
0x4f: {  	_ =	shalt  }
0x50: {  	_ =	shalt  }
0x51: {  	_ =	shalt  }
0x52: {  	_ =	shalt  }
0x53: {  	_ =	shalt  }
0x54: {  	_ =	shalt  }
0x55: {  	_ =	shalt  }
0x56: {  	_ =	shalt  }
0x57: {  	_ =	shalt  }
0x58: {  	_ =	shalt  }
0x59: {  	_ =	shalt  }
0x5a: {  	_ =	shalt  }
0x5b: {  	_ =	shalt  }
0x5c: {  	_ =	shalt  }
0x5d: {  	_ =	shalt  }
0x5e: {  	_ =	shalt  }
0x5f: {  	_ =	shalt  }
0x60: {  	_ =	shalt  }
0x61: {  	_ =	shalt  }
0x62: {  	_ =	shalt  }
0x63: {  	_ =	shalt  }
0x64: {  	_ =	shalt  }
0x65: {  	_ =	shalt  }
0x66: {  	_ =	shalt  }
0x67: {  	_ =	shalt  }
0x68: {  	_ =	shalt  }
0x69: {  	_ =	shalt  }
0x6a: {  	_ =	shalt  }
0x6b: {  	_ =	shalt  }
0x6c: {  	_ =	shalt  }
0x6d: {  	_ =	shalt  }
0x6e: {  	_ =	shalt  }
0x6f: {  	_ =	shalt  }
0x70: {  	_ =	shalt  }
0x71: {  	_ =	shalt  }
0x72: {  	_ =	shalt  }
0x73: {  	_ =	shalt  }
0x74: {  	_ =	shalt  }
0x75: {  	_ =	shalt  }
0x76: {  	_ =	shalt  }
0x77: {  	_ =	shalt  }
0x78: {  	_ =	shalt  }
0x79: {  	_ =	shalt  }
0x7a: {  	_ =	shalt  }
0x7b: {  	_ =	shalt  }
0x7c: {  	_ =	shalt  }
0x7d: {  	_ =	shalt  }
0x7e: {  	_ =	shalt  }
0x7f: {  	_ =	shalt  }
0x80: {  	_ =	shalt  }
0x81: {  	_ =	shalt  }
0x82: {  	_ =	shalt  }
0x83: {  	_ =	shalt  }
0x84: {  	_ =	shalt  }
0x85: {  	_ =	shalt  }
0x86: {  	_ =	shalt  }
0x87: {  	_ =	shalt  }
.Lfunc_end0:
.L_simem_size_0:
called_computation.1_lowered:
.L_overlay_start_0:
0x88: {  	s2 =	sld [smem:$0x3FD9]  }
0x89: {  	s3 =	sld [smem:$0x3FFE];
	_ =	sdelay $0x1  }
0x8a: {  	s1 =	srdreg.scid  }
0x8b: {  	s0 =	sand.u32 $0x1, s1  }
0x8c: {  	s17 =	sshll.u32 s0, $0xA;
	s2 =	sadd.s32 s3, s2  }
0x8d: {  	s2 =	sadd.s32 s2, s17  }
0x8e: {  	[smem:$0x3FBB] =	sst s2  }
0x8f: {  	_ = 	snop  }
0x90: {  	s2 =	sld [smem:$0x3FD0];
	(tm) =	ssettm $0x1  }
0x91: {  	s18 =	sld [smem:$0x3FFB];
	_ =	sdelay $0x3  }
0x92: {  	_ =	strace s18  }
0x93: {  	s3 =	sld [smem:$0x3FFC];
	_ =	sdelay $0x3  }
0x94: {  	_ =	strace s3  }
0x95: {  	s3 =	sld [smem:$0x3FFD];
	_ =	sdelay $0x3  }
0x96: {  	_ =	strace s3  }
0x97: {  	_ =	strace $0x8FFFFFFF  }
0x98: {  	s19 =	sld [smem:$0x3FDB];
	_ =	sdelay $0x1  }
0x99: {  	s4 =	simm.s32 $_scs_section_size  }
0x9a: {  	s5 =	simm.s32 $_size__tile_overlayer_lowered;
	s6 =	simm.s32 $_tile_overlayer_lowered  }
0x9b: {  	s22 =	simm.s32 $0x1BFF;
	s21 =	sshll.u32 s6, $0x1;
	s3 =	sadd.s32 s4, s19  }
0x9c: {  	s7 =	simm.s32 $0x0;
	s20 =	sshll.u32 s5, $0x1;
	s5 =	sadd.s32 s21, s3  }
0x9d: {  	[timem:s7], [sflag:s22] =	dma.local [hbm:s5], s20  }
0x9e: {  	_ =	swait.ge [sflag:s22], s20  }
0x9f: {  	s4 =	ssub.s32 $0x0, s20;
	[sflag:s22] =	ssyncset.done $0x0  }
0xa0: {  	[sflag:s22] =	ssyncadd.s32 s4;
	_ =	sdelay $0x1  }
0xa1: {  	s23 =	simm.s32 $0x1B8B  }
0xa2: {  	_ =	swait.ge [sflag:s23], $0x1  }
0xa3: {  	[sflag:s23] =	ssyncset.done $0x0  }
0xa4: {  	s25 =	simm.s32 $0x1B8E;
	s24 =	sld [smem:$0x3FFE];
	[sflag:s23] =	ssyncadd.s32 $0xFFFFFFFF  }
0xa5: {  	s26 =	simm.s32 $execute0_lowered;
	[smem:$0x3FD2] =	sst s25  }
0xa6: {  	s5 =	sshll.u32 s26, $0x1;
	_ =	strace $0x80000049;
	[dreg:$0x1] =	wrdreg $0xFFFFFFFF  }
0xa7: {  	s28 =	simm.s32 $_size_execute0_lowered;
	s3 =	sadd.s32 s3, s5;
	[dreg:$0x0] =	wrdreg $0x0  }
0xa8: {  	s5 =	sshll.u32 s28, $0x1;
	[dreg:$0x2] =	wrdreg s3  }
0xa9: {  	[dreg:$0x3] =	wrdreg s5  }
0xaa: {  	[dreg:$0x4] =	wrdreg $0xC0  }
0xab: {  	_ =	task [dreg:s7], $0x5FFFF  }
0xac: {  	[dreg:$0x1] =	wrdreg $0xFFFFFFFF  }
0xad: {  	[dreg:$0x0] =	wrdreg $0x60  }
0xae: {  	[dreg:$0x2] =	wrdreg s2  }
0xaf: {  	[dreg:$0x3] =	wrdreg s24  }
0xb0: {  	[dreg:$0x4] =	wrdreg $0x81000  }
0xb1: {  	[dreg:$0x5] =	wrdreg $0x9  }
0xb2: {  	_ =	task.clear_ibuf [dreg:s7], $0x6FFFF;
	_ =	strace $0x90000049  }
0xb3: {  	s29 =	simm.s32 $0x9;
	_ =	strace $0x8000004B  }
0xb4: {  	_ =	swait.ge [sflag:s29], $0x1  }
0xb5: {  	[sflag:s29] =	ssyncadd.s32 $0xFFFFFFFF  }
0xb6: {  	_ =	strace $0x9000004B  }
0xb7: {  	_ =	sfence  }
0xb8: {  	s30 =	sld [smem:$0x0];
	_ =	sdelay $0x2  }
0xb9: {  	s31 =	sshll.u32 s1, $0xD;
	s1 =	sshrl.u32 s1, $0x2  }
0xba: {  	s3 =	sand.u32 $0x4000, s31;
	s1 =	sadd.s32 s1, s30  }
0xbb: {  	s0 =	sor.u32 s3, s0;
	s1 =	sshll.u32 s1, $0x11  }
0xbc: {  	s0 =	sor.u32 s1, s0  }
0xbd: {  	s0 =	sadd.s32 $0x8F2B, s0  }
0xbe: {  	[sflag:s0] =	ssyncadd.remote.s32 $0x1  }
0xbf: {  	_ =	sfence.sel $0xFFFF  }
0xc0: {  	[dreg:$0x0] =	wrdreg $0xFFFFFFFF;
	(pc) =	sbr.abs _section_cstart, $3  }
0xc1: {  	[dreg:$0x1] =	wrdreg $0xFFFFFFFF  }
0xc2: {  	_ =	task.clear_ibuf [dreg:s7], $0x2FFFF;
	_ =	strace $0x9FFFFFFF  }
0xc3: {  	(tm) =	ssettm $0x7FFFFFFF  }
tec
execute0_lowered:
.L_overlay_start_1:
0x0: {  	(tag) =	ssettag $0x1  }
0x1: {  	s1 =	rddreg [dreg:$0x0]  }
0x2: {  	s7 =	rddreg [dreg:$0x1]  }
0x3: {  	s2 =	rddreg [dreg:$0x2]  }
0x4: {  	s0 =	rddreg [dreg:$0x3];
	s4 =	simm.s32 $0x0  }
0x5: {  	s5 =	srdreg.scid;
	s3 =	stileid.u32;
	s22 =	simm.s32 $0x80  }
0x6: {  	s23 =	simm.s32 $0x100;
	s24 =	simm.s32 $0x1;
	[smem:$0x7FF] =	sst s4  }
0x7: {  	s17 =	sand.u32 $0x1, s5;
	s8 =	smul.u32 $0x50000, s3;
	s5 =	sadd.s32 $0x4C00, s7  }
0x8: {  	s12 =	smul.u32 $0x14000, s3;
	s6 =	sadd.s32 $0x4000, s7;
	s16 =	sadd.s32 $0x18600, s7  }
0x9: {  	s15 =	sshll.u32 s3, $0x1;
	s30 =	sshll.u32 s3, $0x9;
	_ =	strace $0x8000004A  }
0xa: {  	s9 =	ssub.s32 $0x2, s17;
	s20 =	smul.u32 $0x140000, s17;
	s28 =	sor.u32 s15, s17  }
0xb: {  	s31 =	sshll.u32 s17, $0x8;
	s25 =	sshrl.u32 s9, $0x1;
	s26 =	sshrl.u32 s8, $0x2  }
0xc: {  	s13 =	sadd.s32 $0x4000, s12;
	s14 =	sadd.s32 $0x8000, s12;
	s19 =	sadd.s32 $0xC000, s12  }
0xd: {  	s21 =	sadd.s32 $0x10000, s12;
	s29 =	ssub.s32 $0x9C3, s28;
	s18 =	ssub.s32 s9, s25  }
0xe: {  	s7 =	sadd.s32 s26, s2;
	s8 =	sadd.s32 s13, s2;
	s9 =	sadd.s32 s14, s2  }
0xf: {  	s10 =	sadd.s32 s19, s2;
	s11 =	sadd.s32 s21, s2;
	s12 =	sadd.s32 s12, s20  }
0x10: {  	s13 =	sadd.s32 s20, s13;
	s14 =	sadd.s32 s20, s14;
	s19 =	sadd.s32 s20, s19  }
0x11: {  	s20 =	sadd.s32 s20, s21;
	s21 =	simm.s32 $0x2;
	s25 =	simm.s32 $0x0  }
0x12: {  	s12 =	sshrl.u32 s12, $0x3;
	s13 =	sshrl.u32 s13, $0x3;
	s14 =	sshrl.u32 s14, $0x3  }
0x13: {  	s19 =	sshrl.u32 s19, $0x3;
	s20 =	sshrl.u32 s20, $0x3;
	s17 =	smax.u32 s18, $0x1  }
0x14: {  	s12 =	sadd.s32 s16, s12;
	s13 =	sadd.s32 s16, s13;
	s14 =	sadd.s32 s16, s14  }
0x15: {  	s15 =	sadd.s32 s16, s19;
	s16 =	sadd.s32 s16, s20;
	s19 =	sshrl.u32 s29, $0x5  }
0x16: {  	s20 =	simm.s32 $0x4100;
	s18 =	sxor.u32 $0xFFFFFFFF, s19;
	s19 =	sor.u32 s31, s30  }
.LBB2_1:
0x17: {  	[tilespmem:s20], [sflag:$0x2] =	stream.linear.gather [hbm4b:s6+s4], $0x4000, $0x38;
	[tilespmem:$0x1C100] =	vst v63  }
0x18: {  	_ =	swait.ge [sflag:s21], $0x4000  }
0x19: {  	[sflag:s21] =	ssyncset.done $0x0  }
0x1a: {  	[sflag:s21] =	ssyncadd.s32 $0xFFFFC000  }
0x1b: {  	[spmem:s7] =	stream.linear.scatter [tilespmem:s20], [sflag:$0x2], $0x4000, $0x38;
	[tilespmem:$0x1C100] =	vst v63  }
0x1c: {  	_ =	swait.ge [sflag:s21], $0x4000  }
0x1d: {  	[sflag:s21] =	ssyncset.done $0x0  }
0x1e: {  	[sflag:s21] =	ssyncadd.s32 $0xFFFFC000  }
0x1f: {  	[spmem:s8] =	stream.linear.scatter [tilespmem:s20], [sflag:$0x2], $0x4000, $0x38;
	[tilespmem:$0x1C100] =	vst v63  }
0x20: {  	_ =	swait.ge [sflag:s21], $0x4000  }
0x21: {  	[sflag:s21] =	ssyncset.done $0x0  }
0x22: {  	[sflag:s21] =	ssyncadd.s32 $0xFFFFC000  }
0x23: {  	[spmem:s9] =	stream.linear.scatter [tilespmem:s20], [sflag:$0x2], $0x4000, $0x38;
	[tilespmem:$0x1C100] =	vst v63  }
0x24: {  	_ =	swait.ge [sflag:s21], $0x4000  }
0x25: {  	[sflag:s21] =	ssyncset.done $0x0  }
0x26: {  	[sflag:s21] =	ssyncadd.s32 $0xFFFFC000  }
0x27: {  	[spmem:s10] =	stream.linear.scatter [tilespmem:s20], [sflag:$0x2], $0x4000, $0x38;
	[tilespmem:$0x1C100] =	vst v63  }
0x28: {  	_ =	swait.ge [sflag:s21], $0x4000  }
0x29: {  	s26 =	sadd.s32 $0x1, s18;
	[sflag:s21] =	ssyncset.done $0x0  }
0x2a: {  	p1 =	seq.s32 s26, $0x0;
	[sflag:s21] =	ssyncadd.s32 $0xFFFFC000  }
0x2b: {  	[spmem:s11] =	stream.linear.scatter [tilespmem:s20], [sflag:$0x2], $0x4000, $0x38;
	[tilespmem:$0x1C100] =	vst v63  }
.Ltmp0:
0x2c: {  	_ =	swait.ge [sflag:s21], $0x4000;
	(pc) =	sbr.rel @p1 .LBB2_4-.Ltmp0, $4  }
0x2d: {  	[sflag:s21] =	ssyncset.done $0x0  }
0x2e: {  	[sflag:s21] =	ssyncadd.s32 $0xFFFFC000  }
0x2f: {  	[bflag:$0x0] =	sbarrier.arrive $0xFFFF  }
0x30: {  	s29 =	sshrl.u32 s19, $0x3;
	p0 =	por $0x0, $0x0  }
0x31: {  	s28 =	sadd.s32 s5, s29  }
0x32: {  	[tilespmem:s4], [sflag:$0x2] =	stream.linear.gather [hbm4b:s28+s4], $0x100, $0x38;
	[tilespmem:$0x1C100] =	vst v63  }
0x33: {  	_ =	swait.ge [sflag:s21], $0x100  }
0x34: {  	[sflag:s21] =	ssyncset.done $0x0  }
0x35: {  	s26 =	sadd.s32 $0x1, s26;
	[sflag:s21] =	ssyncadd.s32 $0xFFFFFF00  }
0x36: {  	[tilespmem:s23], [sflag:$0x1] =	stream.indirect.gather [hbm4b:s1+s22], $0x80, s4, s22, $0xb8;
	[tilespmem:$0x1C100] =	vst v63  }
0x37: {  	p1 =	seq.s32 s26, $0x0;
	_ =	swait.ge [sflag:s24], $0x4000  }
.Ltmp1:
0x38: {  	[sflag:s24] =	ssyncset.done $0x0;
	(pc) =	sbr.rel @p1 .LBB2_4-.Ltmp1, $4  }
0x39: {  	[sflag:s24] =	ssyncadd.s32 $0xFFFFC000  }
0x3a: {  	[spmem:s2] =	stream.indirect.scatter.add.f32 [tilespmem:s23], [sflag:$0x2], $0x80, s22, s22, $0xb8;
	[tilespmem:$0x1C100] =	vst v63  }
0x3b: {  	s28 =	sadd.s32 $0x2000, s19;
	_ =	swait.ge [sflag:s21], $0x4000  }
0x3c: {  	p0 =	por $0x1, $0x1;
	s29 =	sshrl.u32 s28, $0x3;
	[sflag:s21] =	ssyncset.done $0x0  }
.LBB2_3:
0x3d: {  	s26 =	sadd.s32 $0x1, s26;
	s29 =	sadd.s32 s5, s29;
	[sflag:s21] =	ssyncadd.s32 $0xFFFFC000  }
0x3e: {  	[tilespmem:s4], [sflag:$0x2] =	stream.linear.gather [hbm4b:s29+s4], $0x100, $0x38;
	[tilespmem:$0x1C100] =	vst v63  }
0x3f: {  	p1 =	seq.s32 s26, $0x0;
	_ =	swait.ge [sflag:s21], $0x100  }
0x40: {  	[sflag:s21] =	ssyncset.done $0x0  }
0x41: {  	[sflag:s21] =	ssyncadd.s32 $0xFFFFFF00  }
0x42: {  	[tilespmem:s23], [sflag:$0x1] =	stream.indirect.gather [hbm4b:s1+s22], $0x80, s4, s22, $0xb8;
	[tilespmem:$0x1C100] =	vst v63  }
0x43: {  	_ =	swait.ge [sflag:s24], $0x4000  }
.Ltmp2:
0x44: {  	[sflag:s24] =	ssyncset.done $0x0;
	(pc) =	sbr.rel @!p1 .LBB2_3-.Ltmp2, $4  }
0x45: {  	[sflag:s24] =	ssyncadd.s32 $0xFFFFC000  }
0x46: {  	[spmem:s2] =	stream.indirect.scatter.add.f32 [tilespmem:s23], [sflag:$0x2], $0x80, s22, s22, $0xb8;
	[tilespmem:$0x1C100] =	vst v63  }
0x47: {  	s28 =	sadd.s32 $0x2000, s28;
	_ =	swait.ge [sflag:s21], $0x4000  }
0x48: {  	s29 =	sshrl.u32 s28, $0x3;
	[sflag:s21] =	ssyncset.done $0x0  }
.LBB2_4:
0x49: {  	s26 =	sadd.s32 s5, s29;
	[sflag:s21] =	ssyncadd.s32 @p0 $0xFFFFC000  }
0x4a: {  	[tilespmem:s4], [sflag:$0x2] =	stream.linear.gather [hbm4b:s26+s4], $0x100, $0x38;
	[tilespmem:$0x1C100] =	vst v63  }
0x4b: {  	_ =	swait.ge [sflag:s21], $0x100  }
0x4c: {  	[sflag:s21] =	ssyncset.done $0x0  }
0x4d: {  	[sflag:s21] =	ssyncadd.s32 $0xFFFFFF00  }
0x4e: {  	[tilespmem:s23], [sflag:$0x1] =	stream.indirect.gather [hbm4b:s1+s22], $0x80, s4, s22, $0xb8;
	[tilespmem:$0x1C100] =	vst v63  }
0x4f: {  	_ =	swait.ge [sflag:s24], $0x4000  }
0x50: {  	[sflag:s24] =	ssyncset.done $0x0  }
0x51: {  	[sflag:s24] =	ssyncadd.s32 $0xFFFFC000  }
0x52: {  	[spmem:s2] =	stream.indirect.scatter.add.f32 [tilespmem:s23], [sflag:$0x2], $0x80, s22, s22, $0xb8;
	[tilespmem:$0x1C100] =	vst v63  }
0x53: {  	_ =	swait.ge [sflag:s21], $0x4000  }
0x54: {  	[sflag:s21] =	ssyncset.done $0x0  }
0x55: {  	[sflag:s21] =	ssyncadd.s32 $0xFFFFC000  }
0x56: {  	[bflag:$0x0] =	sbarrier.arrive $0xFFFF  }
0x57: {  	[tilespmem:s20], [sflag:$0x2] =	stream.linear.gather [spmem:s7], $0x4000, $0x38;
	[tilespmem:$0x1C100] =	vst v63  }
0x58: {  	_ =	swait.ge [sflag:s21], $0x4000  }
0x59: {  	[sflag:s21] =	ssyncset.done $0x0  }
0x5a: {  	[sflag:s21] =	ssyncadd.s32 $0xFFFFC000  }
0x5b: {  	[hbm4b:s12+s4] =	stream.linear.scatter [tilespmem:s20], [sflag:$0x2], $0x4000, $0x38;
	[tilespmem:$0x1C100] =	vst v63  }
0x5c: {  	_ =	swait.ge [sflag:s21], $0x4000  }
0x5d: {  	[sflag:s21] =	ssyncset.done $0x0  }
0x5e: {  	[sflag:s21] =	ssyncadd.s32 $0xFFFFC000  }
0x5f: {  	[tilespmem:s20], [sflag:$0x2] =	stream.linear.gather [spmem:s8], $0x4000, $0x38;
	[tilespmem:$0x1C100] =	vst v63  }
0x60: {  	_ =	swait.ge [sflag:s21], $0x4000  }
0x61: {  	[sflag:s21] =	ssyncset.done $0x0  }
0x62: {  	[sflag:s21] =	ssyncadd.s32 $0xFFFFC000  }
0x63: {  	[hbm4b:s13+s4] =	stream.linear.scatter [tilespmem:s20], [sflag:$0x2], $0x4000, $0x38;
	[tilespmem:$0x1C100] =	vst v63  }
0x64: {  	_ =	swait.ge [sflag:s21], $0x4000  }
0x65: {  	[sflag:s21] =	ssyncset.done $0x0  }
0x66: {  	[sflag:s21] =	ssyncadd.s32 $0xFFFFC000  }
0x67: {  	[tilespmem:s20], [sflag:$0x2] =	stream.linear.gather [spmem:s9], $0x4000, $0x38;
	[tilespmem:$0x1C100] =	vst v63  }
0x68: {  	_ =	swait.ge [sflag:s21], $0x4000  }
0x69: {  	[sflag:s21] =	ssyncset.done $0x0  }
0x6a: {  	[sflag:s21] =	ssyncadd.s32 $0xFFFFC000  }
0x6b: {  	[hbm4b:s14+s4] =	stream.linear.scatter [tilespmem:s20], [sflag:$0x2], $0x4000, $0x38;
	[tilespmem:$0x1C100] =	vst v63  }
0x6c: {  	_ =	swait.ge [sflag:s21], $0x4000  }
0x6d: {  	[sflag:s21] =	ssyncset.done $0x0  }
0x6e: {  	[sflag:s21] =	ssyncadd.s32 $0xFFFFC000  }
0x6f: {  	[tilespmem:s20], [sflag:$0x2] =	stream.linear.gather [spmem:s10], $0x4000, $0x38;
	[tilespmem:$0x1C100] =	vst v63  }
0x70: {  	_ =	swait.ge [sflag:s21], $0x4000  }
0x71: {  	[sflag:s21] =	ssyncset.done $0x0  }
0x72: {  	[sflag:s21] =	ssyncadd.s32 $0xFFFFC000  }
0x73: {  	[hbm4b:s15+s4] =	stream.linear.scatter [tilespmem:s20], [sflag:$0x2], $0x4000, $0x38;
	[tilespmem:$0x1C100] =	vst v63  }
0x74: {  	_ =	swait.ge [sflag:s21], $0x4000  }
0x75: {  	[sflag:s21] =	ssyncset.done $0x0  }
0x76: {  	[sflag:s21] =	ssyncadd.s32 $0xFFFFC000  }
0x77: {  	[tilespmem:s20], [sflag:$0x2] =	stream.linear.gather [spmem:s11], $0x4000, $0x38;
	[tilespmem:$0x1C100] =	vst v63  }
0x78: {  	s25 =	sadd.s32 $0x1, s25;
	_ =	swait.ge [sflag:s21], $0x4000  }
0x79: {  	p0 =	sne.s32 s25, s17;
	[sflag:s21] =	ssyncset.done $0x0  }
.Ltmp3:
0x7a: {  	[sflag:s21] =	ssyncadd.s32 $0xFFFFC000;
	(pc) =	sbr.rel @p0 .LBB2_1-.Ltmp3, $4  }
0x7b: {  	[hbm4b:s16+s4] =	stream.linear.scatter [tilespmem:s20], [sflag:$0x2], $0x4000, $0x38;
	[tilespmem:$0x1C100] =	vst v63  }
0x7c: {  	_ =	swait.ge [sflag:s21], $0x4000  }
0x7d: {  	[sflag:s21] =	ssyncset.done $0x0  }
0x7e: {  	[sflag:s21] =	ssyncadd.s32 $0xFFFFC000  }
0x7f: {  	_ =	sfence.sel $0x180000  }
0x80: {  	[bflag:$0x0] =	sbarrier.arrive $0xFFFF  }
0x81: {  	p0 =	sne.s32 s3, $0x0;
	_ =	strace $0x9000004A  }
0x82: {  	s0 =	sadd.s32 @!p0 $0x100000, s0;
	[bflag:$0x2] =	sbarrier.arrive $0xFFFF  }
0x83: {  	[sflag:s0] =	ssyncadd.tile.s32 @!p0 $0x1;
	_ =	shalt  }
.Lfunc_end2:
_tile_overlayer_lowered:
.L_overlay_start_2:
0x84: {  	(tag) =	ssettag $0x2  }
0x85: {  	s0 =	rddreg [dreg:$0x0];
	s2 =	stileid.u32  }
0x86: {  	s1 =	rddreg [dreg:$0x1];
	p0 =	sne.s32 s2, $0x0  }
0x87: {  	s3 =	rddreg [dreg:$0x2];
	[bflag:$0x3] =	sbarrier.arrive $0xFFFF;
	s2 =	simm.s32 @!p0 $0x1C02  }
0x88: {  	[timem:s3], [sflag:s2] =	dma.local @!p0 [hbm:s0], s1  }
0x89: {  	s0 =	simm.s32 @!p0 $0x2  }
0x8a: {  	_ =	swait.ge @!p0 [sflag:s0], s1  }
0x8b: {  	s1 =	ssub.s32 @!p0 $0x0, s1;
	[sflag:s0] =	ssyncset.done @!p0 $0x0  }
0x8c: {  	[sflag:s0] =	ssyncadd.s32 @!p0 s1  }
0x8d: {  	[bflag:$0x3] =	sbarrier.arrive $0xFFFF  }
0x8e: {  	_ =	shalt  }

// kernel: kernel.17.cloned.1.call-start
scs
__scs_entry_jumppad:
0x0: {  	(pc) =	sbr.rel $0x88, $3  }
0x1: {  	(tag) =	ssettag $0x0;
	lr =	simm.s32 $0x1  }
0x2: {  	[smem:$0x3F94] =	sst lr;
	_ =	strace $0xD0000000  }
0x3: {  	_ = 	snop  }
0x4: {  	_ = 	snop  }
0x5: {  	_ = 	snop  }
0x6: {  	_ = 	snop  }
0x7: {  	_ = 	snop  }
__scs_overlays_trampoline_lowered:
0x8: {  	[smem:$0x3FA3] =	sst s0  }
0x9: {  	[smem:$0x3FA4] =	sst s1  }
0xa: {  	[smem:$0x3FA5] =	sst s2  }
0xb: {  	[smem:$0x3FA6] =	sst s3  }
0xc: {  	[smem:$0x3FA7] =	sst s4  }
0xd: {  	[smem:$0x3FA8] =	sst s5  }
0xe: {  	[smem:$0x3FA9] =	sst s6  }
0xf: {  	[smem:$0x3FAA] =	sst s7  }
0x10: {  	[smem:$0x3FAB] =	sst s8  }
0x11: {  	[smem:$0x3FAC] =	sst s9;
	s0 =	simm.s32 @!p0 $0x0  }
0x12: {  	s1 =	sld [smem:$0x3F92];
	s0 =	simm.s32 @p0 $0x1  }
0x13: {  	[smem:$0x3FAD] =	sst s0;
	s0 =	simm.s32 @!p1 $0x0  }
0x14: {  	s2 =	sld [smem:$0x3F91];
	s0 =	simm.s32 @p1 $0x1  }
0x15: {  	[smem:$0x3FAE] =	sst s0;
	s0 =	simm.s32 @!p2 $0x0  }
0x16: {  	s3 =	sld [smem:$0x3FDB];
	s0 =	simm.s32 @p2 $0x1  }
0x17: {  	s4 =	simm.s32 $0x1BF5;
	[smem:$0x3FB0] =	sst s0  }
0x18: {  	s0 =	sld [smem:$0x3F93];
	_ =	swait.ge [sflag:s4], $0x0  }
0x19: {  	s7 =	sld [smem:$0x3F94]  }
0x1a: {  	s8 =	sadd.s32 $0xFFFFE003, lr  }
0x1b: {  	s9 =	sadd.s32 $0xFFFFFEF7, lr;
	s5 =	simm.s32 $0xFFFFFFFF;
	p2 =	slt.u32 s8, $0xFFFFF086  }
0x1c: {  	p1 =	slt.u32 s9, $0xF7A;
	s5 =	simm.s32 @!p2 $0x0  }
0x1d: {  	s5 =	simm.s32 @p1 $0x1;
	p0 =	seq.s32 s7, s2  }
0x1e: {  	s7 =	smul.u32 @!p0 $0xF7A, s2;
	p2 =	seq.s32 @!p0 s5, $0x0  }
0x1f: {  	s9 =	smul.u32 $0xF7A, s1;
	s8 =	simm.s32 @!p0 $0x1BF5;
	p2 =	por !p2, p0  }
0x20: {  	[sflag:s8] =	ssyncset.s32 @!p0 $0xFFFFF086;
	s6 =	sadd.s32 @!p0 s3, s7;
	s7 =	simm.s32 @!p0 $0x108  }
0x21: {  	s3 =	sadd.s32 s3, s9;
	s6 =	sadd.s32 @!p0 $0x88, s6;
	s7 =	simm.s32 @p2 $0x1082  }
0x22: {  	[simem:s7], [sflag:s8] =	dma.local @!p0 [hbm:s6], $0xF7A  }
0x23: {  	s9 =	sor.u32 $0xD0000000, s2;
	s6 =	simm.s32 $0x108;
	_ =	swait.ge @!p0 [sflag:s8], $0x0  }
0x24: {  	s3 =	sadd.s32 $0x88, s3;
	s6 =	simm.s32 @!p1 $0x1082;
	[sflag:s4] =	ssyncset.s32 $0xFFFFF086  }
0x25: {  	[simem:s6], [sflag:s4] =	dma.local [hbm:s3], $0xF7A  }
0x26: {  	[smem:$0x3F94] =	sst s1;
	(tag) =	ssettag s2;
	_ =	strace s9  }
0x27: {  	s1 =	sld [smem:$0x3FA4]  }
0x28: {  	s2 =	sld [smem:$0x3FA5]  }
0x29: {  	s4 =	sld [smem:$0x3FA7]  }
0x2a: {  	p0 =	seq.s32 s5, $0x0;
	s5 =	sld [smem:$0x3FA8]  }
0x2b: {  	s6 =	sld [smem:$0x3FA9]  }
0x2c: {  	s7 =	sld [smem:$0x3FAA]  }
0x2d: {  	s3 =	simm.s32 $0x108;
	s8 =	sld [smem:$0x3FAB]  }
0x2e: {  	s3 =	simm.s32 @!p0 $0x1082;
	s9 =	sld [smem:$0x3FAC]  }
0x2f: {  	lr =	sadd.s32 s0, s3;
	s0 =	sld [smem:$0x3FA3]  }
0x30: {  	s3 =	sld [smem:$0x3FA6]  }
0x31: {  	[smem:$0x3FAF] =	sst s10  }
0x32: {  	s10 =	sld [smem:$0x3FAD];
	_ =	sdelay $0x3  }
0x33: {  	p0 =	seq.s32 s10, $0x1;
	s10 =	sld [smem:$0x3FAF];
	_ =	sdelay $0x3  }
0x34: {  	[smem:$0x3FAF] =	sst s10  }
0x35: {  	s10 =	sld [smem:$0x3FAE];
	_ =	sdelay $0x3  }
0x36: {  	p1 =	seq.s32 s10, $0x1;
	s10 =	sld [smem:$0x3FAF];
	_ =	sdelay $0x3  }
0x37: {  	[smem:$0x3FAF] =	sst s10  }
0x38: {  	s10 =	sld [smem:$0x3FB0]  }
0x39: {  	_ = 	snop;
	(pc) =	sbr.ind lr, $3  }
0x3a: {  	_ = 	snop  }
0x3b: {  	_ = 	snop  }
0x3c: {  	p2 =	seq.s32 s10, $0x1;
	s10 =	sld [smem:$0x3FAF]  }
0x3d: {  	_ =	shalt  }
0x3e: {  	_ =	shalt  }
0x3f: {  	_ =	shalt  }
0x40: {  	_ =	shalt  }
0x41: {  	_ =	shalt  }
0x42: {  	_ =	shalt  }
0x43: {  	_ =	shalt  }
0x44: {  	_ =	shalt  }
0x45: {  	_ =	shalt  }
0x46: {  	_ =	shalt  }
0x47: {  	_ =	shalt  }
0x48: {  	_ =	shalt  }
0x49: {  	_ =	shalt  }
0x4a: {  	_ =	shalt  }
0x4b: {  	_ =	shalt  }
0x4c: {  	_ =	shalt  }
0x4d: {  	_ =	shalt  }
0x4e: {  	_ =	shalt  }
0x4f: {  	_ =	shalt  }
0x50: {  	_ =	shalt  }
0x51: {  	_ =	shalt  }
0x52: {  	_ =	shalt  }
0x53: {  	_ =	shalt  }
0x54: {  	_ =	shalt  }
0x55: {  	_ =	shalt  }
0x56: {  	_ =	shalt  }
0x57: {  	_ =	shalt  }
0x58: {  	_ =	shalt  }
0x59: {  	_ =	shalt  }
0x5a: {  	_ =	shalt  }
0x5b: {  	_ =	shalt  }
0x5c: {  	_ =	shalt  }
0x5d: {  	_ =	shalt  }
0x5e: {  	_ =	shalt  }
0x5f: {  	_ =	shalt  }
0x60: {  	_ =	shalt  }
0x61: {  	_ =	shalt  }
0x62: {  	_ =	shalt  }
0x63: {  	_ =	shalt  }
0x64: {  	_ =	shalt  }
0x65: {  	_ =	shalt  }
0x66: {  	_ =	shalt  }
0x67: {  	_ =	shalt  }
0x68: {  	_ =	shalt  }
0x69: {  	_ =	shalt  }
0x6a: {  	_ =	shalt  }
0x6b: {  	_ =	shalt  }
0x6c: {  	_ =	shalt  }
0x6d: {  	_ =	shalt  }
0x6e: {  	_ =	shalt  }
0x6f: {  	_ =	shalt  }
0x70: {  	_ =	shalt  }
0x71: {  	_ =	shalt  }
0x72: {  	_ =	shalt  }
0x73: {  	_ =	shalt  }
0x74: {  	_ =	shalt  }
0x75: {  	_ =	shalt  }
0x76: {  	_ =	shalt  }
0x77: {  	_ =	shalt  }
0x78: {  	_ =	shalt  }
0x79: {  	_ =	shalt  }
0x7a: {  	_ =	shalt  }
0x7b: {  	_ =	shalt  }
0x7c: {  	_ =	shalt  }
0x7d: {  	_ =	shalt  }
0x7e: {  	_ =	shalt  }
0x7f: {  	_ =	shalt  }
0x80: {  	_ =	shalt  }
0x81: {  	_ =	shalt  }
0x82: {  	_ =	shalt  }
0x83: {  	_ =	shalt  }
0x84: {  	_ =	shalt  }
0x85: {  	_ =	shalt  }
0x86: {  	_ =	shalt  }
0x87: {  	_ =	shalt  }
.Lfunc_end0:
.L_simem_size_0:
called_computation.2_lowered:
.L_overlay_start_0:
0x88: {  	s2 =	sld [smem:$0x3FD9]  }
0x89: {  	s3 =	sld [smem:$0x3FFE];
	_ =	sdelay $0x1  }
0x8a: {  	s1 =	srdreg.scid  }
0x8b: {  	s0 =	sand.u32 $0x1, s1  }
0x8c: {  	s17 =	sshll.u32 s0, $0xA;
	s2 =	sadd.s32 s3, s2  }
0x8d: {  	s2 =	sadd.s32 s2, s17  }
0x8e: {  	[smem:$0x3FBB] =	sst s2  }
0x8f: {  	_ = 	snop  }
0x90: {  	s2 =	sld [smem:$0x3FD0];
	(tm) =	ssettm $0x1  }
0x91: {  	s18 =	sld [smem:$0x3FFB];
	_ =	sdelay $0x3  }
0x92: {  	_ =	strace s18  }
0x93: {  	s3 =	sld [smem:$0x3FFC];
	_ =	sdelay $0x3  }
0x94: {  	_ =	strace s3  }
0x95: {  	s3 =	sld [smem:$0x3FFD];
	_ =	sdelay $0x3  }
0x96: {  	_ =	strace s3  }
0x97: {  	_ =	strace $0x8FFFFFFF  }
0x98: {  	s19 =	sld [smem:$0x3FDB];
	_ =	sdelay $0x1  }
0x99: {  	s4 =	simm.s32 $_scs_section_size  }
0x9a: {  	s5 =	simm.s32 $_size__tile_overlayer_lowered;
	s6 =	simm.s32 $_tile_overlayer_lowered  }
0x9b: {  	s22 =	simm.s32 $0x1BFF;
	s21 =	sshll.u32 s6, $0x1;
	s3 =	sadd.s32 s4, s19  }
0x9c: {  	s7 =	simm.s32 $0x0;
	s20 =	sshll.u32 s5, $0x1;
	s5 =	sadd.s32 s21, s3  }
0x9d: {  	[timem:s7], [sflag:s22] =	dma.local [hbm:s5], s20  }
0x9e: {  	_ =	swait.ge [sflag:s22], s20  }
0x9f: {  	s4 =	ssub.s32 $0x0, s20;
	[sflag:s22] =	ssyncset.done $0x0  }
0xa0: {  	[sflag:s22] =	ssyncadd.s32 s4;
	_ =	sdelay $0x1  }
0xa1: {  	s23 =	simm.s32 $0x1B8B  }
0xa2: {  	_ =	swait.ge [sflag:s23], $0x1  }
0xa3: {  	[sflag:s23] =	ssyncset.done $0x0  }
0xa4: {  	s25 =	simm.s32 $0x1B8E;
	s24 =	sld [smem:$0x3FFE];
	[sflag:s23] =	ssyncadd.s32 $0xFFFFFFFF  }
0xa5: {  	s26 =	simm.s32 $execute0_lowered;
	[smem:$0x3FD2] =	sst s25  }
0xa6: {  	s5 =	sshll.u32 s26, $0x1;
	_ =	strace $0x8000004C;
	[dreg:$0x1] =	wrdreg $0xFFFFFFFF  }
0xa7: {  	s28 =	simm.s32 $_size_execute0_lowered;
	s3 =	sadd.s32 s3, s5;
	[dreg:$0x0] =	wrdreg $0x0  }
0xa8: {  	s5 =	sshll.u32 s28, $0x1;
	[dreg:$0x2] =	wrdreg s3  }
0xa9: {  	[dreg:$0x3] =	wrdreg s5  }
0xaa: {  	[dreg:$0x4] =	wrdreg $0xC0  }
0xab: {  	_ =	task [dreg:s7], $0x5FFFF  }
0xac: {  	[dreg:$0x1] =	wrdreg $0xFFFFFFFF  }
0xad: {  	[dreg:$0x0] =	wrdreg $0x60  }
0xae: {  	[dreg:$0x2] =	wrdreg s2  }
0xaf: {  	[dreg:$0x3] =	wrdreg s24  }
0xb0: {  	[dreg:$0x4] =	wrdreg $0x81000  }
0xb1: {  	[dreg:$0x5] =	wrdreg $0x9  }
0xb2: {  	_ =	task.clear_ibuf [dreg:s7], $0x6FFFF;
	_ =	strace $0x9000004C  }
0xb3: {  	s29 =	simm.s32 $0x9;
	_ =	strace $0x8000004E  }
0xb4: {  	_ =	swait.ge [sflag:s29], $0x1  }
0xb5: {  	[sflag:s29] =	ssyncadd.s32 $0xFFFFFFFF  }
0xb6: {  	_ =	strace $0x9000004E  }
0xb7: {  	_ =	sfence  }
0xb8: {  	s30 =	sld [smem:$0x0];
	_ =	sdelay $0x2  }
0xb9: {  	s31 =	sshll.u32 s1, $0xD;
	s1 =	sshrl.u32 s1, $0x2  }
0xba: {  	s3 =	sand.u32 $0x4000, s31;
	s1 =	sadd.s32 s1, s30  }
0xbb: {  	s0 =	sor.u32 s3, s0;
	s1 =	sshll.u32 s1, $0x11  }
0xbc: {  	s0 =	sor.u32 s1, s0  }
0xbd: {  	s0 =	sadd.s32 $0x8F2B, s0  }
0xbe: {  	[sflag:s0] =	ssyncadd.remote.s32 $0x1  }
0xbf: {  	_ =	sfence.sel $0xFFFF  }
0xc0: {  	[dreg:$0x0] =	wrdreg $0xFFFFFFFF;
	(pc) =	sbr.abs _section_cstart, $3  }
0xc1: {  	[dreg:$0x1] =	wrdreg $0xFFFFFFFF  }
0xc2: {  	_ =	task.clear_ibuf [dreg:s7], $0x2FFFF;
	_ =	strace $0x9FFFFFFF  }
0xc3: {  	(tm) =	ssettm $0x7FFFFFFF  }
tec
execute0_lowered:
.L_overlay_start_1:
0x0: {  	(tag) =	ssettag $0x1  }
0x1: {  	s1 =	rddreg [dreg:$0x0]  }
0x2: {  	s7 =	rddreg [dreg:$0x1]  }
0x3: {  	s2 =	rddreg [dreg:$0x2]  }
0x4: {  	s0 =	rddreg [dreg:$0x3];
	s4 =	simm.s32 $0x0  }
0x5: {  	s5 =	srdreg.scid;
	s3 =	stileid.u32;
	s22 =	simm.s32 $0x80  }
0x6: {  	s23 =	simm.s32 $0x100;
	s24 =	simm.s32 $0x1;
	[smem:$0x7FF] =	sst s4  }
0x7: {  	s17 =	sand.u32 $0x1, s5;
	s8 =	smul.u32 $0x50000, s3;
	s5 =	sadd.s32 $0x4C00, s7  }
0x8: {  	s12 =	smul.u32 $0x14000, s3;
	s6 =	sadd.s32 $0x4000, s7;
	s16 =	sadd.s32 $0x18600, s7  }
0x9: {  	s15 =	sshll.u32 s3, $0x1;
	s30 =	sshll.u32 s3, $0x9;
	_ =	strace $0x8000004D  }
0xa: {  	s9 =	ssub.s32 $0x2, s17;
	s20 =	smul.u32 $0x140000, s17;
	s28 =	sor.u32 s15, s17  }
0xb: {  	s31 =	sshll.u32 s17, $0x8;
	s25 =	sshrl.u32 s9, $0x1;
	s26 =	sshrl.u32 s8, $0x2  }
0xc: {  	s13 =	sadd.s32 $0x4000, s12;
	s14 =	sadd.s32 $0x8000, s12;
	s19 =	sadd.s32 $0xC000, s12  }
0xd: {  	s21 =	sadd.s32 $0x10000, s12;
	s29 =	ssub.s32 $0x9C3, s28;
	s18 =	ssub.s32 s9, s25  }
0xe: {  	s7 =	sadd.s32 s26, s2;
	s8 =	sadd.s32 s13, s2;
	s9 =	sadd.s32 s14, s2  }
0xf: {  	s10 =	sadd.s32 s19, s2;
	s11 =	sadd.s32 s21, s2;
	s12 =	sadd.s32 s12, s20  }
0x10: {  	s13 =	sadd.s32 s20, s13;
	s14 =	sadd.s32 s20, s14;
	s19 =	sadd.s32 s20, s19  }
0x11: {  	s20 =	sadd.s32 s20, s21;
	s21 =	simm.s32 $0x2;
	s25 =	simm.s32 $0x0  }
0x12: {  	s12 =	sshrl.u32 s12, $0x3;
	s13 =	sshrl.u32 s13, $0x3;
	s14 =	sshrl.u32 s14, $0x3  }
0x13: {  	s19 =	sshrl.u32 s19, $0x3;
	s20 =	sshrl.u32 s20, $0x3;
	s17 =	smax.u32 s18, $0x1  }
0x14: {  	s12 =	sadd.s32 s16, s12;
	s13 =	sadd.s32 s16, s13;
	s14 =	sadd.s32 s16, s14  }
0x15: {  	s15 =	sadd.s32 s16, s19;
	s16 =	sadd.s32 s16, s20;
	s19 =	sshrl.u32 s29, $0x5  }
0x16: {  	s20 =	simm.s32 $0x4100;
	s18 =	sxor.u32 $0xFFFFFFFF, s19;
	s19 =	sor.u32 s31, s30  }
.LBB2_1:
0x17: {  	[tilespmem:s20], [sflag:$0x2] =	stream.linear.gather [hbm4b:s6+s4], $0x4000, $0x38;
	[tilespmem:$0x1C100] =	vst v63  }
0x18: {  	_ =	swait.ge [sflag:s21], $0x4000  }
0x19: {  	[sflag:s21] =	ssyncset.done $0x0  }
0x1a: {  	[sflag:s21] =	ssyncadd.s32 $0xFFFFC000  }
0x1b: {  	[spmem:s7] =	stream.linear.scatter [tilespmem:s20], [sflag:$0x2], $0x4000, $0x38;
	[tilespmem:$0x1C100] =	vst v63  }
0x1c: {  	_ =	swait.ge [sflag:s21], $0x4000  }
0x1d: {  	[sflag:s21] =	ssyncset.done $0x0  }
0x1e: {  	[sflag:s21] =	ssyncadd.s32 $0xFFFFC000  }
0x1f: {  	[spmem:s8] =	stream.linear.scatter [tilespmem:s20], [sflag:$0x2], $0x4000, $0x38;
	[tilespmem:$0x1C100] =	vst v63  }
0x20: {  	_ =	swait.ge [sflag:s21], $0x4000  }
0x21: {  	[sflag:s21] =	ssyncset.done $0x0  }
0x22: {  	[sflag:s21] =	ssyncadd.s32 $0xFFFFC000  }
0x23: {  	[spmem:s9] =	stream.linear.scatter [tilespmem:s20], [sflag:$0x2], $0x4000, $0x38;
	[tilespmem:$0x1C100] =	vst v63  }
0x24: {  	_ =	swait.ge [sflag:s21], $0x4000  }
0x25: {  	[sflag:s21] =	ssyncset.done $0x0  }
0x26: {  	[sflag:s21] =	ssyncadd.s32 $0xFFFFC000  }
0x27: {  	[spmem:s10] =	stream.linear.scatter [tilespmem:s20], [sflag:$0x2], $0x4000, $0x38;
	[tilespmem:$0x1C100] =	vst v63  }
0x28: {  	_ =	swait.ge [sflag:s21], $0x4000  }
0x29: {  	s26 =	sadd.s32 $0x1, s18;
	[sflag:s21] =	ssyncset.done $0x0  }
0x2a: {  	p1 =	seq.s32 s26, $0x0;
	[sflag:s21] =	ssyncadd.s32 $0xFFFFC000  }
0x2b: {  	[spmem:s11] =	stream.linear.scatter [tilespmem:s20], [sflag:$0x2], $0x4000, $0x38;
	[tilespmem:$0x1C100] =	vst v63  }
.Ltmp0:
0x2c: {  	_ =	swait.ge [sflag:s21], $0x4000;
	(pc) =	sbr.rel @p1 .LBB2_4-.Ltmp0, $4  }
0x2d: {  	[sflag:s21] =	ssyncset.done $0x0  }
0x2e: {  	[sflag:s21] =	ssyncadd.s32 $0xFFFFC000  }
0x2f: {  	[bflag:$0x0] =	sbarrier.arrive $0xFFFF  }
0x30: {  	s29 =	sshrl.u32 s19, $0x3;
	p0 =	por $0x0, $0x0  }
0x31: {  	s28 =	sadd.s32 s5, s29  }
0x32: {  	[tilespmem:s4], [sflag:$0x2] =	stream.linear.gather [hbm4b:s28+s4], $0x100, $0x38;
	[tilespmem:$0x1C100] =	vst v63  }
0x33: {  	_ =	swait.ge [sflag:s21], $0x100  }
0x34: {  	[sflag:s21] =	ssyncset.done $0x0  }
0x35: {  	s26 =	sadd.s32 $0x1, s26;
	[sflag:s21] =	ssyncadd.s32 $0xFFFFFF00  }
0x36: {  	[tilespmem:s23], [sflag:$0x1] =	stream.indirect.gather [hbm4b:s1+s22], $0x80, s4, s22, $0xb8;
	[tilespmem:$0x1C100] =	vst v63  }
0x37: {  	p1 =	seq.s32 s26, $0x0;
	_ =	swait.ge [sflag:s24], $0x4000  }
.Ltmp1:
0x38: {  	[sflag:s24] =	ssyncset.done $0x0;
	(pc) =	sbr.rel @p1 .LBB2_4-.Ltmp1, $4  }
0x39: {  	[sflag:s24] =	ssyncadd.s32 $0xFFFFC000  }
0x3a: {  	[spmem:s2] =	stream.indirect.scatter.add.f32 [tilespmem:s23], [sflag:$0x2], $0x80, s22, s22, $0xb8;
	[tilespmem:$0x1C100] =	vst v63  }
0x3b: {  	s28 =	sadd.s32 $0x2000, s19;
	_ =	swait.ge [sflag:s21], $0x4000  }
0x3c: {  	p0 =	por $0x1, $0x1;
	s29 =	sshrl.u32 s28, $0x3;
	[sflag:s21] =	ssyncset.done $0x0  }
.LBB2_3:
0x3d: {  	s26 =	sadd.s32 $0x1, s26;
	s29 =	sadd.s32 s5, s29;
	[sflag:s21] =	ssyncadd.s32 $0xFFFFC000  }
0x3e: {  	[tilespmem:s4], [sflag:$0x2] =	stream.linear.gather [hbm4b:s29+s4], $0x100, $0x38;
	[tilespmem:$0x1C100] =	vst v63  }
0x3f: {  	p1 =	seq.s32 s26, $0x0;
	_ =	swait.ge [sflag:s21], $0x100  }
0x40: {  	[sflag:s21] =	ssyncset.done $0x0  }
0x41: {  	[sflag:s21] =	ssyncadd.s32 $0xFFFFFF00  }
0x42: {  	[tilespmem:s23], [sflag:$0x1] =	stream.indirect.gather [hbm4b:s1+s22], $0x80, s4, s22, $0xb8;
	[tilespmem:$0x1C100] =	vst v63  }
0x43: {  	_ =	swait.ge [sflag:s24], $0x4000  }
.Ltmp2:
0x44: {  	[sflag:s24] =	ssyncset.done $0x0;
	(pc) =	sbr.rel @!p1 .LBB2_3-.Ltmp2, $4  }
0x45: {  	[sflag:s24] =	ssyncadd.s32 $0xFFFFC000  }
0x46: {  	[spmem:s2] =	stream.indirect.scatter.add.f32 [tilespmem:s23], [sflag:$0x2], $0x80, s22, s22, $0xb8;
	[tilespmem:$0x1C100] =	vst v63  }
0x47: {  	s28 =	sadd.s32 $0x2000, s28;
	_ =	swait.ge [sflag:s21], $0x4000  }
0x48: {  	s29 =	sshrl.u32 s28, $0x3;
	[sflag:s21] =	ssyncset.done $0x0  }
.LBB2_4:
0x49: {  	s26 =	sadd.s32 s5, s29;
	[sflag:s21] =	ssyncadd.s32 @p0 $0xFFFFC000  }
0x4a: {  	[tilespmem:s4], [sflag:$0x2] =	stream.linear.gather [hbm4b:s26+s4], $0x100, $0x38;
	[tilespmem:$0x1C100] =	vst v63  }
0x4b: {  	_ =	swait.ge [sflag:s21], $0x100  }
0x4c: {  	[sflag:s21] =	ssyncset.done $0x0  }
0x4d: {  	[sflag:s21] =	ssyncadd.s32 $0xFFFFFF00  }
0x4e: {  	[tilespmem:s23], [sflag:$0x1] =	stream.indirect.gather [hbm4b:s1+s22], $0x80, s4, s22, $0xb8;
	[tilespmem:$0x1C100] =	vst v63  }
0x4f: {  	_ =	swait.ge [sflag:s24], $0x4000  }
0x50: {  	[sflag:s24] =	ssyncset.done $0x0  }
0x51: {  	[sflag:s24] =	ssyncadd.s32 $0xFFFFC000  }
0x52: {  	[spmem:s2] =	stream.indirect.scatter.add.f32 [tilespmem:s23], [sflag:$0x2], $0x80, s22, s22, $0xb8;
	[tilespmem:$0x1C100] =	vst v63  }
0x53: {  	_ =	swait.ge [sflag:s21], $0x4000  }
0x54: {  	[sflag:s21] =	ssyncset.done $0x0  }
0x55: {  	[sflag:s21] =	ssyncadd.s32 $0xFFFFC000  }
0x56: {  	[bflag:$0x0] =	sbarrier.arrive $0xFFFF  }
0x57: {  	[tilespmem:s20], [sflag:$0x2] =	stream.linear.gather [spmem:s7], $0x4000, $0x38;
	[tilespmem:$0x1C100] =	vst v63  }
0x58: {  	_ =	swait.ge [sflag:s21], $0x4000  }
0x59: {  	[sflag:s21] =	ssyncset.done $0x0  }
0x5a: {  	[sflag:s21] =	ssyncadd.s32 $0xFFFFC000  }
0x5b: {  	[hbm4b:s12+s4] =	stream.linear.scatter [tilespmem:s20], [sflag:$0x2], $0x4000, $0x38;
	[tilespmem:$0x1C100] =	vst v63  }
0x5c: {  	_ =	swait.ge [sflag:s21], $0x4000  }
0x5d: {  	[sflag:s21] =	ssyncset.done $0x0  }
0x5e: {  	[sflag:s21] =	ssyncadd.s32 $0xFFFFC000  }
0x5f: {  	[tilespmem:s20], [sflag:$0x2] =	stream.linear.gather [spmem:s8], $0x4000, $0x38;
	[tilespmem:$0x1C100] =	vst v63  }
0x60: {  	_ =	swait.ge [sflag:s21], $0x4000  }
0x61: {  	[sflag:s21] =	ssyncset.done $0x0  }
0x62: {  	[sflag:s21] =	ssyncadd.s32 $0xFFFFC000  }
0x63: {  	[hbm4b:s13+s4] =	stream.linear.scatter [tilespmem:s20], [sflag:$0x2], $0x4000, $0x38;
	[tilespmem:$0x1C100] =	vst v63  }
0x64: {  	_ =	swait.ge [sflag:s21], $0x4000  }
0x65: {  	[sflag:s21] =	ssyncset.done $0x0  }
0x66: {  	[sflag:s21] =	ssyncadd.s32 $0xFFFFC000  }
0x67: {  	[tilespmem:s20], [sflag:$0x2] =	stream.linear.gather [spmem:s9], $0x4000, $0x38;
	[tilespmem:$0x1C100] =	vst v63  }
0x68: {  	_ =	swait.ge [sflag:s21], $0x4000  }
0x69: {  	[sflag:s21] =	ssyncset.done $0x0  }
0x6a: {  	[sflag:s21] =	ssyncadd.s32 $0xFFFFC000  }
0x6b: {  	[hbm4b:s14+s4] =	stream.linear.scatter [tilespmem:s20], [sflag:$0x2], $0x4000, $0x38;
	[tilespmem:$0x1C100] =	vst v63  }
0x6c: {  	_ =	swait.ge [sflag:s21], $0x4000  }
0x6d: {  	[sflag:s21] =	ssyncset.done $0x0  }
0x6e: {  	[sflag:s21] =	ssyncadd.s32 $0xFFFFC000  }
0x6f: {  	[tilespmem:s20], [sflag:$0x2] =	stream.linear.gather [spmem:s10], $0x4000, $0x38;
	[tilespmem:$0x1C100] =	vst v63  }
0x70: {  	_ =	swait.ge [sflag:s21], $0x4000  }
0x71: {  	[sflag:s21] =	ssyncset.done $0x0  }
0x72: {  	[sflag:s21] =	ssyncadd.s32 $0xFFFFC000  }
0x73: {  	[hbm4b:s15+s4] =	stream.linear.scatter [tilespmem:s20], [sflag:$0x2], $0x4000, $0x38;
	[tilespmem:$0x1C100] =	vst v63  }
0x74: {  	_ =	swait.ge [sflag:s21], $0x4000  }
0x75: {  	[sflag:s21] =	ssyncset.done $0x0  }
0x76: {  	[sflag:s21] =	ssyncadd.s32 $0xFFFFC000  }
0x77: {  	[tilespmem:s20], [sflag:$0x2] =	stream.linear.gather [spmem:s11], $0x4000, $0x38;
	[tilespmem:$0x1C100] =	vst v63  }
0x78: {  	s25 =	sadd.s32 $0x1, s25;
	_ =	swait.ge [sflag:s21], $0x4000  }
0x79: {  	p0 =	sne.s32 s25, s17;
	[sflag:s21] =	ssyncset.done $0x0  }
.Ltmp3:
0x7a: {  	[sflag:s21] =	ssyncadd.s32 $0xFFFFC000;
	(pc) =	sbr.rel @p0 .LBB2_1-.Ltmp3, $4  }
0x7b: {  	[hbm4b:s16+s4] =	stream.linear.scatter [tilespmem:s20], [sflag:$0x2], $0x4000, $0x38;
	[tilespmem:$0x1C100] =	vst v63  }
0x7c: {  	_ =	swait.ge [sflag:s21], $0x4000  }
0x7d: {  	[sflag:s21] =	ssyncset.done $0x0  }
0x7e: {  	[sflag:s21] =	ssyncadd.s32 $0xFFFFC000  }
0x7f: {  	_ =	sfence.sel $0x180000  }
0x80: {  	[bflag:$0x0] =	sbarrier.arrive $0xFFFF  }
0x81: {  	p0 =	sne.s32 s3, $0x0;
	_ =	strace $0x9000004D  }
0x82: {  	s0 =	sadd.s32 @!p0 $0x100000, s0;
	[bflag:$0x2] =	sbarrier.arrive $0xFFFF  }
0x83: {  	[sflag:s0] =	ssyncadd.tile.s32 @!p0 $0x1;
	_ =	shalt  }
.Lfunc_end2:
_tile_overlayer_lowered:
.L_overlay_start_2:
0x84: {  	(tag) =	ssettag $0x2  }
0x85: {  	s0 =	rddreg [dreg:$0x0];
	s2 =	stileid.u32  }
0x86: {  	s1 =	rddreg [dreg:$0x1];
	p0 =	sne.s32 s2, $0x0  }
0x87: {  	s3 =	rddreg [dreg:$0x2];
	[bflag:$0x3] =	sbarrier.arrive $0xFFFF;
	s2 =	simm.s32 @!p0 $0x1C02  }
0x88: {  	[timem:s3], [sflag:s2] =	dma.local @!p0 [hbm:s0], s1  }
0x89: {  	s0 =	simm.s32 @!p0 $0x2  }
0x8a: {  	_ =	swait.ge @!p0 [sflag:s0], s1  }
0x8b: {  	s1 =	ssub.s32 @!p0 $0x0, s1;
	[sflag:s0] =	ssyncset.done @!p0 $0x0  }
0x8c: {  	[sflag:s0] =	ssyncadd.s32 @!p0 s1  }
0x8d: {  	[bflag:$0x3] =	sbarrier.arrive $0xFFFF  }
0x8e: {  	_ =	shalt  }

// kernel: kernel.20.cloned.1.call-start
scs
__scs_entry_jumppad:
0x0: {  	(pc) =	sbr.rel $0x88, $3  }
0x1: {  	(tag) =	ssettag $0x0;
	lr =	simm.s32 $0x1  }
0x2: {  	[smem:$0x3F94] =	sst lr;
	_ =	strace $0xD0000000  }
0x3: {  	_ = 	snop  }
0x4: {  	_ = 	snop  }
0x5: {  	_ = 	snop  }
0x6: {  	_ = 	snop  }
0x7: {  	_ = 	snop  }
__scs_overlays_trampoline_lowered:
0x8: {  	[smem:$0x3FA3] =	sst s0  }
0x9: {  	[smem:$0x3FA4] =	sst s1  }
0xa: {  	[smem:$0x3FA5] =	sst s2  }
0xb: {  	[smem:$0x3FA6] =	sst s3  }
0xc: {  	[smem:$0x3FA7] =	sst s4  }
0xd: {  	[smem:$0x3FA8] =	sst s5  }
0xe: {  	[smem:$0x3FA9] =	sst s6  }
0xf: {  	[smem:$0x3FAA] =	sst s7  }
0x10: {  	[smem:$0x3FAB] =	sst s8  }
0x11: {  	[smem:$0x3FAC] =	sst s9;
	s0 =	simm.s32 @!p0 $0x0  }
0x12: {  	s1 =	sld [smem:$0x3F92];
	s0 =	simm.s32 @p0 $0x1  }
0x13: {  	[smem:$0x3FAD] =	sst s0;
	s0 =	simm.s32 @!p1 $0x0  }
0x14: {  	s2 =	sld [smem:$0x3F91];
	s0 =	simm.s32 @p1 $0x1  }
0x15: {  	[smem:$0x3FAE] =	sst s0;
	s0 =	simm.s32 @!p2 $0x0  }
0x16: {  	s3 =	sld [smem:$0x3FDB];
	s0 =	simm.s32 @p2 $0x1  }
0x17: {  	s4 =	simm.s32 $0x1BF5;
	[smem:$0x3FB0] =	sst s0  }
0x18: {  	s0 =	sld [smem:$0x3F93];
	_ =	swait.ge [sflag:s4], $0x0  }
0x19: {  	s7 =	sld [smem:$0x3F94]  }
0x1a: {  	s8 =	sadd.s32 $0xFFFFE003, lr  }
0x1b: {  	s9 =	sadd.s32 $0xFFFFFEF7, lr;
	s5 =	simm.s32 $0xFFFFFFFF;
	p2 =	slt.u32 s8, $0xFFFFF086  }
0x1c: {  	p1 =	slt.u32 s9, $0xF7A;
	s5 =	simm.s32 @!p2 $0x0  }
0x1d: {  	s5 =	simm.s32 @p1 $0x1;
	p0 =	seq.s32 s7, s2  }
0x1e: {  	s7 =	smul.u32 @!p0 $0xF7A, s2;
	p2 =	seq.s32 @!p0 s5, $0x0  }
0x1f: {  	s9 =	smul.u32 $0xF7A, s1;
	s8 =	simm.s32 @!p0 $0x1BF5;
	p2 =	por !p2, p0  }
0x20: {  	[sflag:s8] =	ssyncset.s32 @!p0 $0xFFFFF086;
	s6 =	sadd.s32 @!p0 s3, s7;
	s7 =	simm.s32 @!p0 $0x108  }
0x21: {  	s3 =	sadd.s32 s3, s9;
	s6 =	sadd.s32 @!p0 $0x88, s6;
	s7 =	simm.s32 @p2 $0x1082  }
0x22: {  	[simem:s7], [sflag:s8] =	dma.local @!p0 [hbm:s6], $0xF7A  }
0x23: {  	s9 =	sor.u32 $0xD0000000, s2;
	s6 =	simm.s32 $0x108;
	_ =	swait.ge @!p0 [sflag:s8], $0x0  }
0x24: {  	s3 =	sadd.s32 $0x88, s3;
	s6 =	simm.s32 @!p1 $0x1082;
	[sflag:s4] =	ssyncset.s32 $0xFFFFF086  }
0x25: {  	[simem:s6], [sflag:s4] =	dma.local [hbm:s3], $0xF7A  }
0x26: {  	[smem:$0x3F94] =	sst s1;
	(tag) =	ssettag s2;
	_ =	strace s9  }
0x27: {  	s1 =	sld [smem:$0x3FA4]  }
0x28: {  	s2 =	sld [smem:$0x3FA5]  }
0x29: {  	s4 =	sld [smem:$0x3FA7]  }
0x2a: {  	p0 =	seq.s32 s5, $0x0;
	s5 =	sld [smem:$0x3FA8]  }
0x2b: {  	s6 =	sld [smem:$0x3FA9]  }
0x2c: {  	s7 =	sld [smem:$0x3FAA]  }
0x2d: {  	s3 =	simm.s32 $0x108;
	s8 =	sld [smem:$0x3FAB]  }
0x2e: {  	s3 =	simm.s32 @!p0 $0x1082;
	s9 =	sld [smem:$0x3FAC]  }
0x2f: {  	lr =	sadd.s32 s0, s3;
	s0 =	sld [smem:$0x3FA3]  }
0x30: {  	s3 =	sld [smem:$0x3FA6]  }
0x31: {  	[smem:$0x3FAF] =	sst s10  }
0x32: {  	s10 =	sld [smem:$0x3FAD];
	_ =	sdelay $0x3  }
0x33: {  	p0 =	seq.s32 s10, $0x1;
	s10 =	sld [smem:$0x3FAF];
	_ =	sdelay $0x3  }
0x34: {  	[smem:$0x3FAF] =	sst s10  }
0x35: {  	s10 =	sld [smem:$0x3FAE];
	_ =	sdelay $0x3  }
0x36: {  	p1 =	seq.s32 s10, $0x1;
	s10 =	sld [smem:$0x3FAF];
	_ =	sdelay $0x3  }
0x37: {  	[smem:$0x3FAF] =	sst s10  }
0x38: {  	s10 =	sld [smem:$0x3FB0]  }
0x39: {  	_ = 	snop;
	(pc) =	sbr.ind lr, $3  }
0x3a: {  	_ = 	snop  }
0x3b: {  	_ = 	snop  }
0x3c: {  	p2 =	seq.s32 s10, $0x1;
	s10 =	sld [smem:$0x3FAF]  }
0x3d: {  	_ =	shalt  }
0x3e: {  	_ =	shalt  }
0x3f: {  	_ =	shalt  }
0x40: {  	_ =	shalt  }
0x41: {  	_ =	shalt  }
0x42: {  	_ =	shalt  }
0x43: {  	_ =	shalt  }
0x44: {  	_ =	shalt  }
0x45: {  	_ =	shalt  }
0x46: {  	_ =	shalt  }
0x47: {  	_ =	shalt  }
0x48: {  	_ =	shalt  }
0x49: {  	_ =	shalt  }
0x4a: {  	_ =	shalt  }
0x4b: {  	_ =	shalt  }
0x4c: {  	_ =	shalt  }
0x4d: {  	_ =	shalt  }
0x4e: {  	_ =	shalt  }
0x4f: {  	_ =	shalt  }
0x50: {  	_ =	shalt  }
0x51: {  	_ =	shalt  }
0x52: {  	_ =	shalt  }
0x53: {  	_ =	shalt  }
0x54: {  	_ =	shalt  }
0x55: {  	_ =	shalt  }
0x56: {  	_ =	shalt  }
0x57: {  	_ =	shalt  }
0x58: {  	_ =	shalt  }
0x59: {  	_ =	shalt  }
0x5a: {  	_ =	shalt  }
0x5b: {  	_ =	shalt  }
0x5c: {  	_ =	shalt  }
0x5d: {  	_ =	shalt  }
0x5e: {  	_ =	shalt  }
0x5f: {  	_ =	shalt  }
0x60: {  	_ =	shalt  }
0x61: {  	_ =	shalt  }
0x62: {  	_ =	shalt  }
0x63: {  	_ =	shalt  }
0x64: {  	_ =	shalt  }
0x65: {  	_ =	shalt  }
0x66: {  	_ =	shalt  }
0x67: {  	_ =	shalt  }
0x68: {  	_ =	shalt  }
0x69: {  	_ =	shalt  }
0x6a: {  	_ =	shalt  }
0x6b: {  	_ =	shalt  }
0x6c: {  	_ =	shalt  }
0x6d: {  	_ =	shalt  }
0x6e: {  	_ =	shalt  }
0x6f: {  	_ =	shalt  }
0x70: {  	_ =	shalt  }
0x71: {  	_ =	shalt  }
0x72: {  	_ =	shalt  }
0x73: {  	_ =	shalt  }
0x74: {  	_ =	shalt  }
0x75: {  	_ =	shalt  }
0x76: {  	_ =	shalt  }
0x77: {  	_ =	shalt  }
0x78: {  	_ =	shalt  }
0x79: {  	_ =	shalt  }
0x7a: {  	_ =	shalt  }
0x7b: {  	_ =	shalt  }
0x7c: {  	_ =	shalt  }
0x7d: {  	_ =	shalt  }
0x7e: {  	_ =	shalt  }
0x7f: {  	_ =	shalt  }
0x80: {  	_ =	shalt  }
0x81: {  	_ =	shalt  }
0x82: {  	_ =	shalt  }
0x83: {  	_ =	shalt  }
0x84: {  	_ =	shalt  }
0x85: {  	_ =	shalt  }
0x86: {  	_ =	shalt  }
0x87: {  	_ =	shalt  }
.Lfunc_end0:
.L_simem_size_0:
called_computation.3_lowered:
.L_overlay_start_0:
0x88: {  	s2 =	sld [smem:$0x3FD9]  }
0x89: {  	s3 =	sld [smem:$0x3FFE];
	_ =	sdelay $0x1  }
0x8a: {  	s1 =	srdreg.scid  }
0x8b: {  	s0 =	sand.u32 $0x1, s1  }
0x8c: {  	s17 =	sshll.u32 s0, $0xA;
	s2 =	sadd.s32 s3, s2  }
0x8d: {  	s2 =	sadd.s32 s2, s17  }
0x8e: {  	[smem:$0x3FBB] =	sst s2  }
0x8f: {  	_ = 	snop  }
0x90: {  	s2 =	sld [smem:$0x3FD0];
	(tm) =	ssettm $0x1  }
0x91: {  	s18 =	sld [smem:$0x3FFB];
	_ =	sdelay $0x3  }
0x92: {  	_ =	strace s18  }
0x93: {  	s3 =	sld [smem:$0x3FFC];
	_ =	sdelay $0x3  }
0x94: {  	_ =	strace s3  }
0x95: {  	s3 =	sld [smem:$0x3FFD];
	_ =	sdelay $0x3  }
0x96: {  	_ =	strace s3  }
0x97: {  	_ =	strace $0x8FFFFFFF  }
0x98: {  	s19 =	sld [smem:$0x3FDB];
	_ =	sdelay $0x1  }
0x99: {  	s4 =	simm.s32 $_scs_section_size  }
0x9a: {  	s5 =	simm.s32 $_size__tile_overlayer_lowered;
	s6 =	simm.s32 $_tile_overlayer_lowered  }
0x9b: {  	s22 =	simm.s32 $0x1BFF;
	s21 =	sshll.u32 s6, $0x1;
	s3 =	sadd.s32 s4, s19  }
0x9c: {  	s7 =	simm.s32 $0x0;
	s20 =	sshll.u32 s5, $0x1;
	s5 =	sadd.s32 s21, s3  }
0x9d: {  	[timem:s7], [sflag:s22] =	dma.local [hbm:s5], s20  }
0x9e: {  	_ =	swait.ge [sflag:s22], s20  }
0x9f: {  	s4 =	ssub.s32 $0x0, s20;
	[sflag:s22] =	ssyncset.done $0x0  }
0xa0: {  	[sflag:s22] =	ssyncadd.s32 s4;
	_ =	sdelay $0x1  }
0xa1: {  	s23 =	simm.s32 $0x1B8B  }
0xa2: {  	_ =	swait.ge [sflag:s23], $0x1  }
0xa3: {  	[sflag:s23] =	ssyncset.done $0x0  }
0xa4: {  	s25 =	simm.s32 $0x1B8E;
	s24 =	sld [smem:$0x3FFE];
	[sflag:s23] =	ssyncadd.s32 $0xFFFFFFFF  }
0xa5: {  	s26 =	simm.s32 $execute0_lowered;
	[smem:$0x3FD2] =	sst s25  }
0xa6: {  	s5 =	sshll.u32 s26, $0x1;
	_ =	strace $0x8000004F;
	[dreg:$0x1] =	wrdreg $0xFFFFFFFF  }
0xa7: {  	s28 =	simm.s32 $_size_execute0_lowered;
	s3 =	sadd.s32 s3, s5;
	[dreg:$0x0] =	wrdreg $0x0  }
0xa8: {  	s5 =	sshll.u32 s28, $0x1;
	[dreg:$0x2] =	wrdreg s3  }
0xa9: {  	[dreg:$0x3] =	wrdreg s5  }
0xaa: {  	[dreg:$0x4] =	wrdreg $0xC0  }
0xab: {  	_ =	task [dreg:s7], $0x5FFFF  }
0xac: {  	[dreg:$0x1] =	wrdreg $0xFFFFFFFF  }
0xad: {  	[dreg:$0x0] =	wrdreg $0x60  }
0xae: {  	[dreg:$0x2] =	wrdreg s2  }
0xaf: {  	[dreg:$0x3] =	wrdreg s24  }
0xb0: {  	[dreg:$0x4] =	wrdreg $0x81000  }
0xb1: {  	[dreg:$0x5] =	wrdreg $0x9  }
0xb2: {  	_ =	task.clear_ibuf [dreg:s7], $0x6FFFF;
	_ =	strace $0x9000004F  }
0xb3: {  	s29 =	simm.s32 $0x9;
	_ =	strace $0x80000051  }
0xb4: {  	_ =	swait.ge [sflag:s29], $0x1  }
0xb5: {  	[sflag:s29] =	ssyncadd.s32 $0xFFFFFFFF  }
0xb6: {  	_ =	strace $0x90000051  }
0xb7: {  	_ =	sfence  }
0xb8: {  	s30 =	sld [smem:$0x0];
	_ =	sdelay $0x2  }
0xb9: {  	s31 =	sshll.u32 s1, $0xD;
	s1 =	sshrl.u32 s1, $0x2  }
0xba: {  	s3 =	sand.u32 $0x4000, s31;
	s1 =	sadd.s32 s1, s30  }
0xbb: {  	s0 =	sor.u32 s3, s0;
	s1 =	sshll.u32 s1, $0x11  }
0xbc: {  	s0 =	sor.u32 s1, s0  }
0xbd: {  	s0 =	sadd.s32 $0x8F2B, s0  }
0xbe: {  	[sflag:s0] =	ssyncadd.remote.s32 $0x1  }
0xbf: {  	_ =	sfence.sel $0xFFFF  }
0xc0: {  	[dreg:$0x0] =	wrdreg $0xFFFFFFFF;
	(pc) =	sbr.abs _section_cstart, $3  }
0xc1: {  	[dreg:$0x1] =	wrdreg $0xFFFFFFFF  }
0xc2: {  	_ =	task.clear_ibuf [dreg:s7], $0x2FFFF;
	_ =	strace $0x9FFFFFFF  }
0xc3: {  	(tm) =	ssettm $0x7FFFFFFF  }
tec
execute0_lowered:
.L_overlay_start_1:
0x0: {  	(tag) =	ssettag $0x1  }
0x1: {  	s1 =	rddreg [dreg:$0x0]  }
0x2: {  	s7 =	rddreg [dreg:$0x1]  }
0x3: {  	s2 =	rddreg [dreg:$0x2]  }
0x4: {  	s0 =	rddreg [dreg:$0x3];
	s4 =	simm.s32 $0x0  }
0x5: {  	s5 =	srdreg.scid;
	s3 =	stileid.u32;
	s22 =	simm.s32 $0x80  }
0x6: {  	s23 =	simm.s32 $0x100;
	s24 =	simm.s32 $0x1;
	[smem:$0x7FF] =	sst s4  }
0x7: {  	s17 =	sand.u32 $0x1, s5;
	s8 =	smul.u32 $0x50000, s3;
	s5 =	sadd.s32 $0x4C00, s7  }
0x8: {  	s12 =	smul.u32 $0x14000, s3;
	s6 =	sadd.s32 $0x4000, s7;
	s16 =	sadd.s32 $0x18600, s7  }
0x9: {  	s15 =	sshll.u32 s3, $0x1;
	s30 =	sshll.u32 s3, $0x9;
	_ =	strace $0x80000050  }
0xa: {  	s9 =	ssub.s32 $0x2, s17;
	s20 =	smul.u32 $0x140000, s17;
	s28 =	sor.u32 s15, s17  }
0xb: {  	s31 =	sshll.u32 s17, $0x8;
	s25 =	sshrl.u32 s9, $0x1;
	s26 =	sshrl.u32 s8, $0x2  }
0xc: {  	s13 =	sadd.s32 $0x4000, s12;
	s14 =	sadd.s32 $0x8000, s12;
	s19 =	sadd.s32 $0xC000, s12  }
0xd: {  	s21 =	sadd.s32 $0x10000, s12;
	s29 =	ssub.s32 $0x9C3, s28;
	s18 =	ssub.s32 s9, s25  }
0xe: {  	s7 =	sadd.s32 s26, s2;
	s8 =	sadd.s32 s13, s2;
	s9 =	sadd.s32 s14, s2  }
0xf: {  	s10 =	sadd.s32 s19, s2;
	s11 =	sadd.s32 s21, s2;
	s12 =	sadd.s32 s12, s20  }
0x10: {  	s13 =	sadd.s32 s20, s13;
	s14 =	sadd.s32 s20, s14;
	s19 =	sadd.s32 s20, s19  }
0x11: {  	s20 =	sadd.s32 s20, s21;
	s21 =	simm.s32 $0x2;
	s25 =	simm.s32 $0x0  }
0x12: {  	s12 =	sshrl.u32 s12, $0x3;
	s13 =	sshrl.u32 s13, $0x3;
	s14 =	sshrl.u32 s14, $0x3  }
0x13: {  	s19 =	sshrl.u32 s19, $0x3;
	s20 =	sshrl.u32 s20, $0x3;
	s17 =	smax.u32 s18, $0x1  }
0x14: {  	s12 =	sadd.s32 s16, s12;
	s13 =	sadd.s32 s16, s13;
	s14 =	sadd.s32 s16, s14  }
0x15: {  	s15 =	sadd.s32 s16, s19;
	s16 =	sadd.s32 s16, s20;
	s19 =	sshrl.u32 s29, $0x5  }
0x16: {  	s20 =	simm.s32 $0x4100;
	s18 =	sxor.u32 $0xFFFFFFFF, s19;
	s19 =	sor.u32 s31, s30  }
.LBB2_1:
0x17: {  	[tilespmem:s20], [sflag:$0x2] =	stream.linear.gather [hbm4b:s6+s4], $0x4000, $0x38;
	[tilespmem:$0x1C100] =	vst v63  }
0x18: {  	_ =	swait.ge [sflag:s21], $0x4000  }
0x19: {  	[sflag:s21] =	ssyncset.done $0x0  }
0x1a: {  	[sflag:s21] =	ssyncadd.s32 $0xFFFFC000  }
0x1b: {  	[spmem:s7] =	stream.linear.scatter [tilespmem:s20], [sflag:$0x2], $0x4000, $0x38;
	[tilespmem:$0x1C100] =	vst v63  }
0x1c: {  	_ =	swait.ge [sflag:s21], $0x4000  }
0x1d: {  	[sflag:s21] =	ssyncset.done $0x0  }
0x1e: {  	[sflag:s21] =	ssyncadd.s32 $0xFFFFC000  }
0x1f: {  	[spmem:s8] =	stream.linear.scatter [tilespmem:s20], [sflag:$0x2], $0x4000, $0x38;
	[tilespmem:$0x1C100] =	vst v63  }
0x20: {  	_ =	swait.ge [sflag:s21], $0x4000  }
0x21: {  	[sflag:s21] =	ssyncset.done $0x0  }
0x22: {  	[sflag:s21] =	ssyncadd.s32 $0xFFFFC000  }
0x23: {  	[spmem:s9] =	stream.linear.scatter [tilespmem:s20], [sflag:$0x2], $0x4000, $0x38;
	[tilespmem:$0x1C100] =	vst v63  }
0x24: {  	_ =	swait.ge [sflag:s21], $0x4000  }
0x25: {  	[sflag:s21] =	ssyncset.done $0x0  }
0x26: {  	[sflag:s21] =	ssyncadd.s32 $0xFFFFC000  }
0x27: {  	[spmem:s10] =	stream.linear.scatter [tilespmem:s20], [sflag:$0x2], $0x4000, $0x38;
	[tilespmem:$0x1C100] =	vst v63  }
0x28: {  	_ =	swait.ge [sflag:s21], $0x4000  }
0x29: {  	s26 =	sadd.s32 $0x1, s18;
	[sflag:s21] =	ssyncset.done $0x0  }
0x2a: {  	p1 =	seq.s32 s26, $0x0;
	[sflag:s21] =	ssyncadd.s32 $0xFFFFC000  }
0x2b: {  	[spmem:s11] =	stream.linear.scatter [tilespmem:s20], [sflag:$0x2], $0x4000, $0x38;
	[tilespmem:$0x1C100] =	vst v63  }
.Ltmp0:
0x2c: {  	_ =	swait.ge [sflag:s21], $0x4000;
	(pc) =	sbr.rel @p1 .LBB2_4-.Ltmp0, $4  }
0x2d: {  	[sflag:s21] =	ssyncset.done $0x0  }
0x2e: {  	[sflag:s21] =	ssyncadd.s32 $0xFFFFC000  }
0x2f: {  	[bflag:$0x0] =	sbarrier.arrive $0xFFFF  }
0x30: {  	s29 =	sshrl.u32 s19, $0x3;
	p0 =	por $0x0, $0x0  }
0x31: {  	s28 =	sadd.s32 s5, s29  }
0x32: {  	[tilespmem:s4], [sflag:$0x2] =	stream.linear.gather [hbm4b:s28+s4], $0x100, $0x38;
	[tilespmem:$0x1C100] =	vst v63  }
0x33: {  	_ =	swait.ge [sflag:s21], $0x100  }
0x34: {  	[sflag:s21] =	ssyncset.done $0x0  }
0x35: {  	s26 =	sadd.s32 $0x1, s26;
	[sflag:s21] =	ssyncadd.s32 $0xFFFFFF00  }
0x36: {  	[tilespmem:s23], [sflag:$0x1] =	stream.indirect.gather [hbm4b:s1+s22], $0x80, s4, s22, $0xb8;
	[tilespmem:$0x1C100] =	vst v63  }
0x37: {  	p1 =	seq.s32 s26, $0x0;
	_ =	swait.ge [sflag:s24], $0x4000  }
.Ltmp1:
0x38: {  	[sflag:s24] =	ssyncset.done $0x0;
	(pc) =	sbr.rel @p1 .LBB2_4-.Ltmp1, $4  }
0x39: {  	[sflag:s24] =	ssyncadd.s32 $0xFFFFC000  }
0x3a: {  	[spmem:s2] =	stream.indirect.scatter.add.f32 [tilespmem:s23], [sflag:$0x2], $0x80, s22, s22, $0xb8;
	[tilespmem:$0x1C100] =	vst v63  }
0x3b: {  	s28 =	sadd.s32 $0x2000, s19;
	_ =	swait.ge [sflag:s21], $0x4000  }
0x3c: {  	p0 =	por $0x1, $0x1;
	s29 =	sshrl.u32 s28, $0x3;
	[sflag:s21] =	ssyncset.done $0x0  }
.LBB2_3:
0x3d: {  	s26 =	sadd.s32 $0x1, s26;
	s29 =	sadd.s32 s5, s29;
	[sflag:s21] =	ssyncadd.s32 $0xFFFFC000  }
0x3e: {  	[tilespmem:s4], [sflag:$0x2] =	stream.linear.gather [hbm4b:s29+s4], $0x100, $0x38;
	[tilespmem:$0x1C100] =	vst v63  }
0x3f: {  	p1 =	seq.s32 s26, $0x0;
	_ =	swait.ge [sflag:s21], $0x100  }
0x40: {  	[sflag:s21] =	ssyncset.done $0x0  }
0x41: {  	[sflag:s21] =	ssyncadd.s32 $0xFFFFFF00  }
0x42: {  	[tilespmem:s23], [sflag:$0x1] =	stream.indirect.gather [hbm4b:s1+s22], $0x80, s4, s22, $0xb8;
	[tilespmem:$0x1C100] =	vst v63  }
0x43: {  	_ =	swait.ge [sflag:s24], $0x4000  }
.Ltmp2:
0x44: {  	[sflag:s24] =	ssyncset.done $0x0;
	(pc) =	sbr.rel @!p1 .LBB2_3-.Ltmp2, $4  }
0x45: {  	[sflag:s24] =	ssyncadd.s32 $0xFFFFC000  }
0x46: {  	[spmem:s2] =	stream.indirect.scatter.add.f32 [tilespmem:s23], [sflag:$0x2], $0x80, s22, s22, $0xb8;
	[tilespmem:$0x1C100] =	vst v63  }
0x47: {  	s28 =	sadd.s32 $0x2000, s28;
	_ =	swait.ge [sflag:s21], $0x4000  }
0x48: {  	s29 =	sshrl.u32 s28, $0x3;
	[sflag:s21] =	ssyncset.done $0x0  }
.LBB2_4:
0x49: {  	s26 =	sadd.s32 s5, s29;
	[sflag:s21] =	ssyncadd.s32 @p0 $0xFFFFC000  }
0x4a: {  	[tilespmem:s4], [sflag:$0x2] =	stream.linear.gather [hbm4b:s26+s4], $0x100, $0x38;
	[tilespmem:$0x1C100] =	vst v63  }
0x4b: {  	_ =	swait.ge [sflag:s21], $0x100  }
0x4c: {  	[sflag:s21] =	ssyncset.done $0x0  }
0x4d: {  	[sflag:s21] =	ssyncadd.s32 $0xFFFFFF00  }
0x4e: {  	[tilespmem:s23], [sflag:$0x1] =	stream.indirect.gather [hbm4b:s1+s22], $0x80, s4, s22, $0xb8;
	[tilespmem:$0x1C100] =	vst v63  }
0x4f: {  	_ =	swait.ge [sflag:s24], $0x4000  }
0x50: {  	[sflag:s24] =	ssyncset.done $0x0  }
0x51: {  	[sflag:s24] =	ssyncadd.s32 $0xFFFFC000  }
0x52: {  	[spmem:s2] =	stream.indirect.scatter.add.f32 [tilespmem:s23], [sflag:$0x2], $0x80, s22, s22, $0xb8;
	[tilespmem:$0x1C100] =	vst v63  }
0x53: {  	_ =	swait.ge [sflag:s21], $0x4000  }
0x54: {  	[sflag:s21] =	ssyncset.done $0x0  }
0x55: {  	[sflag:s21] =	ssyncadd.s32 $0xFFFFC000  }
0x56: {  	[bflag:$0x0] =	sbarrier.arrive $0xFFFF  }
0x57: {  	[tilespmem:s20], [sflag:$0x2] =	stream.linear.gather [spmem:s7], $0x4000, $0x38;
	[tilespmem:$0x1C100] =	vst v63  }
0x58: {  	_ =	swait.ge [sflag:s21], $0x4000  }
0x59: {  	[sflag:s21] =	ssyncset.done $0x0  }
0x5a: {  	[sflag:s21] =	ssyncadd.s32 $0xFFFFC000  }
0x5b: {  	[hbm4b:s12+s4] =	stream.linear.scatter [tilespmem:s20], [sflag:$0x2], $0x4000, $0x38;
	[tilespmem:$0x1C100] =	vst v63  }
0x5c: {  	_ =	swait.ge [sflag:s21], $0x4000  }
0x5d: {  	[sflag:s21] =	ssyncset.done $0x0  }
0x5e: {  	[sflag:s21] =	ssyncadd.s32 $0xFFFFC000  }
0x5f: {  	[tilespmem:s20], [sflag:$0x2] =	stream.linear.gather [spmem:s8], $0x4000, $0x38;
	[tilespmem:$0x1C100] =	vst v63  }
0x60: {  	_ =	swait.ge [sflag:s21], $0x4000  }
0x61: {  	[sflag:s21] =	ssyncset.done $0x0  }
0x62: {  	[sflag:s21] =	ssyncadd.s32 $0xFFFFC000  }
0x63: {  	[hbm4b:s13+s4] =	stream.linear.scatter [tilespmem:s20], [sflag:$0x2], $0x4000, $0x38;
	[tilespmem:$0x1C100] =	vst v63  }
0x64: {  	_ =	swait.ge [sflag:s21], $0x4000  }
0x65: {  	[sflag:s21] =	ssyncset.done $0x0  }
0x66: {  	[sflag:s21] =	ssyncadd.s32 $0xFFFFC000  }
0x67: {  	[tilespmem:s20], [sflag:$0x2] =	stream.linear.gather [spmem:s9], $0x4000, $0x38;
	[tilespmem:$0x1C100] =	vst v63  }
0x68: {  	_ =	swait.ge [sflag:s21], $0x4000  }
0x69: {  	[sflag:s21] =	ssyncset.done $0x0  }
0x6a: {  	[sflag:s21] =	ssyncadd.s32 $0xFFFFC000  }
0x6b: {  	[hbm4b:s14+s4] =	stream.linear.scatter [tilespmem:s20], [sflag:$0x2], $0x4000, $0x38;
	[tilespmem:$0x1C100] =	vst v63  }
0x6c: {  	_ =	swait.ge [sflag:s21], $0x4000  }
0x6d: {  	[sflag:s21] =	ssyncset.done $0x0  }
0x6e: {  	[sflag:s21] =	ssyncadd.s32 $0xFFFFC000  }
0x6f: {  	[tilespmem:s20], [sflag:$0x2] =	stream.linear.gather [spmem:s10], $0x4000, $0x38;
	[tilespmem:$0x1C100] =	vst v63  }
0x70: {  	_ =	swait.ge [sflag:s21], $0x4000  }
0x71: {  	[sflag:s21] =	ssyncset.done $0x0  }
0x72: {  	[sflag:s21] =	ssyncadd.s32 $0xFFFFC000  }
0x73: {  	[hbm4b:s15+s4] =	stream.linear.scatter [tilespmem:s20], [sflag:$0x2], $0x4000, $0x38;
	[tilespmem:$0x1C100] =	vst v63  }
0x74: {  	_ =	swait.ge [sflag:s21], $0x4000  }
0x75: {  	[sflag:s21] =	ssyncset.done $0x0  }
0x76: {  	[sflag:s21] =	ssyncadd.s32 $0xFFFFC000  }
0x77: {  	[tilespmem:s20], [sflag:$0x2] =	stream.linear.gather [spmem:s11], $0x4000, $0x38;
	[tilespmem:$0x1C100] =	vst v63  }
0x78: {  	s25 =	sadd.s32 $0x1, s25;
	_ =	swait.ge [sflag:s21], $0x4000  }
0x79: {  	p0 =	sne.s32 s25, s17;
	[sflag:s21] =	ssyncset.done $0x0  }
.Ltmp3:
0x7a: {  	[sflag:s21] =	ssyncadd.s32 $0xFFFFC000;
	(pc) =	sbr.rel @p0 .LBB2_1-.Ltmp3, $4  }
0x7b: {  	[hbm4b:s16+s4] =	stream.linear.scatter [tilespmem:s20], [sflag:$0x2], $0x4000, $0x38;
	[tilespmem:$0x1C100] =	vst v63  }
0x7c: {  	_ =	swait.ge [sflag:s21], $0x4000  }
0x7d: {  	[sflag:s21] =	ssyncset.done $0x0  }
0x7e: {  	[sflag:s21] =	ssyncadd.s32 $0xFFFFC000  }
0x7f: {  	_ =	sfence.sel $0x180000  }
0x80: {  	[bflag:$0x0] =	sbarrier.arrive $0xFFFF  }
0x81: {  	p0 =	sne.s32 s3, $0x0;
	_ =	strace $0x90000050  }
0x82: {  	s0 =	sadd.s32 @!p0 $0x100000, s0;
	[bflag:$0x2] =	sbarrier.arrive $0xFFFF  }
0x83: {  	[sflag:s0] =	ssyncadd.tile.s32 @!p0 $0x1;
	_ =	shalt  }
.Lfunc_end2:
_tile_overlayer_lowered:
.L_overlay_start_2:
0x84: {  	(tag) =	ssettag $0x2  }
0x85: {  	s0 =	rddreg [dreg:$0x0];
	s2 =	stileid.u32  }
0x86: {  	s1 =	rddreg [dreg:$0x1];
	p0 =	sne.s32 s2, $0x0  }
0x87: {  	s3 =	rddreg [dreg:$0x2];
	[bflag:$0x3] =	sbarrier.arrive $0xFFFF;
	s2 =	simm.s32 @!p0 $0x1C02  }
0x88: {  	[timem:s3], [sflag:s2] =	dma.local @!p0 [hbm:s0], s1  }
0x89: {  	s0 =	simm.s32 @!p0 $0x2  }
0x8a: {  	_ =	swait.ge @!p0 [sflag:s0], s1  }
0x8b: {  	s1 =	ssub.s32 @!p0 $0x0, s1;
	[sflag:s0] =	ssyncset.done @!p0 $0x0  }
0x8c: {  	[sflag:s0] =	ssyncadd.s32 @!p0 s1  }
0x8d: {  	[bflag:$0x3] =	sbarrier.arrive $0xFFFF  }
0x8e: {  	_ =	shalt  }

</sc_bundles>
